<compile_context>
chip_gen: v7x
topology: tpu7x:2x2x1
jax: 0.10.2.dev20260603
libtpu: 0.0.44.dev20260713+nightly
codegen_flags: <defaults>
</compile_context>

<pallas_src>
import functools

import jax
import jax.numpy as jnp
import numpy as np
from jax import lax
from jax.experimental import pallas as pl
from jax.experimental.pallas import tpu as pltpu
from jax.experimental.pallas import tpu_sc as plsc

_T = 8192
_D = 2048
_DROP_RATIO = 0.1
_NEW_LEN = int(_T * (1.0 - _DROP_RATIO))

_NC = 2
_NS = 16
_NW = _NC * _NS
_CHUNK = 8
_NCHUNK = 29
_B_PER_W = _CHUNK * _NCHUNK
_NBUF = 7
_AHEAD = 4


def _tf2x32(k1, k2, x0, x1):
    rot0 = (13, 15, 26, 6)
    rot1 = (17, 29, 16, 24)
    k1 = np.uint32(k1)
    k2 = np.uint32(k2)
    ks = (k1, k2, np.uint32(k1 ^ k2 ^ np.uint32(0x1BD11BDA)))
    x0 = x0.astype(np.uint32) + ks[0]
    x1 = x1.astype(np.uint32) + ks[1]

    def rnd(x0, x1, r):
        x0 = x0 + x1
        x1 = (x1 << np.uint32(r)) | (x1 >> np.uint32(32 - r))
        return x0, x0 ^ x1

    for i, rots in enumerate((rot0, rot1, rot0, rot1, rot0)):
        for r in rots:
            x0, x1 = rnd(x0, x1, r)
        x0 = x0 + ks[(i + 1) % 3]
        x1 = x1 + ks[(i + 2) % 3] + np.uint32(i + 1)
    return x0, x1


def _split2(k1, k2):
    c1 = np.zeros(2, np.uint32)
    c2 = np.arange(2, dtype=np.uint32)
    b1, b2 = _tf2x32(k1, k2, c1, c2)
    return [(b1[i], b2[i]) for i in range(2)]


def _random_bits_32(k1, k2, n):
    c1 = np.zeros(n, np.uint32)
    c2 = np.arange(n, dtype=np.uint32)
    b1, b2 = _tf2x32(k1, k2, c1, c2)
    return b1 ^ b2


def _permutation_from_seed(seed, n):
    k1 = np.uint32(np.uint64(seed) >> np.uint64(32))
    k2 = np.uint32(seed & 0xFFFFFFFF)
    _, key = _split2(k1, k2)
    x = np.arange(n, dtype=np.int32)
    num_rounds = int(np.ceil(3 * np.log(n) / np.log(2**32 - 1)))
    for _ in range(num_rounds):
        key, subkey = _split2(*key)
        sort_keys = _random_bits_32(subkey[0], subkey[1], n)
        x = x[np.argsort(sort_keys, kind="stable")]
    return x


@functools.lru_cache(maxsize=None)
def _index_tables() -> np.ndarray:
    perm = _permutation_from_seed(42, _T)
    idx = np.sort(perm[:_NEW_LEN]).astype(np.int32)
    bases = np.minimum(np.arange(_NW) * _B_PER_W, _NEW_LEN - _B_PER_W)
    out_rows = (bases[:, None] + np.arange(_B_PER_W)[None, :]).astype(np.int32)
    in_rows = idx[out_rows]
    both = np.stack([in_rows, out_rows], axis=1)
    return both.reshape(_NW, 2 * _NCHUNK, _CHUNK)


def _pipeline(gather, scatter):
    g = {c: gather(c) for c in range(_AHEAD)}
    w = {}
    waited = set()
    for c in range(_NCHUNK):
        g[c].wait()
        w[c] = scatter(c)
        n = c + _AHEAD
        if n < _NCHUNK:
            prev = n - _NBUF
            if prev >= 0:
                w[prev].wait()
                waited.add(prev)
            g[n] = gather(n)
    for c in range(_NCHUNK):
        if c not in waited:
            w[c].wait()


def _gather_body(x_hbm, idx_hbm, out_hbm, idx_v, bufs, gsems, wsems):
    wid = lax.axis_index("s") * _NC + lax.axis_index("c")
    pltpu.sync_copy(idx_hbm.at[wid], idx_v)

    def gather(c):
        return pltpu.async_copy(
            x_hbm.at[idx_v.at[c]], bufs[c % _NBUF], gsems[c % _NBUF])

    def scatter(c):
        return pltpu.async_copy(
            bufs[c % _NBUF], out_hbm.at[idx_v.at[_NCHUNK + c]],
            wsems[c % _NBUF])

    _pipeline(gather, scatter)


@functools.lru_cache(maxsize=None)
def _build_sc_gather():
    @functools.partial(
        pl.kernel,
        out_type=jax.ShapeDtypeStruct((_NEW_LEN, _D), jnp.float32),
        mesh=plsc.VectorSubcoreMesh(core_axis_name="c", subcore_axis_name="s"),
        scratch_types=(
            [pltpu.VMEM((2 * _NCHUNK, _CHUNK), jnp.int32)]
            + [pltpu.VMEM((_CHUNK, _D), jnp.float32)] * _NBUF
            + [pltpu.SemaphoreType.DMA] * (2 * _NBUF)
        ),
    )
    def _sc_gather(x_hbm, idx_hbm, out_hbm, idx_v, *rest):
        bufs = rest[:_NBUF]
        gsems = rest[_NBUF:2 * _NBUF]
        wsems = rest[2 * _NBUF:]
        _gather_body(x_hbm, idx_hbm, out_hbm, idx_v, bufs, gsems, wsems)

    return _sc_gather


def kernel(x):
    return _build_sc_gather()(x, jnp.asarray(_index_tables()))

# --- scband reference (transcript-rebuilt; emitter-appended) ---
"""Pipeline reference for scband-drop-frames-33191507263999 (READ-ONLY COPY).

The authoritative reference and input builder live on the scoring server;
editing this copy changes nothing except your own understanding.
"""

import jax, jax.numpy as jnp
import numpy as np

P = 1.0
DROP_RATIO = 0.1


def setup_inputs(seed: int = 0) -> dict:
    key = jax.random.key(seed)
    x = jax.random.normal(key, (8192, 2048), dtype=jnp.float32)
    return {"x": x}


def reference(x):
    # torch.rand(1) < p gate; with p=1.0 it always fires (uniform in [0,1)).
    key = jax.random.key(42)
    kg, ks = jax.random.split(key)
    gate = jax.random.uniform(kg, ()) < P
    T = x.shape[0]
    new_len = int(T * (1.0 - DROP_RATIO))
    if new_len == 0:
        return x
    # multinomial over uniform weights without replacement == uniform random subset
    perm = jax.random.permutation(ks, T)
    idx = jnp.sort(perm[:new_len])
    idx = jnp.where(gate, idx, jnp.arange(new_len))
    return jnp.take(x, idx, axis=0)

if __name__ == "__main__":
    import jax
    _d = setup_inputs()
    print(jax.jit(kernel)(*tuple(_d.values())))

</pallas_src>

<mosaic_0001>
#map = affine_map<(d0, d1) -> (0, 0)>
#map1 = affine_map<(d0, d1) -> (0, 0, 0)>
module attributes {stable_mosaic.version = 14 : i64} {
  func.func @_sc_gather(%arg0: i32, %arg1: i32, %arg2: memref<8192x2048xf32, #tpu.memory_space<hbm>>, %arg3: memref<32x58x8xi32, #tpu.memory_space<hbm>>, %arg4: memref<7372x2048xf32, #tpu.memory_space<hbm>>, %arg5: memref<58x8xi32, #tpu.memory_space<vmem>>, %arg6: memref<8x2048xf32, #tpu.memory_space<vmem>>, %arg7: memref<8x2048xf32, #tpu.memory_space<vmem>>, %arg8: memref<8x2048xf32, #tpu.memory_space<vmem>>, %arg9: memref<8x2048xf32, #tpu.memory_space<vmem>>, %arg10: memref<8x2048xf32, #tpu.memory_space<vmem>>, %arg11: memref<8x2048xf32, #tpu.memory_space<vmem>>, %arg12: memref<8x2048xf32, #tpu.memory_space<vmem>>, %arg13: memref<!tpu.dma_semaphore, #tpu.memory_space<semaphore_mem>>, %arg14: memref<!tpu.dma_semaphore, #tpu.memory_space<semaphore_mem>>, %arg15: memref<!tpu.dma_semaphore, #tpu.memory_space<semaphore_mem>>, %arg16: memref<!tpu.dma_semaphore, #tpu.memory_space<semaphore_mem>>, %arg17: memref<!tpu.dma_semaphore, #tpu.memory_space<semaphore_mem>>, %arg18: memref<!tpu.dma_semaphore, #tpu.memory_space<semaphore_mem>>, %arg19: memref<!tpu.dma_semaphore, #tpu.memory_space<semaphore_mem>>, %arg20: memref<!tpu.dma_semaphore, #tpu.memory_space<semaphore_mem>>, %arg21: memref<!tpu.dma_semaphore, #tpu.memory_space<semaphore_mem>>, %arg22: memref<!tpu.dma_semaphore, #tpu.memory_space<semaphore_mem>>, %arg23: memref<!tpu.dma_semaphore, #tpu.memory_space<semaphore_mem>>, %arg24: memref<!tpu.dma_semaphore, #tpu.memory_space<semaphore_mem>>, %arg25: memref<!tpu.dma_semaphore, #tpu.memory_space<semaphore_mem>>, %arg26: memref<!tpu.dma_semaphore, #tpu.memory_space<semaphore_mem>>) attributes {dimension_semantics = [#tpu.dimension_semantics<core_parallel>, #tpu.dimension_semantics<subcore_parallel>], iteration_bounds = array<i64: 2, 16>, scalar_prefetch = 0 : i64, scratch_operands = 22 : i64, tpu.core_type = #tpu.core_type<sc_vector_subcore>, window_params = [{transform_indices = #map}, {transform_indices = #map1}, {transform_indices = #map}]} {
    %mul3A = arith.constant 2 : i32
    %mul3A_0 = arith.muli %arg1, %mul3A : i32
    %add3A = arith.addi %mul3A_0, %arg0 : i32
    "tpu.region"() ({
      %run_scoped3A = tpu.sem_alloc : memref<!tpu.dma_semaphore, #tpu.memory_space<semaphore_mem>>
      %dma_start3A_811 = arith.constant 0 : i32
      %dma_start3A_812 = arith.constant 0 : i32
      %dma_start3A_813 = tpu.memref_slice %arg3[%add3A, %dma_start3A_811, %dma_start3A_812] : memref<32x58x8xi32, #tpu.memory_space<hbm>> -> memref<1x58x8xi32, #tpu.memory_space<hbm>>
      %dma_start3A_814 = tpu.memref_squeeze %dma_start3A_813 : memref<1x58x8xi32, #tpu.memory_space<hbm>> -> memref<58x8xi32, #tpu.memory_space<hbm>>
      %dma_start3A_815 = arith.constant 0 : i32
      %dma_start3A_816 = arith.constant 0 : i32
      %dma_start3A_817 = tpu.memref_slice %arg3[%add3A, %dma_start3A_815, %dma_start3A_816] : memref<32x58x8xi32, #tpu.memory_space<hbm>> -> memref<1x58x8xi32, #tpu.memory_space<hbm>>
      %dma_start3A_818 = tpu.memref_squeeze %dma_start3A_817 : memref<1x58x8xi32, #tpu.memory_space<hbm>> -> memref<58x8xi32, #tpu.memory_space<hbm>>
      tpu.enqueue_dma source(%dma_start3A_818 : memref<58x8xi32, #tpu.memory_space<hbm>>) target(%arg5 : memref<58x8xi32, #tpu.memory_space<vmem>>) target_semaphore(%run_scoped3A : memref<!tpu.dma_semaphore, #tpu.memory_space<semaphore_mem>>)
      %dma_wait3A_819 = arith.constant 0 : i32
      %dma_wait3A_820 = arith.constant 0 : i32
      %dma_wait3A_821 = tpu.memref_slice %arg3[%add3A, %dma_wait3A_819, %dma_wait3A_820] : memref<32x58x8xi32, #tpu.memory_space<hbm>> -> memref<1x58x8xi32, #tpu.memory_space<hbm>>
      %dma_wait3A_822 = tpu.memref_squeeze %dma_wait3A_821 : memref<1x58x8xi32, #tpu.memory_space<hbm>> -> memref<58x8xi32, #tpu.memory_space<hbm>>
      %dma_wait3A_823 = arith.constant 0 : i32
      %dma_wait3A_824 = arith.constant 0 : i32
      %dma_wait3A_825 = tpu.memref_slice %arg3[%add3A, %dma_wait3A_823, %dma_wait3A_824] : memref<32x58x8xi32, #tpu.memory_space<hbm>> -> memref<1x58x8xi32, #tpu.memory_space<hbm>>
      %dma_wait3A_826 = tpu.memref_squeeze %dma_wait3A_825 : memref<1x58x8xi32, #tpu.memory_space<hbm>> -> memref<58x8xi32, #tpu.memory_space<hbm>>
      tpu.wait_dma2 semaphore(%run_scoped3A : memref<!tpu.dma_semaphore, #tpu.memory_space<semaphore_mem>>) src(%dma_wait3A_826 : memref<58x8xi32, #tpu.memory_space<hbm>>) dst(%arg5 : memref<58x8xi32, #tpu.memory_space<vmem>>)
      tpu.yield
    }) : () -> ()
    %dma_start3A = arith.constant 0 : i32
    %dma_start3A_1 = arith.constant 0 : i32
    %dma_start3A_2 = tpu.memref_slice %arg5[%dma_start3A, %dma_start3A_1] : memref<58x8xi32, #tpu.memory_space<vmem>> -> memref<1x8xi32, #tpu.memory_space<vmem>>
    %dma_start3A_3 = tpu.memref_squeeze %dma_start3A_2 : memref<1x8xi32, #tpu.memory_space<vmem>> -> memref<8xi32, #tpu.memory_space<vmem>>
    %dma_start3A_4 = arith.constant 0 : i32
    %dma_start3A_5 = arith.constant 0 : i32
    %dma_start3A_6 = tpu.memref_slice %arg2[%dma_start3A_4, %dma_start3A_5] : memref<8192x2048xf32, #tpu.memory_space<hbm>> -> memref<8192x2048xf32, #tpu.memory_space<hbm>>
    tpu.enqueue_indirect_dma source(%dma_start3A_6 : memref<8192x2048xf32, #tpu.memory_space<hbm>>) target(%arg6 : memref<8x2048xf32, #tpu.memory_space<vmem>>) offsets(%dma_start3A_3 : memref<8xi32, #tpu.memory_space<vmem>>) semaphore(%arg13 : memref<!tpu.dma_semaphore, #tpu.memory_space<semaphore_mem>>)
    %dma_start3A_7 = arith.constant 1 : i32
    %dma_start3A_8 = arith.constant 0 : i32
    %dma_start3A_9 = tpu.memref_slice %arg5[%dma_start3A_7, %dma_start3A_8] : memref<58x8xi32, #tpu.memory_space<vmem>> -> memref<1x8xi32, #tpu.memory_space<vmem>>
    %dma_start3A_10 = tpu.memref_squeeze %dma_start3A_9 : memref<1x8xi32, #tpu.memory_space<vmem>> -> memref<8xi32, #tpu.memory_space<vmem>>
    %dma_start3A_11 = arith.constant 0 : i32
    %dma_start3A_12 = arith.constant 0 : i32
    %dma_start3A_13 = tpu.memref_slice %arg2[%dma_start3A_11, %dma_start3A_12] : memref<8192x2048xf32, #tpu.memory_space<hbm>> -> memref<8192x2048xf32, #tpu.memory_space<hbm>>
    tpu.enqueue_indirect_dma source(%dma_start3A_13 : memref<8192x2048xf32, #tpu.memory_space<hbm>>) target(%arg7 : memref<8x2048xf32, #tpu.memory_space<vmem>>) offsets(%dma_start3A_10 : memref<8xi32, #tpu.memory_space<vmem>>) semaphore(%arg14 : memref<!tpu.dma_semaphore, #tpu.memory_space<semaphore_mem>>)
    %dma_start3A_14 = arith.constant 2 : i32
    %dma_start3A_15 = arith.constant 0 : i32
    %dma_start3A_16 = tpu.memref_slice %arg5[%dma_start3A_14, %dma_start3A_15] : memref<58x8xi32, #tpu.memory_space<vmem>> -> memref<1x8xi32, #tpu.memory_space<vmem>>
    %dma_start3A_17 = tpu.memref_squeeze %dma_start3A_16 : memref<1x8xi32, #tpu.memory_space<vmem>> -> memref<8xi32, #tpu.memory_space<vmem>>
    %dma_start3A_18 = arith.constant 0 : i32
    %dma_start3A_19 = arith.constant 0 : i32
    %dma_start3A_20 = tpu.memref_slice %arg2[%dma_start3A_18, %dma_start3A_19] : memref<8192x2048xf32, #tpu.memory_space<hbm>> -> memref<8192x2048xf32, #tpu.memory_space<hbm>>
    tpu.enqueue_indirect_dma source(%dma_start3A_20 : memref<8192x2048xf32, #tpu.memory_space<hbm>>) target(%arg8 : memref<8x2048xf32, #tpu.memory_space<vmem>>) offsets(%dma_start3A_17 : memref<8xi32, #tpu.memory_space<vmem>>) semaphore(%arg15 : memref<!tpu.dma_semaphore, #tpu.memory_space<semaphore_mem>>)
    %dma_start3A_21 = arith.constant 3 : i32
    %dma_start3A_22 = arith.constant 0 : i32
    %dma_start3A_23 = tpu.memref_slice %arg5[%dma_start3A_21, %dma_start3A_22] : memref<58x8xi32, #tpu.memory_space<vmem>> -> memref<1x8xi32, #tpu.memory_space<vmem>>
    %dma_start3A_24 = tpu.memref_squeeze %dma_start3A_23 : memref<1x8xi32, #tpu.memory_space<vmem>> -> memref<8xi32, #tpu.memory_space<vmem>>
    %dma_start3A_25 = arith.constant 0 : i32
    %dma_start3A_26 = arith.constant 0 : i32
    %dma_start3A_27 = tpu.memref_slice %arg2[%dma_start3A_25, %dma_start3A_26] : memref<8192x2048xf32, #tpu.memory_space<hbm>> -> memref<8192x2048xf32, #tpu.memory_space<hbm>>
    tpu.enqueue_indirect_dma source(%dma_start3A_27 : memref<8192x2048xf32, #tpu.memory_space<hbm>>) target(%arg9 : memref<8x2048xf32, #tpu.memory_space<vmem>>) offsets(%dma_start3A_24 : memref<8xi32, #tpu.memory_space<vmem>>) semaphore(%arg16 : memref<!tpu.dma_semaphore, #tpu.memory_space<semaphore_mem>>)
    %dma_wait3A = arith.constant 0 : i32
    %dma_wait3A_28 = arith.constant 0 : i32
    %dma_wait3A_29 = tpu.memref_slice %arg5[%dma_wait3A, %dma_wait3A_28] : memref<58x8xi32, #tpu.memory_space<vmem>> -> memref<1x8xi32, #tpu.memory_space<vmem>>
    %dma_wait3A_30 = tpu.memref_squeeze %dma_wait3A_29 : memref<1x8xi32, #tpu.memory_space<vmem>> -> memref<8xi32, #tpu.memory_space<vmem>>
    %dma_wait3A_31 = arith.constant 0 : i32
    %dma_wait3A_32 = arith.constant 0 : i32
    %dma_wait3A_33 = tpu.memref_slice %arg2[%dma_wait3A_31, %dma_wait3A_32] : memref<8192x2048xf32, #tpu.memory_space<hbm>> -> memref<8192x2048xf32, #tpu.memory_space<hbm>>
    tpu.wait_indirect_dma semaphore(%arg13 : memref<!tpu.dma_semaphore, #tpu.memory_space<semaphore_mem>>) src(%dma_wait3A_33 : memref<8192x2048xf32, #tpu.memory_space<hbm>>) dst(%arg6 : memref<8x2048xf32, #tpu.memory_space<vmem>>)
    %dma_start3A_34 = arith.constant 29 : i32
    %dma_start3A_35 = arith.constant 0 : i32
    %dma_start3A_36 = tpu.memref_slice %arg5[%dma_start3A_34, %dma_start3A_35] : memref<58x8xi32, #tpu.memory_space<vmem>> -> memref<1x8xi32, #tpu.memory_space<vmem>>
    %dma_start3A_37 = tpu.memref_squeeze %dma_start3A_36 : memref<1x8xi32, #tpu.memory_space<vmem>> -> memref<8xi32, #tpu.memory_space<vmem>>
    %dma_start3A_38 = arith.constant 0 : i32
    %dma_start3A_39 = arith.constant 0 : i32
    %dma_start3A_40 = tpu.memref_slice %arg4[%dma_start3A_38, %dma_start3A_39] : memref<7372x2048xf32, #tpu.memory_space<hbm>> -> memref<7372x2048xf32, #tpu.memory_space<hbm>>
    tpu.enqueue_indirect_dma source(%arg6 : memref<8x2048xf32, #tpu.memory_space<vmem>>) target(%dma_start3A_40 : memref<7372x2048xf32, #tpu.memory_space<hbm>>) offsets(%dma_start3A_37 : memref<8xi32, #tpu.memory_space<vmem>>) semaphore(%arg20 : memref<!tpu.dma_semaphore, #tpu.memory_space<semaphore_mem>>)
    %dma_start3A_41 = arith.constant 4 : i32
    %dma_start3A_42 = arith.constant 0 : i32
    %dma_start3A_43 = tpu.memref_slice %arg5[%dma_start3A_41, %dma_start3A_42] : memref<58x8xi32, #tpu.memory_space<vmem>> -> memref<1x8xi32, #tpu.memory_space<vmem>>
    %dma_start3A_44 = tpu.memref_squeeze %dma_start3A_43 : memref<1x8xi32, #tpu.memory_space<vmem>> -> memref<8xi32, #tpu.memory_space<vmem>>
    %dma_start3A_45 = arith.constant 0 : i32
    %dma_start3A_46 = arith.constant 0 : i32
    %dma_start3A_47 = tpu.memref_slice %arg2[%dma_start3A_45, %dma_start3A_46] : memref<8192x2048xf32, #tpu.memory_space<hbm>> -> memref<8192x2048xf32, #tpu.memory_space<hbm>>
    tpu.enqueue_indirect_dma source(%dma_start3A_47 : memref<8192x2048xf32, #tpu.memory_space<hbm>>) target(%arg10 : memref<8x2048xf32, #tpu.memory_space<vmem>>) offsets(%dma_start3A_44 : memref<8xi32, #tpu.memory_space<vmem>>) semaphore(%arg17 : memref<!tpu.dma_semaphore, #tpu.memory_space<semaphore_mem>>)
    %dma_wait3A_48 = arith.constant 1 : i32
    %dma_wait3A_49 = arith.constant 0 : i32
    %dma_wait3A_50 = tpu.memref_slice %arg5[%dma_wait3A_48, %dma_wait3A_49] : memref<58x8xi32, #tpu.memory_space<vmem>> -> memref<1x8xi32, #tpu.memory_space<vmem>>
    %dma_wait3A_51 = tpu.memref_squeeze %dma_wait3A_50 : memref<1x8xi32, #tpu.memory_space<vmem>> -> memref<8xi32, #tpu.memory_space<vmem>>
    %dma_wait3A_52 = arith.constant 0 : i32
    %dma_wait3A_53 = arith.constant 0 : i32
    %dma_wait3A_54 = tpu.memref_slice %arg2[%dma_wait3A_52, %dma_wait3A_53] : memref<8192x2048xf32, #tpu.memory_space<hbm>> -> memref<8192x2048xf32, #tpu.memory_space<hbm>>
    tpu.wait_indirect_dma semaphore(%arg14 : memref<!tpu.dma_semaphore, #tpu.memory_space<semaphore_mem>>) src(%dma_wait3A_54 : memref<8192x2048xf32, #tpu.memory_space<hbm>>) dst(%arg7 : memref<8x2048xf32, #tpu.memory_space<vmem>>)
    %dma_start3A_55 = arith.constant 30 : i32
    %dma_start3A_56 = arith.constant 0 : i32
    %dma_start3A_57 = tpu.memref_slice %arg5[%dma_start3A_55, %dma_start3A_56] : memref<58x8xi32, #tpu.memory_space<vmem>> -> memref<1x8xi32, #tpu.memory_space<vmem>>
    %dma_start3A_58 = tpu.memref_squeeze %dma_start3A_57 : memref<1x8xi32, #tpu.memory_space<vmem>> -> memref<8xi32, #tpu.memory_space<vmem>>
    %dma_start3A_59 = arith.constant 0 : i32
    %dma_start3A_60 = arith.constant 0 : i32
    %dma_start3A_61 = tpu.memref_slice %arg4[%dma_start3A_59, %dma_start3A_60] : memref<7372x2048xf32, #tpu.memory_space<hbm>> -> memref<7372x2048xf32, #tpu.memory_space<hbm>>
    tpu.enqueue_indirect_dma source(%arg7 : memref<8x2048xf32, #tpu.memory_space<vmem>>) target(%dma_start3A_61 : memref<7372x2048xf32, #tpu.memory_space<hbm>>) offsets(%dma_start3A_58 : memref<8xi32, #tpu.memory_space<vmem>>) semaphore(%arg21 : memref<!tpu.dma_semaphore, #tpu.memory_space<semaphore_mem>>)
    %dma_start3A_62 = arith.constant 5 : i32
    %dma_start3A_63 = arith.constant 0 : i32
    %dma_start3A_64 = tpu.memref_slice %arg5[%dma_start3A_62, %dma_start3A_63] : memref<58x8xi32, #tpu.memory_space<vmem>> -> memref<1x8xi32, #tpu.memory_space<vmem>>
    %dma_start3A_65 = tpu.memref_squeeze %dma_start3A_64 : memref<1x8xi32, #tpu.memory_space<vmem>> -> memref<8xi32, #tpu.memory_space<vmem>>
    %dma_start3A_66 = arith.constant 0 : i32
    %dma_start3A_67 = arith.constant 0 : i32
    %dma_start3A_68 = tpu.memref_slice %arg2[%dma_start3A_66, %dma_start3A_67] : memref<8192x2048xf32, #tpu.memory_space<hbm>> -> memref<8192x2048xf32, #tpu.memory_space<hbm>>
    tpu.enqueue_indirect_dma source(%dma_start3A_68 : memref<8192x2048xf32, #tpu.memory_space<hbm>>) target(%arg11 : memref<8x2048xf32, #tpu.memory_space<vmem>>) offsets(%dma_start3A_65 : memref<8xi32, #tpu.memory_space<vmem>>) semaphore(%arg18 : memref<!tpu.dma_semaphore, #tpu.memory_space<semaphore_mem>>)
    %dma_wait3A_69 = arith.constant 2 : i32
    %dma_wait3A_70 = arith.constant 0 : i32
    %dma_wait3A_71 = tpu.memref_slice %arg5[%dma_wait3A_69, %dma_wait3A_70] : memref<58x8xi32, #tpu.memory_space<vmem>> -> memref<1x8xi32, #tpu.memory_space<vmem>>
    %dma_wait3A_72 = tpu.memref_squeeze %dma_wait3A_71 : memref<1x8xi32, #tpu.memory_space<vmem>> -> memref<8xi32, #tpu.memory_space<vmem>>
    %dma_wait3A_73 = arith.constant 0 : i32
    %dma_wait3A_74 = arith.constant 0 : i32
    %dma_wait3A_75 = tpu.memref_slice %arg2[%dma_wait3A_73, %dma_wait3A_74] : memref<8192x2048xf32, #tpu.memory_space<hbm>> -> memref<8192x2048xf32, #tpu.memory_space<hbm>>
    tpu.wait_indirect_dma semaphore(%arg15 : memref<!tpu.dma_semaphore, #tpu.memory_space<semaphore_mem>>) src(%dma_wait3A_75 : memref<8192x2048xf32, #tpu.memory_space<hbm>>) dst(%arg8 : memref<8x2048xf32, #tpu.memory_space<vmem>>)
    %dma_start3A_76 = arith.constant 31 : i32
    %dma_start3A_77 = arith.constant 0 : i32
    %dma_start3A_78 = tpu.memref_slice %arg5[%dma_start3A_76, %dma_start3A_77] : memref<58x8xi32, #tpu.memory_space<vmem>> -> memref<1x8xi32, #tpu.memory_space<vmem>>
    %dma_start3A_79 = tpu.memref_squeeze %dma_start3A_78 : memref<1x8xi32, #tpu.memory_space<vmem>> -> memref<8xi32, #tpu.memory_space<vmem>>
    %dma_start3A_80 = arith.constant 0 : i32
    %dma_start3A_81 = arith.constant 0 : i32
    %dma_start3A_82 = tpu.memref_slice %arg4[%dma_start3A_80, %dma_start3A_81] : memref<7372x2048xf32, #tpu.memory_space<hbm>> -> memref<7372x2048xf32, #tpu.memory_space<hbm>>
    tpu.enqueue_indirect_dma source(%arg8 : memref<8x2048xf32, #tpu.memory_space<vmem>>) target(%dma_start3A_82 : memref<7372x2048xf32, #tpu.memory_space<hbm>>) offsets(%dma_start3A_79 : memref<8xi32, #tpu.memory_space<vmem>>) semaphore(%arg22 : memref<!tpu.dma_semaphore, #tpu.memory_space<semaphore_mem>>)
    %dma_start3A_83 = arith.constant 6 : i32
    %dma_start3A_84 = arith.constant 0 : i32
    %dma_start3A_85 = tpu.memref_slice %arg5[%dma_start3A_83, %dma_start3A_84] : memref<58x8xi32, #tpu.memory_space<vmem>> -> memref<1x8xi32, #tpu.memory_space<vmem>>
    %dma_start3A_86 = tpu.memref_squeeze %dma_start3A_85 : memref<1x8xi32, #tpu.memory_space<vmem>> -> memref<8xi32, #tpu.memory_space<vmem>>
    %dma_start3A_87 = arith.constant 0 : i32
    %dma_start3A_88 = arith.constant 0 : i32
    %dma_start3A_89 = tpu.memref_slice %arg2[%dma_start3A_87, %dma_start3A_88] : memref<8192x2048xf32, #tpu.memory_space<hbm>> -> memref<8192x2048xf32, #tpu.memory_space<hbm>>
    tpu.enqueue_indirect_dma source(%dma_start3A_89 : memref<8192x2048xf32, #tpu.memory_space<hbm>>) target(%arg12 : memref<8x2048xf32, #tpu.memory_space<vmem>>) offsets(%dma_start3A_86 : memref<8xi32, #tpu.memory_space<vmem>>) semaphore(%arg19 : memref<!tpu.dma_semaphore, #tpu.memory_space<semaphore_mem>>)
    %dma_wait3A_90 = arith.constant 3 : i32
    %dma_wait3A_91 = arith.constant 0 : i32
    %dma_wait3A_92 = tpu.memref_slice %arg5[%dma_wait3A_90, %dma_wait3A_91] : memref<58x8xi32, #tpu.memory_space<vmem>> -> memref<1x8xi32, #tpu.memory_space<vmem>>
    %dma_wait3A_93 = tpu.memref_squeeze %dma_wait3A_92 : memref<1x8xi32, #tpu.memory_space<vmem>> -> memref<8xi32, #tpu.memory_space<vmem>>
    %dma_wait3A_94 = arith.constant 0 : i32
    %dma_wait3A_95 = arith.constant 0 : i32
    %dma_wait3A_96 = tpu.memref_slice %arg2[%dma_wait3A_94, %dma_wait3A_95] : memref<8192x2048xf32, #tpu.memory_space<hbm>> -> memref<8192x2048xf32, #tpu.memory_space<hbm>>
    tpu.wait_indirect_dma semaphore(%arg16 : memref<!tpu.dma_semaphore, #tpu.memory_space<semaphore_mem>>) src(%dma_wait3A_96 : memref<8192x2048xf32, #tpu.memory_space<hbm>>) dst(%arg9 : memref<8x2048xf32, #tpu.memory_space<vmem>>)
    %dma_start3A_97 = arith.constant 32 : i32
    %dma_start3A_98 = arith.constant 0 : i32
    %dma_start3A_99 = tpu.memref_slice %arg5[%dma_start3A_97, %dma_start3A_98] : memref<58x8xi32, #tpu.memory_space<vmem>> -> memref<1x8xi32, #tpu.memory_space<vmem>>
    %dma_start3A_100 = tpu.memref_squeeze %dma_start3A_99 : memref<1x8xi32, #tpu.memory_space<vmem>> -> memref<8xi32, #tpu.memory_space<vmem>>
    %dma_start3A_101 = arith.constant 0 : i32
    %dma_start3A_102 = arith.constant 0 : i32
    %dma_start3A_103 = tpu.memref_slice %arg4[%dma_start3A_101, %dma_start3A_102] : memref<7372x2048xf32, #tpu.memory_space<hbm>> -> memref<7372x2048xf32, #tpu.memory_space<hbm>>
    tpu.enqueue_indirect_dma source(%arg9 : memref<8x2048xf32, #tpu.memory_space<vmem>>) target(%dma_start3A_103 : memref<7372x2048xf32, #tpu.memory_space<hbm>>) offsets(%dma_start3A_100 : memref<8xi32, #tpu.memory_space<vmem>>) semaphore(%arg23 : memref<!tpu.dma_semaphore, #tpu.memory_space<semaphore_mem>>)
    %dma_wait3A_104 = arith.constant 29 : i32
    %dma_wait3A_105 = arith.constant 0 : i32
    %dma_wait3A_106 = tpu.memref_slice %arg5[%dma_wait3A_104, %dma_wait3A_105] : memref<58x8xi32, #tpu.memory_space<vmem>> -> memref<1x8xi32, #tpu.memory_space<vmem>>
    %dma_wait3A_107 = tpu.memref_squeeze %dma_wait3A_106 : memref<1x8xi32, #tpu.memory_space<vmem>> -> memref<8xi32, #tpu.memory_space<vmem>>
    %dma_wait3A_108 = arith.constant 0 : i32
    %dma_wait3A_109 = arith.constant 0 : i32
    %dma_wait3A_110 = tpu.memref_slice %arg4[%dma_wait3A_108, %dma_wait3A_109] : memref<7372x2048xf32, #tpu.memory_space<hbm>> -> memref<7372x2048xf32, #tpu.memory_space<hbm>>
    tpu.wait_indirect_dma semaphore(%arg20 : memref<!tpu.dma_semaphore, #tpu.memory_space<semaphore_mem>>) src(%arg6 : memref<8x2048xf32, #tpu.memory_space<vmem>>) dst(%dma_wait3A_110 : memref<7372x2048xf32, #tpu.memory_space<hbm>>)
    %dma_start3A_111 = arith.constant 7 : i32
    %dma_start3A_112 = arith.constant 0 : i32
    %dma_start3A_113 = tpu.memref_slice %arg5[%dma_start3A_111, %dma_start3A_112] : memref<58x8xi32, #tpu.memory_space<vmem>> -> memref<1x8xi32, #tpu.memory_space<vmem>>
    %dma_start3A_114 = tpu.memref_squeeze %dma_start3A_113 : memref<1x8xi32, #tpu.memory_space<vmem>> -> memref<8xi32, #tpu.memory_space<vmem>>
    %dma_start3A_115 = arith.constant 0 : i32
    %dma_start3A_116 = arith.constant 0 : i32
    %dma_start3A_117 = tpu.memref_slice %arg2[%dma_start3A_115, %dma_start3A_116] : memref<8192x2048xf32, #tpu.memory_space<hbm>> -> memref<8192x2048xf32, #tpu.memory_space<hbm>>
    tpu.enqueue_indirect_dma source(%dma_start3A_117 : memref<8192x2048xf32, #tpu.memory_space<hbm>>) target(%arg6 : memref<8x2048xf32, #tpu.memory_space<vmem>>) offsets(%dma_start3A_114 : memref<8xi32, #tpu.memory_space<vmem>>) semaphore(%arg13 : memref<!tpu.dma_semaphore, #tpu.memory_space<semaphore_mem>>)
    %dma_wait3A_118 = arith.constant 4 : i32
    %dma_wait3A_119 = arith.constant 0 : i32
    %dma_wait3A_120 = tpu.memref_slice %arg5[%dma_wait3A_118, %dma_wait3A_119] : memref<58x8xi32, #tpu.memory_space<vmem>> -> memref<1x8xi32, #tpu.memory_space<vmem>>
    %dma_wait3A_121 = tpu.memref_squeeze %dma_wait3A_120 : memref<1x8xi32, #tpu.memory_space<vmem>> -> memref<8xi32, #tpu.memory_space<vmem>>
    %dma_wait3A_122 = arith.constant 0 : i32
    %dma_wait3A_123 = arith.constant 0 : i32
    %dma_wait3A_124 = tpu.memref_slice %arg2[%dma_wait3A_122, %dma_wait3A_123] : memref<8192x2048xf32, #tpu.memory_space<hbm>> -> memref<8192x2048xf32, #tpu.memory_space<hbm>>
    tpu.wait_indirect_dma semaphore(%arg17 : memref<!tpu.dma_semaphore, #tpu.memory_space<semaphore_mem>>) src(%dma_wait3A_124 : memref<8192x2048xf32, #tpu.memory_space<hbm>>) dst(%arg10 : memref<8x2048xf32, #tpu.memory_space<vmem>>)
    %dma_start3A_125 = arith.constant 33 : i32
    %dma_start3A_126 = arith.constant 0 : i32
    %dma_start3A_127 = tpu.memref_slice %arg5[%dma_start3A_125, %dma_start3A_126] : memref<58x8xi32, #tpu.memory_space<vmem>> -> memref<1x8xi32, #tpu.memory_space<vmem>>
    %dma_start3A_128 = tpu.memref_squeeze %dma_start3A_127 : memref<1x8xi32, #tpu.memory_space<vmem>> -> memref<8xi32, #tpu.memory_space<vmem>>
    %dma_start3A_129 = arith.constant 0 : i32
    %dma_start3A_130 = arith.constant 0 : i32
    %dma_start3A_131 = tpu.memref_slice %arg4[%dma_start3A_129, %dma_start3A_130] : memref<7372x2048xf32, #tpu.memory_space<hbm>> -> memref<7372x2048xf32, #tpu.memory_space<hbm>>
    tpu.enqueue_indirect_dma source(%arg10 : memref<8x2048xf32, #tpu.memory_space<vmem>>) target(%dma_start3A_131 : memref<7372x2048xf32, #tpu.memory_space<hbm>>) offsets(%dma_start3A_128 : memref<8xi32, #tpu.memory_space<vmem>>) semaphore(%arg24 : memref<!tpu.dma_semaphore, #tpu.memory_space<semaphore_mem>>)
    %dma_wait3A_132 = arith.constant 30 : i32
    %dma_wait3A_133 = arith.constant 0 : i32
    %dma_wait3A_134 = tpu.memref_slice %arg5[%dma_wait3A_132, %dma_wait3A_133] : memref<58x8xi32, #tpu.memory_space<vmem>> -> memref<1x8xi32, #tpu.memory_space<vmem>>
    %dma_wait3A_135 = tpu.memref_squeeze %dma_wait3A_134 : memref<1x8xi32, #tpu.memory_space<vmem>> -> memref<8xi32, #tpu.memory_space<vmem>>
    %dma_wait3A_136 = arith.constant 0 : i32
    %dma_wait3A_137 = arith.constant 0 : i32
    %dma_wait3A_138 = tpu.memref_slice %arg4[%dma_wait3A_136, %dma_wait3A_137] : memref<7372x2048xf32, #tpu.memory_space<hbm>> -> memref<7372x2048xf32, #tpu.memory_space<hbm>>
    tpu.wait_indirect_dma semaphore(%arg21 : memref<!tpu.dma_semaphore, #tpu.memory_space<semaphore_mem>>) src(%arg7 : memref<8x2048xf32, #tpu.memory_space<vmem>>) dst(%dma_wait3A_138 : memref<7372x2048xf32, #tpu.memory_space<hbm>>)
    %dma_start3A_139 = arith.constant 8 : i32
    %dma_start3A_140 = arith.constant 0 : i32
    %dma_start3A_141 = tpu.memref_slice %arg5[%dma_start3A_139, %dma_start3A_140] : memref<58x8xi32, #tpu.memory_space<vmem>> -> memref<1x8xi32, #tpu.memory_space<vmem>>
    %dma_start3A_142 = tpu.memref_squeeze %dma_start3A_141 : memref<1x8xi32, #tpu.memory_space<vmem>> -> memref<8xi32, #tpu.memory_space<vmem>>
    %dma_start3A_143 = arith.constant 0 : i32
    %dma_start3A_144 = arith.constant 0 : i32
    %dma_start3A_145 = tpu.memref_slice %arg2[%dma_start3A_143, %dma_start3A_144] : memref<8192x2048xf32, #tpu.memory_space<hbm>> -> memref<8192x2048xf32, #tpu.memory_space<hbm>>
    tpu.enqueue_indirect_dma source(%dma_start3A_145 : memref<8192x2048xf32, #tpu.memory_space<hbm>>) target(%arg7 : memref<8x2048xf32, #tpu.memory_space<vmem>>) offsets(%dma_start3A_142 : memref<8xi32, #tpu.memory_space<vmem>>) semaphore(%arg14 : memref<!tpu.dma_semaphore, #tpu.memory_space<semaphore_mem>>)
    %dma_wait3A_146 = arith.constant 5 : i32
    %dma_wait3A_147 = arith.constant 0 : i32
    %dma_wait3A_148 = tpu.memref_slice %arg5[%dma_wait3A_146, %dma_wait3A_147] : memref<58x8xi32, #tpu.memory_space<vmem>> -> memref<1x8xi32, #tpu.memory_space<vmem>>
    %dma_wait3A_149 = tpu.memref_squeeze %dma_wait3A_148 : memref<1x8xi32, #tpu.memory_space<vmem>> -> memref<8xi32, #tpu.memory_space<vmem>>
    %dma_wait3A_150 = arith.constant 0 : i32
    %dma_wait3A_151 = arith.constant 0 : i32
    %dma_wait3A_152 = tpu.memref_slice %arg2[%dma_wait3A_150, %dma_wait3A_151] : memref<8192x2048xf32, #tpu.memory_space<hbm>> -> memref<8192x2048xf32, #tpu.memory_space<hbm>>
    tpu.wait_indirect_dma semaphore(%arg18 : memref<!tpu.dma_semaphore, #tpu.memory_space<semaphore_mem>>) src(%dma_wait3A_152 : memref<8192x2048xf32, #tpu.memory_space<hbm>>) dst(%arg11 : memref<8x2048xf32, #tpu.memory_space<vmem>>)
    %dma_start3A_153 = arith.constant 34 : i32
    %dma_start3A_154 = arith.constant 0 : i32
    %dma_start3A_155 = tpu.memref_slice %arg5[%dma_start3A_153, %dma_start3A_154] : memref<58x8xi32, #tpu.memory_space<vmem>> -> memref<1x8xi32, #tpu.memory_space<vmem>>
    %dma_start3A_156 = tpu.memref_squeeze %dma_start3A_155 : memref<1x8xi32, #tpu.memory_space<vmem>> -> memref<8xi32, #tpu.memory_space<vmem>>
    %dma_start3A_157 = arith.constant 0 : i32
    %dma_start3A_158 = arith.constant 0 : i32
    %dma_start3A_159 = tpu.memref_slice %arg4[%dma_start3A_157, %dma_start3A_158] : memref<7372x2048xf32, #tpu.memory_space<hbm>> -> memref<7372x2048xf32, #tpu.memory_space<hbm>>
    tpu.enqueue_indirect_dma source(%arg11 : memref<8x2048xf32, #tpu.memory_space<vmem>>) target(%dma_start3A_159 : memref<7372x2048xf32, #tpu.memory_space<hbm>>) offsets(%dma_start3A_156 : memref<8xi32, #tpu.memory_space<vmem>>) semaphore(%arg25 : memref<!tpu.dma_semaphore, #tpu.memory_space<semaphore_mem>>)
    %dma_wait3A_160 = arith.constant 31 : i32
    %dma_wait3A_161 = arith.constant 0 : i32
    %dma_wait3A_162 = tpu.memref_slice %arg5[%dma_wait3A_160, %dma_wait3A_161] : memref<58x8xi32, #tpu.memory_space<vmem>> -> memref<1x8xi32, #tpu.memory_space<vmem>>
    %dma_wait3A_163 = tpu.memref_squeeze %dma_wait3A_162 : memref<1x8xi32, #tpu.memory_space<vmem>> -> memref<8xi32, #tpu.memory_space<vmem>>
    %dma_wait3A_164 = arith.constant 0 : i32
    %dma_wait3A_165 = arith.constant 0 : i32
    %dma_wait3A_166 = tpu.memref_slice %arg4[%dma_wait3A_164, %dma_wait3A_165] : memref<7372x2048xf32, #tpu.memory_space<hbm>> -> memref<7372x2048xf32, #tpu.memory_space<hbm>>
    tpu.wait_indirect_dma semaphore(%arg22 : memref<!tpu.dma_semaphore, #tpu.memory_space<semaphore_mem>>) src(%arg8 : memref<8x2048xf32, #tpu.memory_space<vmem>>) dst(%dma_wait3A_166 : memref<7372x2048xf32, #tpu.memory_space<hbm>>)
    %dma_start3A_167 = arith.constant 9 : i32
    %dma_start3A_168 = arith.constant 0 : i32
    %dma_start3A_169 = tpu.memref_slice %arg5[%dma_start3A_167, %dma_start3A_168] : memref<58x8xi32, #tpu.memory_space<vmem>> -> memref<1x8xi32, #tpu.memory_space<vmem>>
    %dma_start3A_170 = tpu.memref_squeeze %dma_start3A_169 : memref<1x8xi32, #tpu.memory_space<vmem>> -> memref<8xi32, #tpu.memory_space<vmem>>
    %dma_start3A_171 = arith.constant 0 : i32
    %dma_start3A_172 = arith.constant 0 : i32
    %dma_start3A_173 = tpu.memref_slice %arg2[%dma_start3A_171, %dma_start3A_172] : memref<8192x2048xf32, #tpu.memory_space<hbm>> -> memref<8192x2048xf32, #tpu.memory_space<hbm>>
    tpu.enqueue_indirect_dma source(%dma_start3A_173 : memref<8192x2048xf32, #tpu.memory_space<hbm>>) target(%arg8 : memref<8x2048xf32, #tpu.memory_space<vmem>>) offsets(%dma_start3A_170 : memref<8xi32, #tpu.memory_space<vmem>>) semaphore(%arg15 : memref<!tpu.dma_semaphore, #tpu.memory_space<semaphore_mem>>)
    %dma_wait3A_174 = arith.constant 6 : i32
    %dma_wait3A_175 = arith.constant 0 : i32
    %dma_wait3A_176 = tpu.memref_slice %arg5[%dma_wait3A_174, %dma_wait3A_175] : memref<58x8xi32, #tpu.memory_space<vmem>> -> memref<1x8xi32, #tpu.memory_space<vmem>>
    %dma_wait3A_177 = tpu.memref_squeeze %dma_wait3A_176 : memref<1x8xi32, #tpu.memory_space<vmem>> -> memref<8xi32, #tpu.memory_space<vmem>>
    %dma_wait3A_178 = arith.constant 0 : i32
    %dma_wait3A_179 = arith.constant 0 : i32
    %dma_wait3A_180 = tpu.memref_slice %arg2[%dma_wait3A_178, %dma_wait3A_179] : memref<8192x2048xf32, #tpu.memory_space<hbm>> -> memref<8192x2048xf32, #tpu.memory_space<hbm>>
    tpu.wait_indirect_dma semaphore(%arg19 : memref<!tpu.dma_semaphore, #tpu.memory_space<semaphore_mem>>) src(%dma_wait3A_180 : memref<8192x2048xf32, #tpu.memory_space<hbm>>) dst(%arg12 : memref<8x2048xf32, #tpu.memory_space<vmem>>)
    %dma_start3A_181 = arith.constant 35 : i32
    %dma_start3A_182 = arith.constant 0 : i32
    %dma_start3A_183 = tpu.memref_slice %arg5[%dma_start3A_181, %dma_start3A_182] : memref<58x8xi32, #tpu.memory_space<vmem>> -> memref<1x8xi32, #tpu.memory_space<vmem>>
    %dma_start3A_184 = tpu.memref_squeeze %dma_start3A_183 : memref<1x8xi32, #tpu.memory_space<vmem>> -> memref<8xi32, #tpu.memory_space<vmem>>
    %dma_start3A_185 = arith.constant 0 : i32
    %dma_start3A_186 = arith.constant 0 : i32
    %dma_start3A_187 = tpu.memref_slice %arg4[%dma_start3A_185, %dma_start3A_186] : memref<7372x2048xf32, #tpu.memory_space<hbm>> -> memref<7372x2048xf32, #tpu.memory_space<hbm>>
    tpu.enqueue_indirect_dma source(%arg12 : memref<8x2048xf32, #tpu.memory_space<vmem>>) target(%dma_start3A_187 : memref<7372x2048xf32, #tpu.memory_space<hbm>>) offsets(%dma_start3A_184 : memref<8xi32, #tpu.memory_space<vmem>>) semaphore(%arg26 : memref<!tpu.dma_semaphore, #tpu.memory_space<semaphore_mem>>)
    %dma_wait3A_188 = arith.constant 32 : i32
    %dma_wait3A_189 = arith.constant 0 : i32
    %dma_wait3A_190 = tpu.memref_slice %arg5[%dma_wait3A_188, %dma_wait3A_189] : memref<58x8xi32, #tpu.memory_space<vmem>> -> memref<1x8xi32, #tpu.memory_space<vmem>>
    %dma_wait3A_191 = tpu.memref_squeeze %dma_wait3A_190 : memref<1x8xi32, #tpu.memory_space<vmem>> -> memref<8xi32, #tpu.memory_space<vmem>>
    %dma_wait3A_192 = arith.constant 0 : i32
    %dma_wait3A_193 = arith.constant 0 : i32
    %dma_wait3A_194 = tpu.memref_slice %arg4[%dma_wait3A_192, %dma_wait3A_193] : memref<7372x2048xf32, #tpu.memory_space<hbm>> -> memref<7372x2048xf32, #tpu.memory_space<hbm>>
    tpu.wait_indirect_dma semaphore(%arg23 : memref<!tpu.dma_semaphore, #tpu.memory_space<semaphore_mem>>) src(%arg9 : memref<8x2048xf32, #tpu.memory_space<vmem>>) dst(%dma_wait3A_194 : memref<7372x2048xf32, #tpu.memory_space<hbm>>)
    %dma_start3A_195 = arith.constant 10 : i32
    %dma_start3A_196 = arith.constant 0 : i32
    %dma_start3A_197 = tpu.memref_slice %arg5[%dma_start3A_195, %dma_start3A_196] : memref<58x8xi32, #tpu.memory_space<vmem>> -> memref<1x8xi32, #tpu.memory_space<vmem>>
    %dma_start3A_198 = tpu.memref_squeeze %dma_start3A_197 : memref<1x8xi32, #tpu.memory_space<vmem>> -> memref<8xi32, #tpu.memory_space<vmem>>
    %dma_start3A_199 = arith.constant 0 : i32
    %dma_start3A_200 = arith.constant 0 : i32
    %dma_start3A_201 = tpu.memref_slice %arg2[%dma_start3A_199, %dma_start3A_200] : memref<8192x2048xf32, #tpu.memory_space<hbm>> -> memref<8192x2048xf32, #tpu.memory_space<hbm>>
    tpu.enqueue_indirect_dma source(%dma_start3A_201 : memref<8192x2048xf32, #tpu.memory_space<hbm>>) target(%arg9 : memref<8x2048xf32, #tpu.memory_space<vmem>>) offsets(%dma_start3A_198 : memref<8xi32, #tpu.memory_space<vmem>>) semaphore(%arg16 : memref<!tpu.dma_semaphore, #tpu.memory_space<semaphore_mem>>)
    %dma_wait3A_202 = arith.constant 7 : i32
    %dma_wait3A_203 = arith.constant 0 : i32
    %dma_wait3A_204 = tpu.memref_slice %arg5[%dma_wait3A_202, %dma_wait3A_203] : memref<58x8xi32, #tpu.memory_space<vmem>> -> memref<1x8xi32, #tpu.memory_space<vmem>>
    %dma_wait3A_205 = tpu.memref_squeeze %dma_wait3A_204 : memref<1x8xi32, #tpu.memory_space<vmem>> -> memref<8xi32, #tpu.memory_space<vmem>>
    %dma_wait3A_206 = arith.constant 0 : i32
    %dma_wait3A_207 = arith.constant 0 : i32
    %dma_wait3A_208 = tpu.memref_slice %arg2[%dma_wait3A_206, %dma_wait3A_207] : memref<8192x2048xf32, #tpu.memory_space<hbm>> -> memref<8192x2048xf32, #tpu.memory_space<hbm>>
    tpu.wait_indirect_dma semaphore(%arg13 : memref<!tpu.dma_semaphore, #tpu.memory_space<semaphore_mem>>) src(%dma_wait3A_208 : memref<8192x2048xf32, #tpu.memory_space<hbm>>) dst(%arg6 : memref<8x2048xf32, #tpu.memory_space<vmem>>)
    %dma_start3A_209 = arith.constant 36 : i32
    %dma_start3A_210 = arith.constant 0 : i32
    %dma_start3A_211 = tpu.memref_slice %arg5[%dma_start3A_209, %dma_start3A_210] : memref<58x8xi32, #tpu.memory_space<vmem>> -> memref<1x8xi32, #tpu.memory_space<vmem>>
    %dma_start3A_212 = tpu.memref_squeeze %dma_start3A_211 : memref<1x8xi32, #tpu.memory_space<vmem>> -> memref<8xi32, #tpu.memory_space<vmem>>
    %dma_start3A_213 = arith.constant 0 : i32
    %dma_start3A_214 = arith.constant 0 : i32
    %dma_start3A_215 = tpu.memref_slice %arg4[%dma_start3A_213, %dma_start3A_214] : memref<7372x2048xf32, #tpu.memory_space<hbm>> -> memref<7372x2048xf32, #tpu.memory_space<hbm>>
    tpu.enqueue_indirect_dma source(%arg6 : memref<8x2048xf32, #tpu.memory_space<vmem>>) target(%dma_start3A_215 : memref<7372x2048xf32, #tpu.memory_space<hbm>>) offsets(%dma_start3A_212 : memref<8xi32, #tpu.memory_space<vmem>>) semaphore(%arg20 : memref<!tpu.dma_semaphore, #tpu.memory_space<semaphore_mem>>)
    %dma_wait3A_216 = arith.constant 33 : i32
    %dma_wait3A_217 = arith.constant 0 : i32
    %dma_wait3A_218 = tpu.memref_slice %arg5[%dma_wait3A_216, %dma_wait3A_217] : memref<58x8xi32, #tpu.memory_space<vmem>> -> memref<1x8xi32, #tpu.memory_space<vmem>>
    %dma_wait3A_219 = tpu.memref_squeeze %dma_wait3A_218 : memref<1x8xi32, #tpu.memory_space<vmem>> -> memref<8xi32, #tpu.memory_space<vmem>>
    %dma_wait3A_220 = arith.constant 0 : i32
    %dma_wait3A_221 = arith.constant 0 : i32
    %dma_wait3A_222 = tpu.memref_slice %arg4[%dma_wait3A_220, %dma_wait3A_221] : memref<7372x2048xf32, #tpu.memory_space<hbm>> -> memref<7372x2048xf32, #tpu.memory_space<hbm>>
    tpu.wait_indirect_dma semaphore(%arg24 : memref<!tpu.dma_semaphore, #tpu.memory_space<semaphore_mem>>) src(%arg10 : memref<8x2048xf32, #tpu.memory_space<vmem>>) dst(%dma_wait3A_222 : memref<7372x2048xf32, #tpu.memory_space<hbm>>)
    %dma_start3A_223 = arith.constant 11 : i32
    %dma_start3A_224 = arith.constant 0 : i32
    %dma_start3A_225 = tpu.memref_slice %arg5[%dma_start3A_223, %dma_start3A_224] : memref<58x8xi32, #tpu.memory_space<vmem>> -> memref<1x8xi32, #tpu.memory_space<vmem>>
    %dma_start3A_226 = tpu.memref_squeeze %dma_start3A_225 : memref<1x8xi32, #tpu.memory_space<vmem>> -> memref<8xi32, #tpu.memory_space<vmem>>
    %dma_start3A_227 = arith.constant 0 : i32
    %dma_start3A_228 = arith.constant 0 : i32
    %dma_start3A_229 = tpu.memref_slice %arg2[%dma_start3A_227, %dma_start3A_228] : memref<8192x2048xf32, #tpu.memory_space<hbm>> -> memref<8192x2048xf32, #tpu.memory_space<hbm>>
    tpu.enqueue_indirect_dma source(%dma_start3A_229 : memref<8192x2048xf32, #tpu.memory_space<hbm>>) target(%arg10 : memref<8x2048xf32, #tpu.memory_space<vmem>>) offsets(%dma_start3A_226 : memref<8xi32, #tpu.memory_space<vmem>>) semaphore(%arg17 : memref<!tpu.dma_semaphore, #tpu.memory_space<semaphore_mem>>)
    %dma_wait3A_230 = arith.constant 8 : i32
    %dma_wait3A_231 = arith.constant 0 : i32
    %dma_wait3A_232 = tpu.memref_slice %arg5[%dma_wait3A_230, %dma_wait3A_231] : memref<58x8xi32, #tpu.memory_space<vmem>> -> memref<1x8xi32, #tpu.memory_space<vmem>>
    %dma_wait3A_233 = tpu.memref_squeeze %dma_wait3A_232 : memref<1x8xi32, #tpu.memory_space<vmem>> -> memref<8xi32, #tpu.memory_space<vmem>>
    %dma_wait3A_234 = arith.constant 0 : i32
    %dma_wait3A_235 = arith.constant 0 : i32
    %dma_wait3A_236 = tpu.memref_slice %arg2[%dma_wait3A_234, %dma_wait3A_235] : memref<8192x2048xf32, #tpu.memory_space<hbm>> -> memref<8192x2048xf32, #tpu.memory_space<hbm>>
    tpu.wait_indirect_dma semaphore(%arg14 : memref<!tpu.dma_semaphore, #tpu.memory_space<semaphore_mem>>) src(%dma_wait3A_236 : memref<8192x2048xf32, #tpu.memory_space<hbm>>) dst(%arg7 : memref<8x2048xf32, #tpu.memory_space<vmem>>)
    %dma_start3A_237 = arith.constant 37 : i32
    %dma_start3A_238 = arith.constant 0 : i32
    %dma_start3A_239 = tpu.memref_slice %arg5[%dma_start3A_237, %dma_start3A_238] : memref<58x8xi32, #tpu.memory_space<vmem>> -> memref<1x8xi32, #tpu.memory_space<vmem>>
    %dma_start3A_240 = tpu.memref_squeeze %dma_start3A_239 : memref<1x8xi32, #tpu.memory_space<vmem>> -> memref<8xi32, #tpu.memory_space<vmem>>
    %dma_start3A_241 = arith.constant 0 : i32
    %dma_start3A_242 = arith.constant 0 : i32
    %dma_start3A_243 = tpu.memref_slice %arg4[%dma_start3A_241, %dma_start3A_242] : memref<7372x2048xf32, #tpu.memory_space<hbm>> -> memref<7372x2048xf32, #tpu.memory_space<hbm>>
    tpu.enqueue_indirect_dma source(%arg7 : memref<8x2048xf32, #tpu.memory_space<vmem>>) target(%dma_start3A_243 : memref<7372x2048xf32, #tpu.memory_space<hbm>>) offsets(%dma_start3A_240 : memref<8xi32, #tpu.memory_space<vmem>>) semaphore(%arg21 : memref<!tpu.dma_semaphore, #tpu.memory_space<semaphore_mem>>)
    %dma_wait3A_244 = arith.constant 34 : i32
    %dma_wait3A_245 = arith.constant 0 : i32
    %dma_wait3A_246 = tpu.memref_slice %arg5[%dma_wait3A_244, %dma_wait3A_245] : memref<58x8xi32, #tpu.memory_space<vmem>> -> memref<1x8xi32, #tpu.memory_space<vmem>>
    %dma_wait3A_247 = tpu.memref_squeeze %dma_wait3A_246 : memref<1x8xi32, #tpu.memory_space<vmem>> -> memref<8xi32, #tpu.memory_space<vmem>>
    %dma_wait3A_248 = arith.constant 0 : i32
    %dma_wait3A_249 = arith.constant 0 : i32
    %dma_wait3A_250 = tpu.memref_slice %arg4[%dma_wait3A_248, %dma_wait3A_249] : memref<7372x2048xf32, #tpu.memory_space<hbm>> -> memref<7372x2048xf32, #tpu.memory_space<hbm>>
    tpu.wait_indirect_dma semaphore(%arg25 : memref<!tpu.dma_semaphore, #tpu.memory_space<semaphore_mem>>) src(%arg11 : memref<8x2048xf32, #tpu.memory_space<vmem>>) dst(%dma_wait3A_250 : memref<7372x2048xf32, #tpu.memory_space<hbm>>)
    %dma_start3A_251 = arith.constant 12 : i32
    %dma_start3A_252 = arith.constant 0 : i32
    %dma_start3A_253 = tpu.memref_slice %arg5[%dma_start3A_251, %dma_start3A_252] : memref<58x8xi32, #tpu.memory_space<vmem>> -> memref<1x8xi32, #tpu.memory_space<vmem>>
    %dma_start3A_254 = tpu.memref_squeeze %dma_start3A_253 : memref<1x8xi32, #tpu.memory_space<vmem>> -> memref<8xi32, #tpu.memory_space<vmem>>
    %dma_start3A_255 = arith.constant 0 : i32
    %dma_start3A_256 = arith.constant 0 : i32
    %dma_start3A_257 = tpu.memref_slice %arg2[%dma_start3A_255, %dma_start3A_256] : memref<8192x2048xf32, #tpu.memory_space<hbm>> -> memref<8192x2048xf32, #tpu.memory_space<hbm>>
    tpu.enqueue_indirect_dma source(%dma_start3A_257 : memref<8192x2048xf32, #tpu.memory_space<hbm>>) target(%arg11 : memref<8x2048xf32, #tpu.memory_space<vmem>>) offsets(%dma_start3A_254 : memref<8xi32, #tpu.memory_space<vmem>>) semaphore(%arg18 : memref<!tpu.dma_semaphore, #tpu.memory_space<semaphore_mem>>)
    %dma_wait3A_258 = arith.constant 9 : i32
    %dma_wait3A_259 = arith.constant 0 : i32
    %dma_wait3A_260 = tpu.memref_slice %arg5[%dma_wait3A_258, %dma_wait3A_259] : memref<58x8xi32, #tpu.memory_space<vmem>> -> memref<1x8xi32, #tpu.memory_space<vmem>>
    %dma_wait3A_261 = tpu.memref_squeeze %dma_wait3A_260 : memref<1x8xi32, #tpu.memory_space<vmem>> -> memref<8xi32, #tpu.memory_space<vmem>>
    %dma_wait3A_262 = arith.constant 0 : i32
    %dma_wait3A_263 = arith.constant 0 : i32
    %dma_wait3A_264 = tpu.memref_slice %arg2[%dma_wait3A_262, %dma_wait3A_263] : memref<8192x2048xf32, #tpu.memory_space<hbm>> -> memref<8192x2048xf32, #tpu.memory_space<hbm>>
    tpu.wait_indirect_dma semaphore(%arg15 : memref<!tpu.dma_semaphore, #tpu.memory_space<semaphore_mem>>) src(%dma_wait3A_264 : memref<8192x2048xf32, #tpu.memory_space<hbm>>) dst(%arg8 : memref<8x2048xf32, #tpu.memory_space<vmem>>)
    %dma_start3A_265 = arith.constant 38 : i32
    %dma_start3A_266 = arith.constant 0 : i32
    %dma_start3A_267 = tpu.memref_slice %arg5[%dma_start3A_265, %dma_start3A_266] : memref<58x8xi32, #tpu.memory_space<vmem>> -> memref<1x8xi32, #tpu.memory_space<vmem>>
    %dma_start3A_268 = tpu.memref_squeeze %dma_start3A_267 : memref<1x8xi32, #tpu.memory_space<vmem>> -> memref<8xi32, #tpu.memory_space<vmem>>
    %dma_start3A_269 = arith.constant 0 : i32
    %dma_start3A_270 = arith.constant 0 : i32
    %dma_start3A_271 = tpu.memref_slice %arg4[%dma_start3A_269, %dma_start3A_270] : memref<7372x2048xf32, #tpu.memory_space<hbm>> -> memref<7372x2048xf32, #tpu.memory_space<hbm>>
    tpu.enqueue_indirect_dma source(%arg8 : memref<8x2048xf32, #tpu.memory_space<vmem>>) target(%dma_start3A_271 : memref<7372x2048xf32, #tpu.memory_space<hbm>>) offsets(%dma_start3A_268 : memref<8xi32, #tpu.memory_space<vmem>>) semaphore(%arg22 : memref<!tpu.dma_semaphore, #tpu.memory_space<semaphore_mem>>)
    %dma_wait3A_272 = arith.constant 35 : i32
    %dma_wait3A_273 = arith.constant 0 : i32
    %dma_wait3A_274 = tpu.memref_slice %arg5[%dma_wait3A_272, %dma_wait3A_273] : memref<58x8xi32, #tpu.memory_space<vmem>> -> memref<1x8xi32, #tpu.memory_space<vmem>>
    %dma_wait3A_275 = tpu.memref_squeeze %dma_wait3A_274 : memref<1x8xi32, #tpu.memory_space<vmem>> -> memref<8xi32, #tpu.memory_space<vmem>>
    %dma_wait3A_276 = arith.constant 0 : i32
    %dma_wait3A_277 = arith.constant 0 : i32
    %dma_wait3A_278 = tpu.memref_slice %arg4[%dma_wait3A_276, %dma_wait3A_277] : memref<7372x2048xf32, #tpu.memory_space<hbm>> -> memref<7372x2048xf32, #tpu.memory_space<hbm>>
    tpu.wait_indirect_dma semaphore(%arg26 : memref<!tpu.dma_semaphore, #tpu.memory_space<semaphore_mem>>) src(%arg12 : memref<8x2048xf32, #tpu.memory_space<vmem>>) dst(%dma_wait3A_278 : memref<7372x2048xf32, #tpu.memory_space<hbm>>)
    %dma_start3A_279 = arith.constant 13 : i32
    %dma_start3A_280 = arith.constant 0 : i32
    %dma_start3A_281 = tpu.memref_slice %arg5[%dma_start3A_279, %dma_start3A_280] : memref<58x8xi32, #tpu.memory_space<vmem>> -> memref<1x8xi32, #tpu.memory_space<vmem>>
    %dma_start3A_282 = tpu.memref_squeeze %dma_start3A_281 : memref<1x8xi32, #tpu.memory_space<vmem>> -> memref<8xi32, #tpu.memory_space<vmem>>
    %dma_start3A_283 = arith.constant 0 : i32
    %dma_start3A_284 = arith.constant 0 : i32
    %dma_start3A_285 = tpu.memref_slice %arg2[%dma_start3A_283, %dma_start3A_284] : memref<8192x2048xf32, #tpu.memory_space<hbm>> -> memref<8192x2048xf32, #tpu.memory_space<hbm>>
    tpu.enqueue_indirect_dma source(%dma_start3A_285 : memref<8192x2048xf32, #tpu.memory_space<hbm>>) target(%arg12 : memref<8x2048xf32, #tpu.memory_space<vmem>>) offsets(%dma_start3A_282 : memref<8xi32, #tpu.memory_space<vmem>>) semaphore(%arg19 : memref<!tpu.dma_semaphore, #tpu.memory_space<semaphore_mem>>)
    %dma_wait3A_286 = arith.constant 10 : i32
    %dma_wait3A_287 = arith.constant 0 : i32
    %dma_wait3A_288 = tpu.memref_slice %arg5[%dma_wait3A_286, %dma_wait3A_287] : memref<58x8xi32, #tpu.memory_space<vmem>> -> memref<1x8xi32, #tpu.memory_space<vmem>>
    %dma_wait3A_289 = tpu.memref_squeeze %dma_wait3A_288 : memref<1x8xi32, #tpu.memory_space<vmem>> -> memref<8xi32, #tpu.memory_space<vmem>>
    %dma_wait3A_290 = arith.constant 0 : i32
    %dma_wait3A_291 = arith.constant 0 : i32
    %dma_wait3A_292 = tpu.memref_slice %arg2[%dma_wait3A_290, %dma_wait3A_291] : memref<8192x2048xf32, #tpu.memory_space<hbm>> -> memref<8192x2048xf32, #tpu.memory_space<hbm>>
    tpu.wait_indirect_dma semaphore(%arg16 : memref<!tpu.dma_semaphore, #tpu.memory_space<semaphore_mem>>) src(%dma_wait3A_292 : memref<8192x2048xf32, #tpu.memory_space<hbm>>) dst(%arg9 : memref<8x2048xf32, #tpu.memory_space<vmem>>)
    %dma_start3A_293 = arith.constant 39 : i32
    %dma_start3A_294 = arith.constant 0 : i32
    %dma_start3A_295 = tpu.memref_slice %arg5[%dma_start3A_293, %dma_start3A_294] : memref<58x8xi32, #tpu.memory_space<vmem>> -> memref<1x8xi32, #tpu.memory_space<vmem>>
    %dma_start3A_296 = tpu.memref_squeeze %dma_start3A_295 : memref<1x8xi32, #tpu.memory_space<vmem>> -> memref<8xi32, #tpu.memory_space<vmem>>
    %dma_start3A_297 = arith.constant 0 : i32
    %dma_start3A_298 = arith.constant 0 : i32
    %dma_start3A_299 = tpu.memref_slice %arg4[%dma_start3A_297, %dma_start3A_298] : memref<7372x2048xf32, #tpu.memory_space<hbm>> -> memref<7372x2048xf32, #tpu.memory_space<hbm>>
    tpu.enqueue_indirect_dma source(%arg9 : memref<8x2048xf32, #tpu.memory_space<vmem>>) target(%dma_start3A_299 : memref<7372x2048xf32, #tpu.memory_space<hbm>>) offsets(%dma_start3A_296 : memref<8xi32, #tpu.memory_space<vmem>>) semaphore(%arg23 : memref<!tpu.dma_semaphore, #tpu.memory_space<semaphore_mem>>)
    %dma_wait3A_300 = arith.constant 36 : i32
    %dma_wait3A_301 = arith.constant 0 : i32
    %dma_wait3A_302 = tpu.memref_slice %arg5[%dma_wait3A_300, %dma_wait3A_301] : memref<58x8xi32, #tpu.memory_space<vmem>> -> memref<1x8xi32, #tpu.memory_space<vmem>>
    %dma_wait3A_303 = tpu.memref_squeeze %dma_wait3A_302 : memref<1x8xi32, #tpu.memory_space<vmem>> -> memref<8xi32, #tpu.memory_space<vmem>>
    %dma_wait3A_304 = arith.constant 0 : i32
    %dma_wait3A_305 = arith.constant 0 : i32
    %dma_wait3A_306 = tpu.memref_slice %arg4[%dma_wait3A_304, %dma_wait3A_305] : memref<7372x2048xf32, #tpu.memory_space<hbm>> -> memref<7372x2048xf32, #tpu.memory_space<hbm>>
    tpu.wait_indirect_dma semaphore(%arg20 : memref<!tpu.dma_semaphore, #tpu.memory_space<semaphore_mem>>) src(%arg6 : memref<8x2048xf32, #tpu.memory_space<vmem>>) dst(%dma_wait3A_306 : memref<7372x2048xf32, #tpu.memory_space<hbm>>)
    %dma_start3A_307 = arith.constant 14 : i32
    %dma_start3A_308 = arith.constant 0 : i32
    %dma_start3A_309 = tpu.memref_slice %arg5[%dma_start3A_307, %dma_start3A_308] : memref<58x8xi32, #tpu.memory_space<vmem>> -> memref<1x8xi32, #tpu.memory_space<vmem>>
    %dma_start3A_310 = tpu.memref_squeeze %dma_start3A_309 : memref<1x8xi32, #tpu.memory_space<vmem>> -> memref<8xi32, #tpu.memory_space<vmem>>
    %dma_start3A_311 = arith.constant 0 : i32
    %dma_start3A_312 = arith.constant 0 : i32
    %dma_start3A_313 = tpu.memref_slice %arg2[%dma_start3A_311, %dma_start3A_312] : memref<8192x2048xf32, #tpu.memory_space<hbm>> -> memref<8192x2048xf32, #tpu.memory_space<hbm>>
    tpu.enqueue_indirect_dma source(%dma_start3A_313 : memref<8192x2048xf32, #tpu.memory_space<hbm>>) target(%arg6 : memref<8x2048xf32, #tpu.memory_space<vmem>>) offsets(%dma_start3A_310 : memref<8xi32, #tpu.memory_space<vmem>>) semaphore(%arg13 : memref<!tpu.dma_semaphore, #tpu.memory_space<semaphore_mem>>)
    %dma_wait3A_314 = arith.constant 11 : i32
    %dma_wait3A_315 = arith.constant 0 : i32
    %dma_wait3A_316 = tpu.memref_slice %arg5[%dma_wait3A_314, %dma_wait3A_315] : memref<58x8xi32, #tpu.memory_space<vmem>> -> memref<1x8xi32, #tpu.memory_space<vmem>>
    %dma_wait3A_317 = tpu.memref_squeeze %dma_wait3A_316 : memref<1x8xi32, #tpu.memory_space<vmem>> -> memref<8xi32, #tpu.memory_space<vmem>>
    %dma_wait3A_318 = arith.constant 0 : i32
    %dma_wait3A_319 = arith.constant 0 : i32
    %dma_wait3A_320 = tpu.memref_slice %arg2[%dma_wait3A_318, %dma_wait3A_319] : memref<8192x2048xf32, #tpu.memory_space<hbm>> -> memref<8192x2048xf32, #tpu.memory_space<hbm>>
    tpu.wait_indirect_dma semaphore(%arg17 : memref<!tpu.dma_semaphore, #tpu.memory_space<semaphore_mem>>) src(%dma_wait3A_320 : memref<8192x2048xf32, #tpu.memory_space<hbm>>) dst(%arg10 : memref<8x2048xf32, #tpu.memory_space<vmem>>)
    %dma_start3A_321 = arith.constant 40 : i32
    %dma_start3A_322 = arith.constant 0 : i32
    %dma_start3A_323 = tpu.memref_slice %arg5[%dma_start3A_321, %dma_start3A_322] : memref<58x8xi32, #tpu.memory_space<vmem>> -> memref<1x8xi32, #tpu.memory_space<vmem>>
    %dma_start3A_324 = tpu.memref_squeeze %dma_start3A_323 : memref<1x8xi32, #tpu.memory_space<vmem>> -> memref<8xi32, #tpu.memory_space<vmem>>
    %dma_start3A_325 = arith.constant 0 : i32
    %dma_start3A_326 = arith.constant 0 : i32
    %dma_start3A_327 = tpu.memref_slice %arg4[%dma_start3A_325, %dma_start3A_326] : memref<7372x2048xf32, #tpu.memory_space<hbm>> -> memref<7372x2048xf32, #tpu.memory_space<hbm>>
    tpu.enqueue_indirect_dma source(%arg10 : memref<8x2048xf32, #tpu.memory_space<vmem>>) target(%dma_start3A_327 : memref<7372x2048xf32, #tpu.memory_space<hbm>>) offsets(%dma_start3A_324 : memref<8xi32, #tpu.memory_space<vmem>>) semaphore(%arg24 : memref<!tpu.dma_semaphore, #tpu.memory_space<semaphore_mem>>)
    %dma_wait3A_328 = arith.constant 37 : i32
    %dma_wait3A_329 = arith.constant 0 : i32
    %dma_wait3A_330 = tpu.memref_slice %arg5[%dma_wait3A_328, %dma_wait3A_329] : memref<58x8xi32, #tpu.memory_space<vmem>> -> memref<1x8xi32, #tpu.memory_space<vmem>>
    %dma_wait3A_331 = tpu.memref_squeeze %dma_wait3A_330 : memref<1x8xi32, #tpu.memory_space<vmem>> -> memref<8xi32, #tpu.memory_space<vmem>>
    %dma_wait3A_332 = arith.constant 0 : i32
    %dma_wait3A_333 = arith.constant 0 : i32
    %dma_wait3A_334 = tpu.memref_slice %arg4[%dma_wait3A_332, %dma_wait3A_333] : memref<7372x2048xf32, #tpu.memory_space<hbm>> -> memref<7372x2048xf32, #tpu.memory_space<hbm>>
    tpu.wait_indirect_dma semaphore(%arg21 : memref<!tpu.dma_semaphore, #tpu.memory_space<semaphore_mem>>) src(%arg7 : memref<8x2048xf32, #tpu.memory_space<vmem>>) dst(%dma_wait3A_334 : memref<7372x2048xf32, #tpu.memory_space<hbm>>)
    %dma_start3A_335 = arith.constant 15 : i32
    %dma_start3A_336 = arith.constant 0 : i32
    %dma_start3A_337 = tpu.memref_slice %arg5[%dma_start3A_335, %dma_start3A_336] : memref<58x8xi32, #tpu.memory_space<vmem>> -> memref<1x8xi32, #tpu.memory_space<vmem>>
    %dma_start3A_338 = tpu.memref_squeeze %dma_start3A_337 : memref<1x8xi32, #tpu.memory_space<vmem>> -> memref<8xi32, #tpu.memory_space<vmem>>
    %dma_start3A_339 = arith.constant 0 : i32
    %dma_start3A_340 = arith.constant 0 : i32
    %dma_start3A_341 = tpu.memref_slice %arg2[%dma_start3A_339, %dma_start3A_340] : memref<8192x2048xf32, #tpu.memory_space<hbm>> -> memref<8192x2048xf32, #tpu.memory_space<hbm>>
    tpu.enqueue_indirect_dma source(%dma_start3A_341 : memref<8192x2048xf32, #tpu.memory_space<hbm>>) target(%arg7 : memref<8x2048xf32, #tpu.memory_space<vmem>>) offsets(%dma_start3A_338 : memref<8xi32, #tpu.memory_space<vmem>>) semaphore(%arg14 : memref<!tpu.dma_semaphore, #tpu.memory_space<semaphore_mem>>)
    %dma_wait3A_342 = arith.constant 12 : i32
    %dma_wait3A_343 = arith.constant 0 : i32
    %dma_wait3A_344 = tpu.memref_slice %arg5[%dma_wait3A_342, %dma_wait3A_343] : memref<58x8xi32, #tpu.memory_space<vmem>> -> memref<1x8xi32, #tpu.memory_space<vmem>>
    %dma_wait3A_345 = tpu.memref_squeeze %dma_wait3A_344 : memref<1x8xi32, #tpu.memory_space<vmem>> -> memref<8xi32, #tpu.memory_space<vmem>>
    %dma_wait3A_346 = arith.constant 0 : i32
    %dma_wait3A_347 = arith.constant 0 : i32
    %dma_wait3A_348 = tpu.memref_slice %arg2[%dma_wait3A_346, %dma_wait3A_347] : memref<8192x2048xf32, #tpu.memory_space<hbm>> -> memref<8192x2048xf32, #tpu.memory_space<hbm>>
    tpu.wait_indirect_dma semaphore(%arg18 : memref<!tpu.dma_semaphore, #tpu.memory_space<semaphore_mem>>) src(%dma_wait3A_348 : memref<8192x2048xf32, #tpu.memory_space<hbm>>) dst(%arg11 : memref<8x2048xf32, #tpu.memory_space<vmem>>)
    %dma_start3A_349 = arith.constant 41 : i32
    %dma_start3A_350 = arith.constant 0 : i32
    %dma_start3A_351 = tpu.memref_slice %arg5[%dma_start3A_349, %dma_start3A_350] : memref<58x8xi32, #tpu.memory_space<vmem>> -> memref<1x8xi32, #tpu.memory_space<vmem>>
    %dma_start3A_352 = tpu.memref_squeeze %dma_start3A_351 : memref<1x8xi32, #tpu.memory_space<vmem>> -> memref<8xi32, #tpu.memory_space<vmem>>
    %dma_start3A_353 = arith.constant 0 : i32
    %dma_start3A_354 = arith.constant 0 : i32
    %dma_start3A_355 = tpu.memref_slice %arg4[%dma_start3A_353, %dma_start3A_354] : memref<7372x2048xf32, #tpu.memory_space<hbm>> -> memref<7372x2048xf32, #tpu.memory_space<hbm>>
    tpu.enqueue_indirect_dma source(%arg11 : memref<8x2048xf32, #tpu.memory_space<vmem>>) target(%dma_start3A_355 : memref<7372x2048xf32, #tpu.memory_space<hbm>>) offsets(%dma_start3A_352 : memref<8xi32, #tpu.memory_space<vmem>>) semaphore(%arg25 : memref<!tpu.dma_semaphore, #tpu.memory_space<semaphore_mem>>)
    %dma_wait3A_356 = arith.constant 38 : i32
    %dma_wait3A_357 = arith.constant 0 : i32
    %dma_wait3A_358 = tpu.memref_slice %arg5[%dma_wait3A_356, %dma_wait3A_357] : memref<58x8xi32, #tpu.memory_space<vmem>> -> memref<1x8xi32, #tpu.memory_space<vmem>>
    %dma_wait3A_359 = tpu.memref_squeeze %dma_wait3A_358 : memref<1x8xi32, #tpu.memory_space<vmem>> -> memref<8xi32, #tpu.memory_space<vmem>>
    %dma_wait3A_360 = arith.constant 0 : i32
    %dma_wait3A_361 = arith.constant 0 : i32
    %dma_wait3A_362 = tpu.memref_slice %arg4[%dma_wait3A_360, %dma_wait3A_361] : memref<7372x2048xf32, #tpu.memory_space<hbm>> -> memref<7372x2048xf32, #tpu.memory_space<hbm>>
    tpu.wait_indirect_dma semaphore(%arg22 : memref<!tpu.dma_semaphore, #tpu.memory_space<semaphore_mem>>) src(%arg8 : memref<8x2048xf32, #tpu.memory_space<vmem>>) dst(%dma_wait3A_362 : memref<7372x2048xf32, #tpu.memory_space<hbm>>)
    %dma_start3A_363 = arith.constant 16 : i32
    %dma_start3A_364 = arith.constant 0 : i32
    %dma_start3A_365 = tpu.memref_slice %arg5[%dma_start3A_363, %dma_start3A_364] : memref<58x8xi32, #tpu.memory_space<vmem>> -> memref<1x8xi32, #tpu.memory_space<vmem>>
    %dma_start3A_366 = tpu.memref_squeeze %dma_start3A_365 : memref<1x8xi32, #tpu.memory_space<vmem>> -> memref<8xi32, #tpu.memory_space<vmem>>
    %dma_start3A_367 = arith.constant 0 : i32
    %dma_start3A_368 = arith.constant 0 : i32
    %dma_start3A_369 = tpu.memref_slice %arg2[%dma_start3A_367, %dma_start3A_368] : memref<8192x2048xf32, #tpu.memory_space<hbm>> -> memref<8192x2048xf32, #tpu.memory_space<hbm>>
    tpu.enqueue_indirect_dma source(%dma_start3A_369 : memref<8192x2048xf32, #tpu.memory_space<hbm>>) target(%arg8 : memref<8x2048xf32, #tpu.memory_space<vmem>>) offsets(%dma_start3A_366 : memref<8xi32, #tpu.memory_space<vmem>>) semaphore(%arg15 : memref<!tpu.dma_semaphore, #tpu.memory_space<semaphore_mem>>)
    %dma_wait3A_370 = arith.constant 13 : i32
    %dma_wait3A_371 = arith.constant 0 : i32
    %dma_wait3A_372 = tpu.memref_slice %arg5[%dma_wait3A_370, %dma_wait3A_371] : memref<58x8xi32, #tpu.memory_space<vmem>> -> memref<1x8xi32, #tpu.memory_space<vmem>>
    %dma_wait3A_373 = tpu.memref_squeeze %dma_wait3A_372 : memref<1x8xi32, #tpu.memory_space<vmem>> -> memref<8xi32, #tpu.memory_space<vmem>>
    %dma_wait3A_374 = arith.constant 0 : i32
    %dma_wait3A_375 = arith.constant 0 : i32
    %dma_wait3A_376 = tpu.memref_slice %arg2[%dma_wait3A_374, %dma_wait3A_375] : memref<8192x2048xf32, #tpu.memory_space<hbm>> -> memref<8192x2048xf32, #tpu.memory_space<hbm>>
    tpu.wait_indirect_dma semaphore(%arg19 : memref<!tpu.dma_semaphore, #tpu.memory_space<semaphore_mem>>) src(%dma_wait3A_376 : memref<8192x2048xf32, #tpu.memory_space<hbm>>) dst(%arg12 : memref<8x2048xf32, #tpu.memory_space<vmem>>)
    %dma_start3A_377 = arith.constant 42 : i32
    %dma_start3A_378 = arith.constant 0 : i32
    %dma_start3A_379 = tpu.memref_slice %arg5[%dma_start3A_377, %dma_start3A_378] : memref<58x8xi32, #tpu.memory_space<vmem>> -> memref<1x8xi32, #tpu.memory_space<vmem>>
    %dma_start3A_380 = tpu.memref_squeeze %dma_start3A_379 : memref<1x8xi32, #tpu.memory_space<vmem>> -> memref<8xi32, #tpu.memory_space<vmem>>
    %dma_start3A_381 = arith.constant 0 : i32
    %dma_start3A_382 = arith.constant 0 : i32
    %dma_start3A_383 = tpu.memref_slice %arg4[%dma_start3A_381, %dma_start3A_382] : memref<7372x2048xf32, #tpu.memory_space<hbm>> -> memref<7372x2048xf32, #tpu.memory_space<hbm>>
    tpu.enqueue_indirect_dma source(%arg12 : memref<8x2048xf32, #tpu.memory_space<vmem>>) target(%dma_start3A_383 : memref<7372x2048xf32, #tpu.memory_space<hbm>>) offsets(%dma_start3A_380 : memref<8xi32, #tpu.memory_space<vmem>>) semaphore(%arg26 : memref<!tpu.dma_semaphore, #tpu.memory_space<semaphore_mem>>)
    %dma_wait3A_384 = arith.constant 39 : i32
    %dma_wait3A_385 = arith.constant 0 : i32
    %dma_wait3A_386 = tpu.memref_slice %arg5[%dma_wait3A_384, %dma_wait3A_385] : memref<58x8xi32, #tpu.memory_space<vmem>> -> memref<1x8xi32, #tpu.memory_space<vmem>>
    %dma_wait3A_387 = tpu.memref_squeeze %dma_wait3A_386 : memref<1x8xi32, #tpu.memory_space<vmem>> -> memref<8xi32, #tpu.memory_space<vmem>>
    %dma_wait3A_388 = arith.constant 0 : i32
    %dma_wait3A_389 = arith.constant 0 : i32
    %dma_wait3A_390 = tpu.memref_slice %arg4[%dma_wait3A_388, %dma_wait3A_389] : memref<7372x2048xf32, #tpu.memory_space<hbm>> -> memref<7372x2048xf32, #tpu.memory_space<hbm>>
    tpu.wait_indirect_dma semaphore(%arg23 : memref<!tpu.dma_semaphore, #tpu.memory_space<semaphore_mem>>) src(%arg9 : memref<8x2048xf32, #tpu.memory_space<vmem>>) dst(%dma_wait3A_390 : memref<7372x2048xf32, #tpu.memory_space<hbm>>)
    %dma_start3A_391 = arith.constant 17 : i32
    %dma_start3A_392 = arith.constant 0 : i32
    %dma_start3A_393 = tpu.memref_slice %arg5[%dma_start3A_391, %dma_start3A_392] : memref<58x8xi32, #tpu.memory_space<vmem>> -> memref<1x8xi32, #tpu.memory_space<vmem>>
    %dma_start3A_394 = tpu.memref_squeeze %dma_start3A_393 : memref<1x8xi32, #tpu.memory_space<vmem>> -> memref<8xi32, #tpu.memory_space<vmem>>
    %dma_start3A_395 = arith.constant 0 : i32
    %dma_start3A_396 = arith.constant 0 : i32
    %dma_start3A_397 = tpu.memref_slice %arg2[%dma_start3A_395, %dma_start3A_396] : memref<8192x2048xf32, #tpu.memory_space<hbm>> -> memref<8192x2048xf32, #tpu.memory_space<hbm>>
    tpu.enqueue_indirect_dma source(%dma_start3A_397 : memref<8192x2048xf32, #tpu.memory_space<hbm>>) target(%arg9 : memref<8x2048xf32, #tpu.memory_space<vmem>>) offsets(%dma_start3A_394 : memref<8xi32, #tpu.memory_space<vmem>>) semaphore(%arg16 : memref<!tpu.dma_semaphore, #tpu.memory_space<semaphore_mem>>)
    %dma_wait3A_398 = arith.constant 14 : i32
    %dma_wait3A_399 = arith.constant 0 : i32
    %dma_wait3A_400 = tpu.memref_slice %arg5[%dma_wait3A_398, %dma_wait3A_399] : memref<58x8xi32, #tpu.memory_space<vmem>> -> memref<1x8xi32, #tpu.memory_space<vmem>>
    %dma_wait3A_401 = tpu.memref_squeeze %dma_wait3A_400 : memref<1x8xi32, #tpu.memory_space<vmem>> -> memref<8xi32, #tpu.memory_space<vmem>>
    %dma_wait3A_402 = arith.constant 0 : i32
    %dma_wait3A_403 = arith.constant 0 : i32
    %dma_wait3A_404 = tpu.memref_slice %arg2[%dma_wait3A_402, %dma_wait3A_403] : memref<8192x2048xf32, #tpu.memory_space<hbm>> -> memref<8192x2048xf32, #tpu.memory_space<hbm>>
    tpu.wait_indirect_dma semaphore(%arg13 : memref<!tpu.dma_semaphore, #tpu.memory_space<semaphore_mem>>) src(%dma_wait3A_404 : memref<8192x2048xf32, #tpu.memory_space<hbm>>) dst(%arg6 : memref<8x2048xf32, #tpu.memory_space<vmem>>)
    %dma_start3A_405 = arith.constant 43 : i32
    %dma_start3A_406 = arith.constant 0 : i32
    %dma_start3A_407 = tpu.memref_slice %arg5[%dma_start3A_405, %dma_start3A_406] : memref<58x8xi32, #tpu.memory_space<vmem>> -> memref<1x8xi32, #tpu.memory_space<vmem>>
    %dma_start3A_408 = tpu.memref_squeeze %dma_start3A_407 : memref<1x8xi32, #tpu.memory_space<vmem>> -> memref<8xi32, #tpu.memory_space<vmem>>
    %dma_start3A_409 = arith.constant 0 : i32
    %dma_start3A_410 = arith.constant 0 : i32
    %dma_start3A_411 = tpu.memref_slice %arg4[%dma_start3A_409, %dma_start3A_410] : memref<7372x2048xf32, #tpu.memory_space<hbm>> -> memref<7372x2048xf32, #tpu.memory_space<hbm>>
    tpu.enqueue_indirect_dma source(%arg6 : memref<8x2048xf32, #tpu.memory_space<vmem>>) target(%dma_start3A_411 : memref<7372x2048xf32, #tpu.memory_space<hbm>>) offsets(%dma_start3A_408 : memref<8xi32, #tpu.memory_space<vmem>>) semaphore(%arg20 : memref<!tpu.dma_semaphore, #tpu.memory_space<semaphore_mem>>)
    %dma_wait3A_412 = arith.constant 40 : i32
    %dma_wait3A_413 = arith.constant 0 : i32
    %dma_wait3A_414 = tpu.memref_slice %arg5[%dma_wait3A_412, %dma_wait3A_413] : memref<58x8xi32, #tpu.memory_space<vmem>> -> memref<1x8xi32, #tpu.memory_space<vmem>>
    %dma_wait3A_415 = tpu.memref_squeeze %dma_wait3A_414 : memref<1x8xi32, #tpu.memory_space<vmem>> -> memref<8xi32, #tpu.memory_space<vmem>>
    %dma_wait3A_416 = arith.constant 0 : i32
    %dma_wait3A_417 = arith.constant 0 : i32
    %dma_wait3A_418 = tpu.memref_slice %arg4[%dma_wait3A_416, %dma_wait3A_417] : memref<7372x2048xf32, #tpu.memory_space<hbm>> -> memref<7372x2048xf32, #tpu.memory_space<hbm>>
    tpu.wait_indirect_dma semaphore(%arg24 : memref<!tpu.dma_semaphore, #tpu.memory_space<semaphore_mem>>) src(%arg10 : memref<8x2048xf32, #tpu.memory_space<vmem>>) dst(%dma_wait3A_418 : memref<7372x2048xf32, #tpu.memory_space<hbm>>)
    %dma_start3A_419 = arith.constant 18 : i32
    %dma_start3A_420 = arith.constant 0 : i32
    %dma_start3A_421 = tpu.memref_slice %arg5[%dma_start3A_419, %dma_start3A_420] : memref<58x8xi32, #tpu.memory_space<vmem>> -> memref<1x8xi32, #tpu.memory_space<vmem>>
    %dma_start3A_422 = tpu.memref_squeeze %dma_start3A_421 : memref<1x8xi32, #tpu.memory_space<vmem>> -> memref<8xi32, #tpu.memory_space<vmem>>
    %dma_start3A_423 = arith.constant 0 : i32
    %dma_start3A_424 = arith.constant 0 : i32
    %dma_start3A_425 = tpu.memref_slice %arg2[%dma_start3A_423, %dma_start3A_424] : memref<8192x2048xf32, #tpu.memory_space<hbm>> -> memref<8192x2048xf32, #tpu.memory_space<hbm>>
    tpu.enqueue_indirect_dma source(%dma_start3A_425 : memref<8192x2048xf32, #tpu.memory_space<hbm>>) target(%arg10 : memref<8x2048xf32, #tpu.memory_space<vmem>>) offsets(%dma_start3A_422 : memref<8xi32, #tpu.memory_space<vmem>>) semaphore(%arg17 : memref<!tpu.dma_semaphore, #tpu.memory_space<semaphore_mem>>)
    %dma_wait3A_426 = arith.constant 15 : i32
    %dma_wait3A_427 = arith.constant 0 : i32
    %dma_wait3A_428 = tpu.memref_slice %arg5[%dma_wait3A_426, %dma_wait3A_427] : memref<58x8xi32, #tpu.memory_space<vmem>> -> memref<1x8xi32, #tpu.memory_space<vmem>>
    %dma_wait3A_429 = tpu.memref_squeeze %dma_wait3A_428 : memref<1x8xi32, #tpu.memory_space<vmem>> -> memref<8xi32, #tpu.memory_space<vmem>>
    %dma_wait3A_430 = arith.constant 0 : i32
    %dma_wait3A_431 = arith.constant 0 : i32
    %dma_wait3A_432 = tpu.memref_slice %arg2[%dma_wait3A_430, %dma_wait3A_431] : memref<8192x2048xf32, #tpu.memory_space<hbm>> -> memref<8192x2048xf32, #tpu.memory_space<hbm>>
    tpu.wait_indirect_dma semaphore(%arg14 : memref<!tpu.dma_semaphore, #tpu.memory_space<semaphore_mem>>) src(%dma_wait3A_432 : memref<8192x2048xf32, #tpu.memory_space<hbm>>) dst(%arg7 : memref<8x2048xf32, #tpu.memory_space<vmem>>)
    %dma_start3A_433 = arith.constant 44 : i32
    %dma_start3A_434 = arith.constant 0 : i32
    %dma_start3A_435 = tpu.memref_slice %arg5[%dma_start3A_433, %dma_start3A_434] : memref<58x8xi32, #tpu.memory_space<vmem>> -> memref<1x8xi32, #tpu.memory_space<vmem>>
    %dma_start3A_436 = tpu.memref_squeeze %dma_start3A_435 : memref<1x8xi32, #tpu.memory_space<vmem>> -> memref<8xi32, #tpu.memory_space<vmem>>
    %dma_start3A_437 = arith.constant 0 : i32
    %dma_start3A_438 = arith.constant 0 : i32
    %dma_start3A_439 = tpu.memref_slice %arg4[%dma_start3A_437, %dma_start3A_438] : memref<7372x2048xf32, #tpu.memory_space<hbm>> -> memref<7372x2048xf32, #tpu.memory_space<hbm>>
    tpu.enqueue_indirect_dma source(%arg7 : memref<8x2048xf32, #tpu.memory_space<vmem>>) target(%dma_start3A_439 : memref<7372x2048xf32, #tpu.memory_space<hbm>>) offsets(%dma_start3A_436 : memref<8xi32, #tpu.memory_space<vmem>>) semaphore(%arg21 : memref<!tpu.dma_semaphore, #tpu.memory_space<semaphore_mem>>)
    %dma_wait3A_440 = arith.constant 41 : i32
    %dma_wait3A_441 = arith.constant 0 : i32
    %dma_wait3A_442 = tpu.memref_slice %arg5[%dma_wait3A_440, %dma_wait3A_441] : memref<58x8xi32, #tpu.memory_space<vmem>> -> memref<1x8xi32, #tpu.memory_space<vmem>>
    %dma_wait3A_443 = tpu.memref_squeeze %dma_wait3A_442 : memref<1x8xi32, #tpu.memory_space<vmem>> -> memref<8xi32, #tpu.memory_space<vmem>>
    %dma_wait3A_444 = arith.constant 0 : i32
    %dma_wait3A_445 = arith.constant 0 : i32
    %dma_wait3A_446 = tpu.memref_slice %arg4[%dma_wait3A_444, %dma_wait3A_445] : memref<7372x2048xf32, #tpu.memory_space<hbm>> -> memref<7372x2048xf32, #tpu.memory_space<hbm>>
    tpu.wait_indirect_dma semaphore(%arg25 : memref<!tpu.dma_semaphore, #tpu.memory_space<semaphore_mem>>) src(%arg11 : memref<8x2048xf32, #tpu.memory_space<vmem>>) dst(%dma_wait3A_446 : memref<7372x2048xf32, #tpu.memory_space<hbm>>)
    %dma_start3A_447 = arith.constant 19 : i32
    %dma_start3A_448 = arith.constant 0 : i32
    %dma_start3A_449 = tpu.memref_slice %arg5[%dma_start3A_447, %dma_start3A_448] : memref<58x8xi32, #tpu.memory_space<vmem>> -> memref<1x8xi32, #tpu.memory_space<vmem>>
    %dma_start3A_450 = tpu.memref_squeeze %dma_start3A_449 : memref<1x8xi32, #tpu.memory_space<vmem>> -> memref<8xi32, #tpu.memory_space<vmem>>
    %dma_start3A_451 = arith.constant 0 : i32
    %dma_start3A_452 = arith.constant 0 : i32
    %dma_start3A_453 = tpu.memref_slice %arg2[%dma_start3A_451, %dma_start3A_452] : memref<8192x2048xf32, #tpu.memory_space<hbm>> -> memref<8192x2048xf32, #tpu.memory_space<hbm>>
    tpu.enqueue_indirect_dma source(%dma_start3A_453 : memref<8192x2048xf32, #tpu.memory_space<hbm>>) target(%arg11 : memref<8x2048xf32, #tpu.memory_space<vmem>>) offsets(%dma_start3A_450 : memref<8xi32, #tpu.memory_space<vmem>>) semaphore(%arg18 : memref<!tpu.dma_semaphore, #tpu.memory_space<semaphore_mem>>)
    %dma_wait3A_454 = arith.constant 16 : i32
    %dma_wait3A_455 = arith.constant 0 : i32
    %dma_wait3A_456 = tpu.memref_slice %arg5[%dma_wait3A_454, %dma_wait3A_455] : memref<58x8xi32, #tpu.memory_space<vmem>> -> memref<1x8xi32, #tpu.memory_space<vmem>>
    %dma_wait3A_457 = tpu.memref_squeeze %dma_wait3A_456 : memref<1x8xi32, #tpu.memory_space<vmem>> -> memref<8xi32, #tpu.memory_space<vmem>>
    %dma_wait3A_458 = arith.constant 0 : i32
    %dma_wait3A_459 = arith.constant 0 : i32
    %dma_wait3A_460 = tpu.memref_slice %arg2[%dma_wait3A_458, %dma_wait3A_459] : memref<8192x2048xf32, #tpu.memory_space<hbm>> -> memref<8192x2048xf32, #tpu.memory_space<hbm>>
    tpu.wait_indirect_dma semaphore(%arg15 : memref<!tpu.dma_semaphore, #tpu.memory_space<semaphore_mem>>) src(%dma_wait3A_460 : memref<8192x2048xf32, #tpu.memory_space<hbm>>) dst(%arg8 : memref<8x2048xf32, #tpu.memory_space<vmem>>)
    %dma_start3A_461 = arith.constant 45 : i32
    %dma_start3A_462 = arith.constant 0 : i32
    %dma_start3A_463 = tpu.memref_slice %arg5[%dma_start3A_461, %dma_start3A_462] : memref<58x8xi32, #tpu.memory_space<vmem>> -> memref<1x8xi32, #tpu.memory_space<vmem>>
    %dma_start3A_464 = tpu.memref_squeeze %dma_start3A_463 : memref<1x8xi32, #tpu.memory_space<vmem>> -> memref<8xi32, #tpu.memory_space<vmem>>
    %dma_start3A_465 = arith.constant 0 : i32
    %dma_start3A_466 = arith.constant 0 : i32
    %dma_start3A_467 = tpu.memref_slice %arg4[%dma_start3A_465, %dma_start3A_466] : memref<7372x2048xf32, #tpu.memory_space<hbm>> -> memref<7372x2048xf32, #tpu.memory_space<hbm>>
    tpu.enqueue_indirect_dma source(%arg8 : memref<8x2048xf32, #tpu.memory_space<vmem>>) target(%dma_start3A_467 : memref<7372x2048xf32, #tpu.memory_space<hbm>>) offsets(%dma_start3A_464 : memref<8xi32, #tpu.memory_space<vmem>>) semaphore(%arg22 : memref<!tpu.dma_semaphore, #tpu.memory_space<semaphore_mem>>)
    %dma_wait3A_468 = arith.constant 42 : i32
    %dma_wait3A_469 = arith.constant 0 : i32
    %dma_wait3A_470 = tpu.memref_slice %arg5[%dma_wait3A_468, %dma_wait3A_469] : memref<58x8xi32, #tpu.memory_space<vmem>> -> memref<1x8xi32, #tpu.memory_space<vmem>>
    %dma_wait3A_471 = tpu.memref_squeeze %dma_wait3A_470 : memref<1x8xi32, #tpu.memory_space<vmem>> -> memref<8xi32, #tpu.memory_space<vmem>>
    %dma_wait3A_472 = arith.constant 0 : i32
    %dma_wait3A_473 = arith.constant 0 : i32
    %dma_wait3A_474 = tpu.memref_slice %arg4[%dma_wait3A_472, %dma_wait3A_473] : memref<7372x2048xf32, #tpu.memory_space<hbm>> -> memref<7372x2048xf32, #tpu.memory_space<hbm>>
    tpu.wait_indirect_dma semaphore(%arg26 : memref<!tpu.dma_semaphore, #tpu.memory_space<semaphore_mem>>) src(%arg12 : memref<8x2048xf32, #tpu.memory_space<vmem>>) dst(%dma_wait3A_474 : memref<7372x2048xf32, #tpu.memory_space<hbm>>)
    %dma_start3A_475 = arith.constant 20 : i32
    %dma_start3A_476 = arith.constant 0 : i32
    %dma_start3A_477 = tpu.memref_slice %arg5[%dma_start3A_475, %dma_start3A_476] : memref<58x8xi32, #tpu.memory_space<vmem>> -> memref<1x8xi32, #tpu.memory_space<vmem>>
    %dma_start3A_478 = tpu.memref_squeeze %dma_start3A_477 : memref<1x8xi32, #tpu.memory_space<vmem>> -> memref<8xi32, #tpu.memory_space<vmem>>
    %dma_start3A_479 = arith.constant 0 : i32
    %dma_start3A_480 = arith.constant 0 : i32
    %dma_start3A_481 = tpu.memref_slice %arg2[%dma_start3A_479, %dma_start3A_480] : memref<8192x2048xf32, #tpu.memory_space<hbm>> -> memref<8192x2048xf32, #tpu.memory_space<hbm>>
    tpu.enqueue_indirect_dma source(%dma_start3A_481 : memref<8192x2048xf32, #tpu.memory_space<hbm>>) target(%arg12 : memref<8x2048xf32, #tpu.memory_space<vmem>>) offsets(%dma_start3A_478 : memref<8xi32, #tpu.memory_space<vmem>>) semaphore(%arg19 : memref<!tpu.dma_semaphore, #tpu.memory_space<semaphore_mem>>)
    %dma_wait3A_482 = arith.constant 17 : i32
    %dma_wait3A_483 = arith.constant 0 : i32
    %dma_wait3A_484 = tpu.memref_slice %arg5[%dma_wait3A_482, %dma_wait3A_483] : memref<58x8xi32, #tpu.memory_space<vmem>> -> memref<1x8xi32, #tpu.memory_space<vmem>>
    %dma_wait3A_485 = tpu.memref_squeeze %dma_wait3A_484 : memref<1x8xi32, #tpu.memory_space<vmem>> -> memref<8xi32, #tpu.memory_space<vmem>>
    %dma_wait3A_486 = arith.constant 0 : i32
    %dma_wait3A_487 = arith.constant 0 : i32
    %dma_wait3A_488 = tpu.memref_slice %arg2[%dma_wait3A_486, %dma_wait3A_487] : memref<8192x2048xf32, #tpu.memory_space<hbm>> -> memref<8192x2048xf32, #tpu.memory_space<hbm>>
    tpu.wait_indirect_dma semaphore(%arg16 : memref<!tpu.dma_semaphore, #tpu.memory_space<semaphore_mem>>) src(%dma_wait3A_488 : memref<8192x2048xf32, #tpu.memory_space<hbm>>) dst(%arg9 : memref<8x2048xf32, #tpu.memory_space<vmem>>)
    %dma_start3A_489 = arith.constant 46 : i32
    %dma_start3A_490 = arith.constant 0 : i32
    %dma_start3A_491 = tpu.memref_slice %arg5[%dma_start3A_489, %dma_start3A_490] : memref<58x8xi32, #tpu.memory_space<vmem>> -> memref<1x8xi32, #tpu.memory_space<vmem>>
    %dma_start3A_492 = tpu.memref_squeeze %dma_start3A_491 : memref<1x8xi32, #tpu.memory_space<vmem>> -> memref<8xi32, #tpu.memory_space<vmem>>
    %dma_start3A_493 = arith.constant 0 : i32
    %dma_start3A_494 = arith.constant 0 : i32
    %dma_start3A_495 = tpu.memref_slice %arg4[%dma_start3A_493, %dma_start3A_494] : memref<7372x2048xf32, #tpu.memory_space<hbm>> -> memref<7372x2048xf32, #tpu.memory_space<hbm>>
    tpu.enqueue_indirect_dma source(%arg9 : memref<8x2048xf32, #tpu.memory_space<vmem>>) target(%dma_start3A_495 : memref<7372x2048xf32, #tpu.memory_space<hbm>>) offsets(%dma_start3A_492 : memref<8xi32, #tpu.memory_space<vmem>>) semaphore(%arg23 : memref<!tpu.dma_semaphore, #tpu.memory_space<semaphore_mem>>)
    %dma_wait3A_496 = arith.constant 43 : i32
    %dma_wait3A_497 = arith.constant 0 : i32
    %dma_wait3A_498 = tpu.memref_slice %arg5[%dma_wait3A_496, %dma_wait3A_497] : memref<58x8xi32, #tpu.memory_space<vmem>> -> memref<1x8xi32, #tpu.memory_space<vmem>>
    %dma_wait3A_499 = tpu.memref_squeeze %dma_wait3A_498 : memref<1x8xi32, #tpu.memory_space<vmem>> -> memref<8xi32, #tpu.memory_space<vmem>>
    %dma_wait3A_500 = arith.constant 0 : i32
    %dma_wait3A_501 = arith.constant 0 : i32
    %dma_wait3A_502 = tpu.memref_slice %arg4[%dma_wait3A_500, %dma_wait3A_501] : memref<7372x2048xf32, #tpu.memory_space<hbm>> -> memref<7372x2048xf32, #tpu.memory_space<hbm>>
    tpu.wait_indirect_dma semaphore(%arg20 : memref<!tpu.dma_semaphore, #tpu.memory_space<semaphore_mem>>) src(%arg6 : memref<8x2048xf32, #tpu.memory_space<vmem>>) dst(%dma_wait3A_502 : memref<7372x2048xf32, #tpu.memory_space<hbm>>)
    %dma_start3A_503 = arith.constant 21 : i32
    %dma_start3A_504 = arith.constant 0 : i32
    %dma_start3A_505 = tpu.memref_slice %arg5[%dma_start3A_503, %dma_start3A_504] : memref<58x8xi32, #tpu.memory_space<vmem>> -> memref<1x8xi32, #tpu.memory_space<vmem>>
    %dma_start3A_506 = tpu.memref_squeeze %dma_start3A_505 : memref<1x8xi32, #tpu.memory_space<vmem>> -> memref<8xi32, #tpu.memory_space<vmem>>
    %dma_start3A_507 = arith.constant 0 : i32
    %dma_start3A_508 = arith.constant 0 : i32
    %dma_start3A_509 = tpu.memref_slice %arg2[%dma_start3A_507, %dma_start3A_508] : memref<8192x2048xf32, #tpu.memory_space<hbm>> -> memref<8192x2048xf32, #tpu.memory_space<hbm>>
    tpu.enqueue_indirect_dma source(%dma_start3A_509 : memref<8192x2048xf32, #tpu.memory_space<hbm>>) target(%arg6 : memref<8x2048xf32, #tpu.memory_space<vmem>>) offsets(%dma_start3A_506 : memref<8xi32, #tpu.memory_space<vmem>>) semaphore(%arg13 : memref<!tpu.dma_semaphore, #tpu.memory_space<semaphore_mem>>)
    %dma_wait3A_510 = arith.constant 18 : i32
    %dma_wait3A_511 = arith.constant 0 : i32
    %dma_wait3A_512 = tpu.memref_slice %arg5[%dma_wait3A_510, %dma_wait3A_511] : memref<58x8xi32, #tpu.memory_space<vmem>> -> memref<1x8xi32, #tpu.memory_space<vmem>>
    %dma_wait3A_513 = tpu.memref_squeeze %dma_wait3A_512 : memref<1x8xi32, #tpu.memory_space<vmem>> -> memref<8xi32, #tpu.memory_space<vmem>>
    %dma_wait3A_514 = arith.constant 0 : i32
    %dma_wait3A_515 = arith.constant 0 : i32
    %dma_wait3A_516 = tpu.memref_slice %arg2[%dma_wait3A_514, %dma_wait3A_515] : memref<8192x2048xf32, #tpu.memory_space<hbm>> -> memref<8192x2048xf32, #tpu.memory_space<hbm>>
    tpu.wait_indirect_dma semaphore(%arg17 : memref<!tpu.dma_semaphore, #tpu.memory_space<semaphore_mem>>) src(%dma_wait3A_516 : memref<8192x2048xf32, #tpu.memory_space<hbm>>) dst(%arg10 : memref<8x2048xf32, #tpu.memory_space<vmem>>)
    %dma_start3A_517 = arith.constant 47 : i32
    %dma_start3A_518 = arith.constant 0 : i32
    %dma_start3A_519 = tpu.memref_slice %arg5[%dma_start3A_517, %dma_start3A_518] : memref<58x8xi32, #tpu.memory_space<vmem>> -> memref<1x8xi32, #tpu.memory_space<vmem>>
    %dma_start3A_520 = tpu.memref_squeeze %dma_start3A_519 : memref<1x8xi32, #tpu.memory_space<vmem>> -> memref<8xi32, #tpu.memory_space<vmem>>
    %dma_start3A_521 = arith.constant 0 : i32
    %dma_start3A_522 = arith.constant 0 : i32
    %dma_start3A_523 = tpu.memref_slice %arg4[%dma_start3A_521, %dma_start3A_522] : memref<7372x2048xf32, #tpu.memory_space<hbm>> -> memref<7372x2048xf32, #tpu.memory_space<hbm>>
    tpu.enqueue_indirect_dma source(%arg10 : memref<8x2048xf32, #tpu.memory_space<vmem>>) target(%dma_start3A_523 : memref<7372x2048xf32, #tpu.memory_space<hbm>>) offsets(%dma_start3A_520 : memref<8xi32, #tpu.memory_space<vmem>>) semaphore(%arg24 : memref<!tpu.dma_semaphore, #tpu.memory_space<semaphore_mem>>)
    %dma_wait3A_524 = arith.constant 44 : i32
    %dma_wait3A_525 = arith.constant 0 : i32
    %dma_wait3A_526 = tpu.memref_slice %arg5[%dma_wait3A_524, %dma_wait3A_525] : memref<58x8xi32, #tpu.memory_space<vmem>> -> memref<1x8xi32, #tpu.memory_space<vmem>>
    %dma_wait3A_527 = tpu.memref_squeeze %dma_wait3A_526 : memref<1x8xi32, #tpu.memory_space<vmem>> -> memref<8xi32, #tpu.memory_space<vmem>>
    %dma_wait3A_528 = arith.constant 0 : i32
    %dma_wait3A_529 = arith.constant 0 : i32
    %dma_wait3A_530 = tpu.memref_slice %arg4[%dma_wait3A_528, %dma_wait3A_529] : memref<7372x2048xf32, #tpu.memory_space<hbm>> -> memref<7372x2048xf32, #tpu.memory_space<hbm>>
    tpu.wait_indirect_dma semaphore(%arg21 : memref<!tpu.dma_semaphore, #tpu.memory_space<semaphore_mem>>) src(%arg7 : memref<8x2048xf32, #tpu.memory_space<vmem>>) dst(%dma_wait3A_530 : memref<7372x2048xf32, #tpu.memory_space<hbm>>)
    %dma_start3A_531 = arith.constant 22 : i32
    %dma_start3A_532 = arith.constant 0 : i32
    %dma_start3A_533 = tpu.memref_slice %arg5[%dma_start3A_531, %dma_start3A_532] : memref<58x8xi32, #tpu.memory_space<vmem>> -> memref<1x8xi32, #tpu.memory_space<vmem>>
    %dma_start3A_534 = tpu.memref_squeeze %dma_start3A_533 : memref<1x8xi32, #tpu.memory_space<vmem>> -> memref<8xi32, #tpu.memory_space<vmem>>
    %dma_start3A_535 = arith.constant 0 : i32
    %dma_start3A_536 = arith.constant 0 : i32
    %dma_start3A_537 = tpu.memref_slice %arg2[%dma_start3A_535, %dma_start3A_536] : memref<8192x2048xf32, #tpu.memory_space<hbm>> -> memref<8192x2048xf32, #tpu.memory_space<hbm>>
    tpu.enqueue_indirect_dma source(%dma_start3A_537 : memref<8192x2048xf32, #tpu.memory_space<hbm>>) target(%arg7 : memref<8x2048xf32, #tpu.memory_space<vmem>>) offsets(%dma_start3A_534 : memref<8xi32, #tpu.memory_space<vmem>>) semaphore(%arg14 : memref<!tpu.dma_semaphore, #tpu.memory_space<semaphore_mem>>)
    %dma_wait3A_538 = arith.constant 19 : i32
    %dma_wait3A_539 = arith.constant 0 : i32
    %dma_wait3A_540 = tpu.memref_slice %arg5[%dma_wait3A_538, %dma_wait3A_539] : memref<58x8xi32, #tpu.memory_space<vmem>> -> memref<1x8xi32, #tpu.memory_space<vmem>>
    %dma_wait3A_541 = tpu.memref_squeeze %dma_wait3A_540 : memref<1x8xi32, #tpu.memory_space<vmem>> -> memref<8xi32, #tpu.memory_space<vmem>>
    %dma_wait3A_542 = arith.constant 0 : i32
    %dma_wait3A_543 = arith.constant 0 : i32
    %dma_wait3A_544 = tpu.memref_slice %arg2[%dma_wait3A_542, %dma_wait3A_543] : memref<8192x2048xf32, #tpu.memory_space<hbm>> -> memref<8192x2048xf32, #tpu.memory_space<hbm>>
    tpu.wait_indirect_dma semaphore(%arg18 : memref<!tpu.dma_semaphore, #tpu.memory_space<semaphore_mem>>) src(%dma_wait3A_544 : memref<8192x2048xf32, #tpu.memory_space<hbm>>) dst(%arg11 : memref<8x2048xf32, #tpu.memory_space<vmem>>)
    %dma_start3A_545 = arith.constant 48 : i32
    %dma_start3A_546 = arith.constant 0 : i32
    %dma_start3A_547 = tpu.memref_slice %arg5[%dma_start3A_545, %dma_start3A_546] : memref<58x8xi32, #tpu.memory_space<vmem>> -> memref<1x8xi32, #tpu.memory_space<vmem>>
    %dma_start3A_548 = tpu.memref_squeeze %dma_start3A_547 : memref<1x8xi32, #tpu.memory_space<vmem>> -> memref<8xi32, #tpu.memory_space<vmem>>
    %dma_start3A_549 = arith.constant 0 : i32
    %dma_start3A_550 = arith.constant 0 : i32
    %dma_start3A_551 = tpu.memref_slice %arg4[%dma_start3A_549, %dma_start3A_550] : memref<7372x2048xf32, #tpu.memory_space<hbm>> -> memref<7372x2048xf32, #tpu.memory_space<hbm>>
    tpu.enqueue_indirect_dma source(%arg11 : memref<8x2048xf32, #tpu.memory_space<vmem>>) target(%dma_start3A_551 : memref<7372x2048xf32, #tpu.memory_space<hbm>>) offsets(%dma_start3A_548 : memref<8xi32, #tpu.memory_space<vmem>>) semaphore(%arg25 : memref<!tpu.dma_semaphore, #tpu.memory_space<semaphore_mem>>)
    %dma_wait3A_552 = arith.constant 45 : i32
    %dma_wait3A_553 = arith.constant 0 : i32
    %dma_wait3A_554 = tpu.memref_slice %arg5[%dma_wait3A_552, %dma_wait3A_553] : memref<58x8xi32, #tpu.memory_space<vmem>> -> memref<1x8xi32, #tpu.memory_space<vmem>>
    %dma_wait3A_555 = tpu.memref_squeeze %dma_wait3A_554 : memref<1x8xi32, #tpu.memory_space<vmem>> -> memref<8xi32, #tpu.memory_space<vmem>>
    %dma_wait3A_556 = arith.constant 0 : i32
    %dma_wait3A_557 = arith.constant 0 : i32
    %dma_wait3A_558 = tpu.memref_slice %arg4[%dma_wait3A_556, %dma_wait3A_557] : memref<7372x2048xf32, #tpu.memory_space<hbm>> -> memref<7372x2048xf32, #tpu.memory_space<hbm>>
    tpu.wait_indirect_dma semaphore(%arg22 : memref<!tpu.dma_semaphore, #tpu.memory_space<semaphore_mem>>) src(%arg8 : memref<8x2048xf32, #tpu.memory_space<vmem>>) dst(%dma_wait3A_558 : memref<7372x2048xf32, #tpu.memory_space<hbm>>)
    %dma_start3A_559 = arith.constant 23 : i32
    %dma_start3A_560 = arith.constant 0 : i32
    %dma_start3A_561 = tpu.memref_slice %arg5[%dma_start3A_559, %dma_start3A_560] : memref<58x8xi32, #tpu.memory_space<vmem>> -> memref<1x8xi32, #tpu.memory_space<vmem>>
    %dma_start3A_562 = tpu.memref_squeeze %dma_start3A_561 : memref<1x8xi32, #tpu.memory_space<vmem>> -> memref<8xi32, #tpu.memory_space<vmem>>
    %dma_start3A_563 = arith.constant 0 : i32
    %dma_start3A_564 = arith.constant 0 : i32
    %dma_start3A_565 = tpu.memref_slice %arg2[%dma_start3A_563, %dma_start3A_564] : memref<8192x2048xf32, #tpu.memory_space<hbm>> -> memref<8192x2048xf32, #tpu.memory_space<hbm>>
    tpu.enqueue_indirect_dma source(%dma_start3A_565 : memref<8192x2048xf32, #tpu.memory_space<hbm>>) target(%arg8 : memref<8x2048xf32, #tpu.memory_space<vmem>>) offsets(%dma_start3A_562 : memref<8xi32, #tpu.memory_space<vmem>>) semaphore(%arg15 : memref<!tpu.dma_semaphore, #tpu.memory_space<semaphore_mem>>)
    %dma_wait3A_566 = arith.constant 20 : i32
    %dma_wait3A_567 = arith.constant 0 : i32
    %dma_wait3A_568 = tpu.memref_slice %arg5[%dma_wait3A_566, %dma_wait3A_567] : memref<58x8xi32, #tpu.memory_space<vmem>> -> memref<1x8xi32, #tpu.memory_space<vmem>>
    %dma_wait3A_569 = tpu.memref_squeeze %dma_wait3A_568 : memref<1x8xi32, #tpu.memory_space<vmem>> -> memref<8xi32, #tpu.memory_space<vmem>>
    %dma_wait3A_570 = arith.constant 0 : i32
    %dma_wait3A_571 = arith.constant 0 : i32
    %dma_wait3A_572 = tpu.memref_slice %arg2[%dma_wait3A_570, %dma_wait3A_571] : memref<8192x2048xf32, #tpu.memory_space<hbm>> -> memref<8192x2048xf32, #tpu.memory_space<hbm>>
    tpu.wait_indirect_dma semaphore(%arg19 : memref<!tpu.dma_semaphore, #tpu.memory_space<semaphore_mem>>) src(%dma_wait3A_572 : memref<8192x2048xf32, #tpu.memory_space<hbm>>) dst(%arg12 : memref<8x2048xf32, #tpu.memory_space<vmem>>)
    %dma_start3A_573 = arith.constant 49 : i32
    %dma_start3A_574 = arith.constant 0 : i32
    %dma_start3A_575 = tpu.memref_slice %arg5[%dma_start3A_573, %dma_start3A_574] : memref<58x8xi32, #tpu.memory_space<vmem>> -> memref<1x8xi32, #tpu.memory_space<vmem>>
    %dma_start3A_576 = tpu.memref_squeeze %dma_start3A_575 : memref<1x8xi32, #tpu.memory_space<vmem>> -> memref<8xi32, #tpu.memory_space<vmem>>
    %dma_start3A_577 = arith.constant 0 : i32
    %dma_start3A_578 = arith.constant 0 : i32
    %dma_start3A_579 = tpu.memref_slice %arg4[%dma_start3A_577, %dma_start3A_578] : memref<7372x2048xf32, #tpu.memory_space<hbm>> -> memref<7372x2048xf32, #tpu.memory_space<hbm>>
    tpu.enqueue_indirect_dma source(%arg12 : memref<8x2048xf32, #tpu.memory_space<vmem>>) target(%dma_start3A_579 : memref<7372x2048xf32, #tpu.memory_space<hbm>>) offsets(%dma_start3A_576 : memref<8xi32, #tpu.memory_space<vmem>>) semaphore(%arg26 : memref<!tpu.dma_semaphore, #tpu.memory_space<semaphore_mem>>)
    %dma_wait3A_580 = arith.constant 46 : i32
    %dma_wait3A_581 = arith.constant 0 : i32
    %dma_wait3A_582 = tpu.memref_slice %arg5[%dma_wait3A_580, %dma_wait3A_581] : memref<58x8xi32, #tpu.memory_space<vmem>> -> memref<1x8xi32, #tpu.memory_space<vmem>>
    %dma_wait3A_583 = tpu.memref_squeeze %dma_wait3A_582 : memref<1x8xi32, #tpu.memory_space<vmem>> -> memref<8xi32, #tpu.memory_space<vmem>>
    %dma_wait3A_584 = arith.constant 0 : i32
    %dma_wait3A_585 = arith.constant 0 : i32
    %dma_wait3A_586 = tpu.memref_slice %arg4[%dma_wait3A_584, %dma_wait3A_585] : memref<7372x2048xf32, #tpu.memory_space<hbm>> -> memref<7372x2048xf32, #tpu.memory_space<hbm>>
    tpu.wait_indirect_dma semaphore(%arg23 : memref<!tpu.dma_semaphore, #tpu.memory_space<semaphore_mem>>) src(%arg9 : memref<8x2048xf32, #tpu.memory_space<vmem>>) dst(%dma_wait3A_586 : memref<7372x2048xf32, #tpu.memory_space<hbm>>)
    %dma_start3A_587 = arith.constant 24 : i32
    %dma_start3A_588 = arith.constant 0 : i32
    %dma_start3A_589 = tpu.memref_slice %arg5[%dma_start3A_587, %dma_start3A_588] : memref<58x8xi32, #tpu.memory_space<vmem>> -> memref<1x8xi32, #tpu.memory_space<vmem>>
    %dma_start3A_590 = tpu.memref_squeeze %dma_start3A_589 : memref<1x8xi32, #tpu.memory_space<vmem>> -> memref<8xi32, #tpu.memory_space<vmem>>
    %dma_start3A_591 = arith.constant 0 : i32
    %dma_start3A_592 = arith.constant 0 : i32
    %dma_start3A_593 = tpu.memref_slice %arg2[%dma_start3A_591, %dma_start3A_592] : memref<8192x2048xf32, #tpu.memory_space<hbm>> -> memref<8192x2048xf32, #tpu.memory_space<hbm>>
    tpu.enqueue_indirect_dma source(%dma_start3A_593 : memref<8192x2048xf32, #tpu.memory_space<hbm>>) target(%arg9 : memref<8x2048xf32, #tpu.memory_space<vmem>>) offsets(%dma_start3A_590 : memref<8xi32, #tpu.memory_space<vmem>>) semaphore(%arg16 : memref<!tpu.dma_semaphore, #tpu.memory_space<semaphore_mem>>)
    %dma_wait3A_594 = arith.constant 21 : i32
    %dma_wait3A_595 = arith.constant 0 : i32
    %dma_wait3A_596 = tpu.memref_slice %arg5[%dma_wait3A_594, %dma_wait3A_595] : memref<58x8xi32, #tpu.memory_space<vmem>> -> memref<1x8xi32, #tpu.memory_space<vmem>>
    %dma_wait3A_597 = tpu.memref_squeeze %dma_wait3A_596 : memref<1x8xi32, #tpu.memory_space<vmem>> -> memref<8xi32, #tpu.memory_space<vmem>>
    %dma_wait3A_598 = arith.constant 0 : i32
    %dma_wait3A_599 = arith.constant 0 : i32
    %dma_wait3A_600 = tpu.memref_slice %arg2[%dma_wait3A_598, %dma_wait3A_599] : memref<8192x2048xf32, #tpu.memory_space<hbm>> -> memref<8192x2048xf32, #tpu.memory_space<hbm>>
    tpu.wait_indirect_dma semaphore(%arg13 : memref<!tpu.dma_semaphore, #tpu.memory_space<semaphore_mem>>) src(%dma_wait3A_600 : memref<8192x2048xf32, #tpu.memory_space<hbm>>) dst(%arg6 : memref<8x2048xf32, #tpu.memory_space<vmem>>)
    %dma_start3A_601 = arith.constant 50 : i32
    %dma_start3A_602 = arith.constant 0 : i32
    %dma_start3A_603 = tpu.memref_slice %arg5[%dma_start3A_601, %dma_start3A_602] : memref<58x8xi32, #tpu.memory_space<vmem>> -> memref<1x8xi32, #tpu.memory_space<vmem>>
    %dma_start3A_604 = tpu.memref_squeeze %dma_start3A_603 : memref<1x8xi32, #tpu.memory_space<vmem>> -> memref<8xi32, #tpu.memory_space<vmem>>
    %dma_start3A_605 = arith.constant 0 : i32
    %dma_start3A_606 = arith.constant 0 : i32
    %dma_start3A_607 = tpu.memref_slice %arg4[%dma_start3A_605, %dma_start3A_606] : memref<7372x2048xf32, #tpu.memory_space<hbm>> -> memref<7372x2048xf32, #tpu.memory_space<hbm>>
    tpu.enqueue_indirect_dma source(%arg6 : memref<8x2048xf32, #tpu.memory_space<vmem>>) target(%dma_start3A_607 : memref<7372x2048xf32, #tpu.memory_space<hbm>>) offsets(%dma_start3A_604 : memref<8xi32, #tpu.memory_space<vmem>>) semaphore(%arg20 : memref<!tpu.dma_semaphore, #tpu.memory_space<semaphore_mem>>)
    %dma_wait3A_608 = arith.constant 47 : i32
    %dma_wait3A_609 = arith.constant 0 : i32
    %dma_wait3A_610 = tpu.memref_slice %arg5[%dma_wait3A_608, %dma_wait3A_609] : memref<58x8xi32, #tpu.memory_space<vmem>> -> memref<1x8xi32, #tpu.memory_space<vmem>>
    %dma_wait3A_611 = tpu.memref_squeeze %dma_wait3A_610 : memref<1x8xi32, #tpu.memory_space<vmem>> -> memref<8xi32, #tpu.memory_space<vmem>>
    %dma_wait3A_612 = arith.constant 0 : i32
    %dma_wait3A_613 = arith.constant 0 : i32
    %dma_wait3A_614 = tpu.memref_slice %arg4[%dma_wait3A_612, %dma_wait3A_613] : memref<7372x2048xf32, #tpu.memory_space<hbm>> -> memref<7372x2048xf32, #tpu.memory_space<hbm>>
    tpu.wait_indirect_dma semaphore(%arg24 : memref<!tpu.dma_semaphore, #tpu.memory_space<semaphore_mem>>) src(%arg10 : memref<8x2048xf32, #tpu.memory_space<vmem>>) dst(%dma_wait3A_614 : memref<7372x2048xf32, #tpu.memory_space<hbm>>)
    %dma_start3A_615 = arith.constant 25 : i32
    %dma_start3A_616 = arith.constant 0 : i32
    %dma_start3A_617 = tpu.memref_slice %arg5[%dma_start3A_615, %dma_start3A_616] : memref<58x8xi32, #tpu.memory_space<vmem>> -> memref<1x8xi32, #tpu.memory_space<vmem>>
    %dma_start3A_618 = tpu.memref_squeeze %dma_start3A_617 : memref<1x8xi32, #tpu.memory_space<vmem>> -> memref<8xi32, #tpu.memory_space<vmem>>
    %dma_start3A_619 = arith.constant 0 : i32
    %dma_start3A_620 = arith.constant 0 : i32
    %dma_start3A_621 = tpu.memref_slice %arg2[%dma_start3A_619, %dma_start3A_620] : memref<8192x2048xf32, #tpu.memory_space<hbm>> -> memref<8192x2048xf32, #tpu.memory_space<hbm>>
    tpu.enqueue_indirect_dma source(%dma_start3A_621 : memref<8192x2048xf32, #tpu.memory_space<hbm>>) target(%arg10 : memref<8x2048xf32, #tpu.memory_space<vmem>>) offsets(%dma_start3A_618 : memref<8xi32, #tpu.memory_space<vmem>>) semaphore(%arg17 : memref<!tpu.dma_semaphore, #tpu.memory_space<semaphore_mem>>)
    %dma_wait3A_622 = arith.constant 22 : i32
    %dma_wait3A_623 = arith.constant 0 : i32
    %dma_wait3A_624 = tpu.memref_slice %arg5[%dma_wait3A_622, %dma_wait3A_623] : memref<58x8xi32, #tpu.memory_space<vmem>> -> memref<1x8xi32, #tpu.memory_space<vmem>>
    %dma_wait3A_625 = tpu.memref_squeeze %dma_wait3A_624 : memref<1x8xi32, #tpu.memory_space<vmem>> -> memref<8xi32, #tpu.memory_space<vmem>>
    %dma_wait3A_626 = arith.constant 0 : i32
    %dma_wait3A_627 = arith.constant 0 : i32
    %dma_wait3A_628 = tpu.memref_slice %arg2[%dma_wait3A_626, %dma_wait3A_627] : memref<8192x2048xf32, #tpu.memory_space<hbm>> -> memref<8192x2048xf32, #tpu.memory_space<hbm>>
    tpu.wait_indirect_dma semaphore(%arg14 : memref<!tpu.dma_semaphore, #tpu.memory_space<semaphore_mem>>) src(%dma_wait3A_628 : memref<8192x2048xf32, #tpu.memory_space<hbm>>) dst(%arg7 : memref<8x2048xf32, #tpu.memory_space<vmem>>)
    %dma_start3A_629 = arith.constant 51 : i32
    %dma_start3A_630 = arith.constant 0 : i32
    %dma_start3A_631 = tpu.memref_slice %arg5[%dma_start3A_629, %dma_start3A_630] : memref<58x8xi32, #tpu.memory_space<vmem>> -> memref<1x8xi32, #tpu.memory_space<vmem>>
    %dma_start3A_632 = tpu.memref_squeeze %dma_start3A_631 : memref<1x8xi32, #tpu.memory_space<vmem>> -> memref<8xi32, #tpu.memory_space<vmem>>
    %dma_start3A_633 = arith.constant 0 : i32
    %dma_start3A_634 = arith.constant 0 : i32
    %dma_start3A_635 = tpu.memref_slice %arg4[%dma_start3A_633, %dma_start3A_634] : memref<7372x2048xf32, #tpu.memory_space<hbm>> -> memref<7372x2048xf32, #tpu.memory_space<hbm>>
    tpu.enqueue_indirect_dma source(%arg7 : memref<8x2048xf32, #tpu.memory_space<vmem>>) target(%dma_start3A_635 : memref<7372x2048xf32, #tpu.memory_space<hbm>>) offsets(%dma_start3A_632 : memref<8xi32, #tpu.memory_space<vmem>>) semaphore(%arg21 : memref<!tpu.dma_semaphore, #tpu.memory_space<semaphore_mem>>)
    %dma_wait3A_636 = arith.constant 48 : i32
    %dma_wait3A_637 = arith.constant 0 : i32
    %dma_wait3A_638 = tpu.memref_slice %arg5[%dma_wait3A_636, %dma_wait3A_637] : memref<58x8xi32, #tpu.memory_space<vmem>> -> memref<1x8xi32, #tpu.memory_space<vmem>>
    %dma_wait3A_639 = tpu.memref_squeeze %dma_wait3A_638 : memref<1x8xi32, #tpu.memory_space<vmem>> -> memref<8xi32, #tpu.memory_space<vmem>>
    %dma_wait3A_640 = arith.constant 0 : i32
    %dma_wait3A_641 = arith.constant 0 : i32
    %dma_wait3A_642 = tpu.memref_slice %arg4[%dma_wait3A_640, %dma_wait3A_641] : memref<7372x2048xf32, #tpu.memory_space<hbm>> -> memref<7372x2048xf32, #tpu.memory_space<hbm>>
    tpu.wait_indirect_dma semaphore(%arg25 : memref<!tpu.dma_semaphore, #tpu.memory_space<semaphore_mem>>) src(%arg11 : memref<8x2048xf32, #tpu.memory_space<vmem>>) dst(%dma_wait3A_642 : memref<7372x2048xf32, #tpu.memory_space<hbm>>)
    %dma_start3A_643 = arith.constant 26 : i32
    %dma_start3A_644 = arith.constant 0 : i32
    %dma_start3A_645 = tpu.memref_slice %arg5[%dma_start3A_643, %dma_start3A_644] : memref<58x8xi32, #tpu.memory_space<vmem>> -> memref<1x8xi32, #tpu.memory_space<vmem>>
    %dma_start3A_646 = tpu.memref_squeeze %dma_start3A_645 : memref<1x8xi32, #tpu.memory_space<vmem>> -> memref<8xi32, #tpu.memory_space<vmem>>
    %dma_start3A_647 = arith.constant 0 : i32
    %dma_start3A_648 = arith.constant 0 : i32
    %dma_start3A_649 = tpu.memref_slice %arg2[%dma_start3A_647, %dma_start3A_648] : memref<8192x2048xf32, #tpu.memory_space<hbm>> -> memref<8192x2048xf32, #tpu.memory_space<hbm>>
    tpu.enqueue_indirect_dma source(%dma_start3A_649 : memref<8192x2048xf32, #tpu.memory_space<hbm>>) target(%arg11 : memref<8x2048xf32, #tpu.memory_space<vmem>>) offsets(%dma_start3A_646 : memref<8xi32, #tpu.memory_space<vmem>>) semaphore(%arg18 : memref<!tpu.dma_semaphore, #tpu.memory_space<semaphore_mem>>)
    %dma_wait3A_650 = arith.constant 23 : i32
    %dma_wait3A_651 = arith.constant 0 : i32
    %dma_wait3A_652 = tpu.memref_slice %arg5[%dma_wait3A_650, %dma_wait3A_651] : memref<58x8xi32, #tpu.memory_space<vmem>> -> memref<1x8xi32, #tpu.memory_space<vmem>>
    %dma_wait3A_653 = tpu.memref_squeeze %dma_wait3A_652 : memref<1x8xi32, #tpu.memory_space<vmem>> -> memref<8xi32, #tpu.memory_space<vmem>>
    %dma_wait3A_654 = arith.constant 0 : i32
    %dma_wait3A_655 = arith.constant 0 : i32
    %dma_wait3A_656 = tpu.memref_slice %arg2[%dma_wait3A_654, %dma_wait3A_655] : memref<8192x2048xf32, #tpu.memory_space<hbm>> -> memref<8192x2048xf32, #tpu.memory_space<hbm>>
    tpu.wait_indirect_dma semaphore(%arg15 : memref<!tpu.dma_semaphore, #tpu.memory_space<semaphore_mem>>) src(%dma_wait3A_656 : memref<8192x2048xf32, #tpu.memory_space<hbm>>) dst(%arg8 : memref<8x2048xf32, #tpu.memory_space<vmem>>)
    %dma_start3A_657 = arith.constant 52 : i32
    %dma_start3A_658 = arith.constant 0 : i32
    %dma_start3A_659 = tpu.memref_slice %arg5[%dma_start3A_657, %dma_start3A_658] : memref<58x8xi32, #tpu.memory_space<vmem>> -> memref<1x8xi32, #tpu.memory_space<vmem>>
    %dma_start3A_660 = tpu.memref_squeeze %dma_start3A_659 : memref<1x8xi32, #tpu.memory_space<vmem>> -> memref<8xi32, #tpu.memory_space<vmem>>
    %dma_start3A_661 = arith.constant 0 : i32
    %dma_start3A_662 = arith.constant 0 : i32
    %dma_start3A_663 = tpu.memref_slice %arg4[%dma_start3A_661, %dma_start3A_662] : memref<7372x2048xf32, #tpu.memory_space<hbm>> -> memref<7372x2048xf32, #tpu.memory_space<hbm>>
    tpu.enqueue_indirect_dma source(%arg8 : memref<8x2048xf32, #tpu.memory_space<vmem>>) target(%dma_start3A_663 : memref<7372x2048xf32, #tpu.memory_space<hbm>>) offsets(%dma_start3A_660 : memref<8xi32, #tpu.memory_space<vmem>>) semaphore(%arg22 : memref<!tpu.dma_semaphore, #tpu.memory_space<semaphore_mem>>)
    %dma_wait3A_664 = arith.constant 49 : i32
    %dma_wait3A_665 = arith.constant 0 : i32
    %dma_wait3A_666 = tpu.memref_slice %arg5[%dma_wait3A_664, %dma_wait3A_665] : memref<58x8xi32, #tpu.memory_space<vmem>> -> memref<1x8xi32, #tpu.memory_space<vmem>>
    %dma_wait3A_667 = tpu.memref_squeeze %dma_wait3A_666 : memref<1x8xi32, #tpu.memory_space<vmem>> -> memref<8xi32, #tpu.memory_space<vmem>>
    %dma_wait3A_668 = arith.constant 0 : i32
    %dma_wait3A_669 = arith.constant 0 : i32
    %dma_wait3A_670 = tpu.memref_slice %arg4[%dma_wait3A_668, %dma_wait3A_669] : memref<7372x2048xf32, #tpu.memory_space<hbm>> -> memref<7372x2048xf32, #tpu.memory_space<hbm>>
    tpu.wait_indirect_dma semaphore(%arg26 : memref<!tpu.dma_semaphore, #tpu.memory_space<semaphore_mem>>) src(%arg12 : memref<8x2048xf32, #tpu.memory_space<vmem>>) dst(%dma_wait3A_670 : memref<7372x2048xf32, #tpu.memory_space<hbm>>)
    %dma_start3A_671 = arith.constant 27 : i32
    %dma_start3A_672 = arith.constant 0 : i32
    %dma_start3A_673 = tpu.memref_slice %arg5[%dma_start3A_671, %dma_start3A_672] : memref<58x8xi32, #tpu.memory_space<vmem>> -> memref<1x8xi32, #tpu.memory_space<vmem>>
    %dma_start3A_674 = tpu.memref_squeeze %dma_start3A_673 : memref<1x8xi32, #tpu.memory_space<vmem>> -> memref<8xi32, #tpu.memory_space<vmem>>
    %dma_start3A_675 = arith.constant 0 : i32
    %dma_start3A_676 = arith.constant 0 : i32
    %dma_start3A_677 = tpu.memref_slice %arg2[%dma_start3A_675, %dma_start3A_676] : memref<8192x2048xf32, #tpu.memory_space<hbm>> -> memref<8192x2048xf32, #tpu.memory_space<hbm>>
    tpu.enqueue_indirect_dma source(%dma_start3A_677 : memref<8192x2048xf32, #tpu.memory_space<hbm>>) target(%arg12 : memref<8x2048xf32, #tpu.memory_space<vmem>>) offsets(%dma_start3A_674 : memref<8xi32, #tpu.memory_space<vmem>>) semaphore(%arg19 : memref<!tpu.dma_semaphore, #tpu.memory_space<semaphore_mem>>)
    %dma_wait3A_678 = arith.constant 24 : i32
    %dma_wait3A_679 = arith.constant 0 : i32
    %dma_wait3A_680 = tpu.memref_slice %arg5[%dma_wait3A_678, %dma_wait3A_679] : memref<58x8xi32, #tpu.memory_space<vmem>> -> memref<1x8xi32, #tpu.memory_space<vmem>>
    %dma_wait3A_681 = tpu.memref_squeeze %dma_wait3A_680 : memref<1x8xi32, #tpu.memory_space<vmem>> -> memref<8xi32, #tpu.memory_space<vmem>>
    %dma_wait3A_682 = arith.constant 0 : i32
    %dma_wait3A_683 = arith.constant 0 : i32
    %dma_wait3A_684 = tpu.memref_slice %arg2[%dma_wait3A_682, %dma_wait3A_683] : memref<8192x2048xf32, #tpu.memory_space<hbm>> -> memref<8192x2048xf32, #tpu.memory_space<hbm>>
    tpu.wait_indirect_dma semaphore(%arg16 : memref<!tpu.dma_semaphore, #tpu.memory_space<semaphore_mem>>) src(%dma_wait3A_684 : memref<8192x2048xf32, #tpu.memory_space<hbm>>) dst(%arg9 : memref<8x2048xf32, #tpu.memory_space<vmem>>)
    %dma_start3A_685 = arith.constant 53 : i32
    %dma_start3A_686 = arith.constant 0 : i32
    %dma_start3A_687 = tpu.memref_slice %arg5[%dma_start3A_685, %dma_start3A_686] : memref<58x8xi32, #tpu.memory_space<vmem>> -> memref<1x8xi32, #tpu.memory_space<vmem>>
    %dma_start3A_688 = tpu.memref_squeeze %dma_start3A_687 : memref<1x8xi32, #tpu.memory_space<vmem>> -> memref<8xi32, #tpu.memory_space<vmem>>
    %dma_start3A_689 = arith.constant 0 : i32
    %dma_start3A_690 = arith.constant 0 : i32
    %dma_start3A_691 = tpu.memref_slice %arg4[%dma_start3A_689, %dma_start3A_690] : memref<7372x2048xf32, #tpu.memory_space<hbm>> -> memref<7372x2048xf32, #tpu.memory_space<hbm>>
    tpu.enqueue_indirect_dma source(%arg9 : memref<8x2048xf32, #tpu.memory_space<vmem>>) target(%dma_start3A_691 : memref<7372x2048xf32, #tpu.memory_space<hbm>>) offsets(%dma_start3A_688 : memref<8xi32, #tpu.memory_space<vmem>>) semaphore(%arg23 : memref<!tpu.dma_semaphore, #tpu.memory_space<semaphore_mem>>)
    %dma_wait3A_692 = arith.constant 50 : i32
    %dma_wait3A_693 = arith.constant 0 : i32
    %dma_wait3A_694 = tpu.memref_slice %arg5[%dma_wait3A_692, %dma_wait3A_693] : memref<58x8xi32, #tpu.memory_space<vmem>> -> memref<1x8xi32, #tpu.memory_space<vmem>>
    %dma_wait3A_695 = tpu.memref_squeeze %dma_wait3A_694 : memref<1x8xi32, #tpu.memory_space<vmem>> -> memref<8xi32, #tpu.memory_space<vmem>>
    %dma_wait3A_696 = arith.constant 0 : i32
    %dma_wait3A_697 = arith.constant 0 : i32
    %dma_wait3A_698 = tpu.memref_slice %arg4[%dma_wait3A_696, %dma_wait3A_697] : memref<7372x2048xf32, #tpu.memory_space<hbm>> -> memref<7372x2048xf32, #tpu.memory_space<hbm>>
    tpu.wait_indirect_dma semaphore(%arg20 : memref<!tpu.dma_semaphore, #tpu.memory_space<semaphore_mem>>) src(%arg6 : memref<8x2048xf32, #tpu.memory_space<vmem>>) dst(%dma_wait3A_698 : memref<7372x2048xf32, #tpu.memory_space<hbm>>)
    %dma_start3A_699 = arith.constant 28 : i32
    %dma_start3A_700 = arith.constant 0 : i32
    %dma_start3A_701 = tpu.memref_slice %arg5[%dma_start3A_699, %dma_start3A_700] : memref<58x8xi32, #tpu.memory_space<vmem>> -> memref<1x8xi32, #tpu.memory_space<vmem>>
    %dma_start3A_702 = tpu.memref_squeeze %dma_start3A_701 : memref<1x8xi32, #tpu.memory_space<vmem>> -> memref<8xi32, #tpu.memory_space<vmem>>
    %dma_start3A_703 = arith.constant 0 : i32
    %dma_start3A_704 = arith.constant 0 : i32
    %dma_start3A_705 = tpu.memref_slice %arg2[%dma_start3A_703, %dma_start3A_704] : memref<8192x2048xf32, #tpu.memory_space<hbm>> -> memref<8192x2048xf32, #tpu.memory_space<hbm>>
    tpu.enqueue_indirect_dma source(%dma_start3A_705 : memref<8192x2048xf32, #tpu.memory_space<hbm>>) target(%arg6 : memref<8x2048xf32, #tpu.memory_space<vmem>>) offsets(%dma_start3A_702 : memref<8xi32, #tpu.memory_space<vmem>>) semaphore(%arg13 : memref<!tpu.dma_semaphore, #tpu.memory_space<semaphore_mem>>)
    %dma_wait3A_706 = arith.constant 25 : i32
    %dma_wait3A_707 = arith.constant 0 : i32
    %dma_wait3A_708 = tpu.memref_slice %arg5[%dma_wait3A_706, %dma_wait3A_707] : memref<58x8xi32, #tpu.memory_space<vmem>> -> memref<1x8xi32, #tpu.memory_space<vmem>>
    %dma_wait3A_709 = tpu.memref_squeeze %dma_wait3A_708 : memref<1x8xi32, #tpu.memory_space<vmem>> -> memref<8xi32, #tpu.memory_space<vmem>>
    %dma_wait3A_710 = arith.constant 0 : i32
    %dma_wait3A_711 = arith.constant 0 : i32
    %dma_wait3A_712 = tpu.memref_slice %arg2[%dma_wait3A_710, %dma_wait3A_711] : memref<8192x2048xf32, #tpu.memory_space<hbm>> -> memref<8192x2048xf32, #tpu.memory_space<hbm>>
    tpu.wait_indirect_dma semaphore(%arg17 : memref<!tpu.dma_semaphore, #tpu.memory_space<semaphore_mem>>) src(%dma_wait3A_712 : memref<8192x2048xf32, #tpu.memory_space<hbm>>) dst(%arg10 : memref<8x2048xf32, #tpu.memory_space<vmem>>)
    %dma_start3A_713 = arith.constant 54 : i32
    %dma_start3A_714 = arith.constant 0 : i32
    %dma_start3A_715 = tpu.memref_slice %arg5[%dma_start3A_713, %dma_start3A_714] : memref<58x8xi32, #tpu.memory_space<vmem>> -> memref<1x8xi32, #tpu.memory_space<vmem>>
    %dma_start3A_716 = tpu.memref_squeeze %dma_start3A_715 : memref<1x8xi32, #tpu.memory_space<vmem>> -> memref<8xi32, #tpu.memory_space<vmem>>
    %dma_start3A_717 = arith.constant 0 : i32
    %dma_start3A_718 = arith.constant 0 : i32
    %dma_start3A_719 = tpu.memref_slice %arg4[%dma_start3A_717, %dma_start3A_718] : memref<7372x2048xf32, #tpu.memory_space<hbm>> -> memref<7372x2048xf32, #tpu.memory_space<hbm>>
    tpu.enqueue_indirect_dma source(%arg10 : memref<8x2048xf32, #tpu.memory_space<vmem>>) target(%dma_start3A_719 : memref<7372x2048xf32, #tpu.memory_space<hbm>>) offsets(%dma_start3A_716 : memref<8xi32, #tpu.memory_space<vmem>>) semaphore(%arg24 : memref<!tpu.dma_semaphore, #tpu.memory_space<semaphore_mem>>)
    %dma_wait3A_720 = arith.constant 26 : i32
    %dma_wait3A_721 = arith.constant 0 : i32
    %dma_wait3A_722 = tpu.memref_slice %arg5[%dma_wait3A_720, %dma_wait3A_721] : memref<58x8xi32, #tpu.memory_space<vmem>> -> memref<1x8xi32, #tpu.memory_space<vmem>>
    %dma_wait3A_723 = tpu.memref_squeeze %dma_wait3A_722 : memref<1x8xi32, #tpu.memory_space<vmem>> -> memref<8xi32, #tpu.memory_space<vmem>>
    %dma_wait3A_724 = arith.constant 0 : i32
    %dma_wait3A_725 = arith.constant 0 : i32
    %dma_wait3A_726 = tpu.memref_slice %arg2[%dma_wait3A_724, %dma_wait3A_725] : memref<8192x2048xf32, #tpu.memory_space<hbm>> -> memref<8192x2048xf32, #tpu.memory_space<hbm>>
    tpu.wait_indirect_dma semaphore(%arg18 : memref<!tpu.dma_semaphore, #tpu.memory_space<semaphore_mem>>) src(%dma_wait3A_726 : memref<8192x2048xf32, #tpu.memory_space<hbm>>) dst(%arg11 : memref<8x2048xf32, #tpu.memory_space<vmem>>)
    %dma_start3A_727 = arith.constant 55 : i32
    %dma_start3A_728 = arith.constant 0 : i32
    %dma_start3A_729 = tpu.memref_slice %arg5[%dma_start3A_727, %dma_start3A_728] : memref<58x8xi32, #tpu.memory_space<vmem>> -> memref<1x8xi32, #tpu.memory_space<vmem>>
    %dma_start3A_730 = tpu.memref_squeeze %dma_start3A_729 : memref<1x8xi32, #tpu.memory_space<vmem>> -> memref<8xi32, #tpu.memory_space<vmem>>
    %dma_start3A_731 = arith.constant 0 : i32
    %dma_start3A_732 = arith.constant 0 : i32
    %dma_start3A_733 = tpu.memref_slice %arg4[%dma_start3A_731, %dma_start3A_732] : memref<7372x2048xf32, #tpu.memory_space<hbm>> -> memref<7372x2048xf32, #tpu.memory_space<hbm>>
    tpu.enqueue_indirect_dma source(%arg11 : memref<8x2048xf32, #tpu.memory_space<vmem>>) target(%dma_start3A_733 : memref<7372x2048xf32, #tpu.memory_space<hbm>>) offsets(%dma_start3A_730 : memref<8xi32, #tpu.memory_space<vmem>>) semaphore(%arg25 : memref<!tpu.dma_semaphore, #tpu.memory_space<semaphore_mem>>)
    %dma_wait3A_734 = arith.constant 27 : i32
    %dma_wait3A_735 = arith.constant 0 : i32
    %dma_wait3A_736 = tpu.memref_slice %arg5[%dma_wait3A_734, %dma_wait3A_735] : memref<58x8xi32, #tpu.memory_space<vmem>> -> memref<1x8xi32, #tpu.memory_space<vmem>>
    %dma_wait3A_737 = tpu.memref_squeeze %dma_wait3A_736 : memref<1x8xi32, #tpu.memory_space<vmem>> -> memref<8xi32, #tpu.memory_space<vmem>>
    %dma_wait3A_738 = arith.constant 0 : i32
    %dma_wait3A_739 = arith.constant 0 : i32
    %dma_wait3A_740 = tpu.memref_slice %arg2[%dma_wait3A_738, %dma_wait3A_739] : memref<8192x2048xf32, #tpu.memory_space<hbm>> -> memref<8192x2048xf32, #tpu.memory_space<hbm>>
    tpu.wait_indirect_dma semaphore(%arg19 : memref<!tpu.dma_semaphore, #tpu.memory_space<semaphore_mem>>) src(%dma_wait3A_740 : memref<8192x2048xf32, #tpu.memory_space<hbm>>) dst(%arg12 : memref<8x2048xf32, #tpu.memory_space<vmem>>)
    %dma_start3A_741 = arith.constant 56 : i32
    %dma_start3A_742 = arith.constant 0 : i32
    %dma_start3A_743 = tpu.memref_slice %arg5[%dma_start3A_741, %dma_start3A_742] : memref<58x8xi32, #tpu.memory_space<vmem>> -> memref<1x8xi32, #tpu.memory_space<vmem>>
    %dma_start3A_744 = tpu.memref_squeeze %dma_start3A_743 : memref<1x8xi32, #tpu.memory_space<vmem>> -> memref<8xi32, #tpu.memory_space<vmem>>
    %dma_start3A_745 = arith.constant 0 : i32
    %dma_start3A_746 = arith.constant 0 : i32
    %dma_start3A_747 = tpu.memref_slice %arg4[%dma_start3A_745, %dma_start3A_746] : memref<7372x2048xf32, #tpu.memory_space<hbm>> -> memref<7372x2048xf32, #tpu.memory_space<hbm>>
    tpu.enqueue_indirect_dma source(%arg12 : memref<8x2048xf32, #tpu.memory_space<vmem>>) target(%dma_start3A_747 : memref<7372x2048xf32, #tpu.memory_space<hbm>>) offsets(%dma_start3A_744 : memref<8xi32, #tpu.memory_space<vmem>>) semaphore(%arg26 : memref<!tpu.dma_semaphore, #tpu.memory_space<semaphore_mem>>)
    %dma_wait3A_748 = arith.constant 28 : i32
    %dma_wait3A_749 = arith.constant 0 : i32
    %dma_wait3A_750 = tpu.memref_slice %arg5[%dma_wait3A_748, %dma_wait3A_749] : memref<58x8xi32, #tpu.memory_space<vmem>> -> memref<1x8xi32, #tpu.memory_space<vmem>>
    %dma_wait3A_751 = tpu.memref_squeeze %dma_wait3A_750 : memref<1x8xi32, #tpu.memory_space<vmem>> -> memref<8xi32, #tpu.memory_space<vmem>>
    %dma_wait3A_752 = arith.constant 0 : i32
    %dma_wait3A_753 = arith.constant 0 : i32
    %dma_wait3A_754 = tpu.memref_slice %arg2[%dma_wait3A_752, %dma_wait3A_753] : memref<8192x2048xf32, #tpu.memory_space<hbm>> -> memref<8192x2048xf32, #tpu.memory_space<hbm>>
    tpu.wait_indirect_dma semaphore(%arg13 : memref<!tpu.dma_semaphore, #tpu.memory_space<semaphore_mem>>) src(%dma_wait3A_754 : memref<8192x2048xf32, #tpu.memory_space<hbm>>) dst(%arg6 : memref<8x2048xf32, #tpu.memory_space<vmem>>)
    %dma_start3A_755 = arith.constant 57 : i32
    %dma_start3A_756 = arith.constant 0 : i32
    %dma_start3A_757 = tpu.memref_slice %arg5[%dma_start3A_755, %dma_start3A_756] : memref<58x8xi32, #tpu.memory_space<vmem>> -> memref<1x8xi32, #tpu.memory_space<vmem>>
    %dma_start3A_758 = tpu.memref_squeeze %dma_start3A_757 : memref<1x8xi32, #tpu.memory_space<vmem>> -> memref<8xi32, #tpu.memory_space<vmem>>
    %dma_start3A_759 = arith.constant 0 : i32
    %dma_start3A_760 = arith.constant 0 : i32
    %dma_start3A_761 = tpu.memref_slice %arg4[%dma_start3A_759, %dma_start3A_760] : memref<7372x2048xf32, #tpu.memory_space<hbm>> -> memref<7372x2048xf32, #tpu.memory_space<hbm>>
    tpu.enqueue_indirect_dma source(%arg6 : memref<8x2048xf32, #tpu.memory_space<vmem>>) target(%dma_start3A_761 : memref<7372x2048xf32, #tpu.memory_space<hbm>>) offsets(%dma_start3A_758 : memref<8xi32, #tpu.memory_space<vmem>>) semaphore(%arg20 : memref<!tpu.dma_semaphore, #tpu.memory_space<semaphore_mem>>)
    %dma_wait3A_762 = arith.constant 51 : i32
    %dma_wait3A_763 = arith.constant 0 : i32
    %dma_wait3A_764 = tpu.memref_slice %arg5[%dma_wait3A_762, %dma_wait3A_763] : memref<58x8xi32, #tpu.memory_space<vmem>> -> memref<1x8xi32, #tpu.memory_space<vmem>>
    %dma_wait3A_765 = tpu.memref_squeeze %dma_wait3A_764 : memref<1x8xi32, #tpu.memory_space<vmem>> -> memref<8xi32, #tpu.memory_space<vmem>>
    %dma_wait3A_766 = arith.constant 0 : i32
    %dma_wait3A_767 = arith.constant 0 : i32
    %dma_wait3A_768 = tpu.memref_slice %arg4[%dma_wait3A_766, %dma_wait3A_767] : memref<7372x2048xf32, #tpu.memory_space<hbm>> -> memref<7372x2048xf32, #tpu.memory_space<hbm>>
    tpu.wait_indirect_dma semaphore(%arg21 : memref<!tpu.dma_semaphore, #tpu.memory_space<semaphore_mem>>) src(%arg7 : memref<8x2048xf32, #tpu.memory_space<vmem>>) dst(%dma_wait3A_768 : memref<7372x2048xf32, #tpu.memory_space<hbm>>)
    %dma_wait3A_769 = arith.constant 52 : i32
    %dma_wait3A_770 = arith.constant 0 : i32
    %dma_wait3A_771 = tpu.memref_slice %arg5[%dma_wait3A_769, %dma_wait3A_770] : memref<58x8xi32, #tpu.memory_space<vmem>> -> memref<1x8xi32, #tpu.memory_space<vmem>>
    %dma_wait3A_772 = tpu.memref_squeeze %dma_wait3A_771 : memref<1x8xi32, #tpu.memory_space<vmem>> -> memref<8xi32, #tpu.memory_space<vmem>>
    %dma_wait3A_773 = arith.constant 0 : i32
    %dma_wait3A_774 = arith.constant 0 : i32
    %dma_wait3A_775 = tpu.memref_slice %arg4[%dma_wait3A_773, %dma_wait3A_774] : memref<7372x2048xf32, #tpu.memory_space<hbm>> -> memref<7372x2048xf32, #tpu.memory_space<hbm>>
    tpu.wait_indirect_dma semaphore(%arg22 : memref<!tpu.dma_semaphore, #tpu.memory_space<semaphore_mem>>) src(%arg8 : memref<8x2048xf32, #tpu.memory_space<vmem>>) dst(%dma_wait3A_775 : memref<7372x2048xf32, #tpu.memory_space<hbm>>)
    %dma_wait3A_776 = arith.constant 53 : i32
    %dma_wait3A_777 = arith.constant 0 : i32
    %dma_wait3A_778 = tpu.memref_slice %arg5[%dma_wait3A_776, %dma_wait3A_777] : memref<58x8xi32, #tpu.memory_space<vmem>> -> memref<1x8xi32, #tpu.memory_space<vmem>>
    %dma_wait3A_779 = tpu.memref_squeeze %dma_wait3A_778 : memref<1x8xi32, #tpu.memory_space<vmem>> -> memref<8xi32, #tpu.memory_space<vmem>>
    %dma_wait3A_780 = arith.constant 0 : i32
    %dma_wait3A_781 = arith.constant 0 : i32
    %dma_wait3A_782 = tpu.memref_slice %arg4[%dma_wait3A_780, %dma_wait3A_781] : memref<7372x2048xf32, #tpu.memory_space<hbm>> -> memref<7372x2048xf32, #tpu.memory_space<hbm>>
    tpu.wait_indirect_dma semaphore(%arg23 : memref<!tpu.dma_semaphore, #tpu.memory_space<semaphore_mem>>) src(%arg9 : memref<8x2048xf32, #tpu.memory_space<vmem>>) dst(%dma_wait3A_782 : memref<7372x2048xf32, #tpu.memory_space<hbm>>)
    %dma_wait3A_783 = arith.constant 54 : i32
    %dma_wait3A_784 = arith.constant 0 : i32
    %dma_wait3A_785 = tpu.memref_slice %arg5[%dma_wait3A_783, %dma_wait3A_784] : memref<58x8xi32, #tpu.memory_space<vmem>> -> memref<1x8xi32, #tpu.memory_space<vmem>>
    %dma_wait3A_786 = tpu.memref_squeeze %dma_wait3A_785 : memref<1x8xi32, #tpu.memory_space<vmem>> -> memref<8xi32, #tpu.memory_space<vmem>>
    %dma_wait3A_787 = arith.constant 0 : i32
    %dma_wait3A_788 = arith.constant 0 : i32
    %dma_wait3A_789 = tpu.memref_slice %arg4[%dma_wait3A_787, %dma_wait3A_788] : memref<7372x2048xf32, #tpu.memory_space<hbm>> -> memref<7372x2048xf32, #tpu.memory_space<hbm>>
    tpu.wait_indirect_dma semaphore(%arg24 : memref<!tpu.dma_semaphore, #tpu.memory_space<semaphore_mem>>) src(%arg10 : memref<8x2048xf32, #tpu.memory_space<vmem>>) dst(%dma_wait3A_789 : memref<7372x2048xf32, #tpu.memory_space<hbm>>)
    %dma_wait3A_790 = arith.constant 55 : i32
    %dma_wait3A_791 = arith.constant 0 : i32
    %dma_wait3A_792 = tpu.memref_slice %arg5[%dma_wait3A_790, %dma_wait3A_791] : memref<58x8xi32, #tpu.memory_space<vmem>> -> memref<1x8xi32, #tpu.memory_space<vmem>>
    %dma_wait3A_793 = tpu.memref_squeeze %dma_wait3A_792 : memref<1x8xi32, #tpu.memory_space<vmem>> -> memref<8xi32, #tpu.memory_space<vmem>>
    %dma_wait3A_794 = arith.constant 0 : i32
    %dma_wait3A_795 = arith.constant 0 : i32
    %dma_wait3A_796 = tpu.memref_slice %arg4[%dma_wait3A_794, %dma_wait3A_795] : memref<7372x2048xf32, #tpu.memory_space<hbm>> -> memref<7372x2048xf32, #tpu.memory_space<hbm>>
    tpu.wait_indirect_dma semaphore(%arg25 : memref<!tpu.dma_semaphore, #tpu.memory_space<semaphore_mem>>) src(%arg11 : memref<8x2048xf32, #tpu.memory_space<vmem>>) dst(%dma_wait3A_796 : memref<7372x2048xf32, #tpu.memory_space<hbm>>)
    %dma_wait3A_797 = arith.constant 56 : i32
    %dma_wait3A_798 = arith.constant 0 : i32
    %dma_wait3A_799 = tpu.memref_slice %arg5[%dma_wait3A_797, %dma_wait3A_798] : memref<58x8xi32, #tpu.memory_space<vmem>> -> memref<1x8xi32, #tpu.memory_space<vmem>>
    %dma_wait3A_800 = tpu.memref_squeeze %dma_wait3A_799 : memref<1x8xi32, #tpu.memory_space<vmem>> -> memref<8xi32, #tpu.memory_space<vmem>>
    %dma_wait3A_801 = arith.constant 0 : i32
    %dma_wait3A_802 = arith.constant 0 : i32
    %dma_wait3A_803 = tpu.memref_slice %arg4[%dma_wait3A_801, %dma_wait3A_802] : memref<7372x2048xf32, #tpu.memory_space<hbm>> -> memref<7372x2048xf32, #tpu.memory_space<hbm>>
    tpu.wait_indirect_dma semaphore(%arg26 : memref<!tpu.dma_semaphore, #tpu.memory_space<semaphore_mem>>) src(%arg12 : memref<8x2048xf32, #tpu.memory_space<vmem>>) dst(%dma_wait3A_803 : memref<7372x2048xf32, #tpu.memory_space<hbm>>)
    %dma_wait3A_804 = arith.constant 57 : i32
    %dma_wait3A_805 = arith.constant 0 : i32
    %dma_wait3A_806 = tpu.memref_slice %arg5[%dma_wait3A_804, %dma_wait3A_805] : memref<58x8xi32, #tpu.memory_space<vmem>> -> memref<1x8xi32, #tpu.memory_space<vmem>>
    %dma_wait3A_807 = tpu.memref_squeeze %dma_wait3A_806 : memref<1x8xi32, #tpu.memory_space<vmem>> -> memref<8xi32, #tpu.memory_space<vmem>>
    %dma_wait3A_808 = arith.constant 0 : i32
    %dma_wait3A_809 = arith.constant 0 : i32
    %dma_wait3A_810 = tpu.memref_slice %arg4[%dma_wait3A_808, %dma_wait3A_809] : memref<7372x2048xf32, #tpu.memory_space<hbm>> -> memref<7372x2048xf32, #tpu.memory_space<hbm>>
    tpu.wait_indirect_dma semaphore(%arg20 : memref<!tpu.dma_semaphore, #tpu.memory_space<semaphore_mem>>) src(%arg6 : memref<8x2048xf32, #tpu.memory_space<vmem>>) dst(%dma_wait3A_810 : memref<7372x2048xf32, #tpu.memory_space<hbm>>)
    return
  }
}

</mosaic_0001>

<sc_bundles>
// kernel: kernel.3.cloned.1.call-start
scs
__scs_entry_jumppad:
0x0: {  	(pc) =	sbr.rel $0x88, $3  }
0x1: {  	(tag) =	ssettag $0x0;
	lr =	simm.s32 $0x1  }
0x2: {  	[smem:$0x3FA0] =	sst lr;
	_ =	strace $0xD0000000  }
0x3: {  	_ = 	snop  }
0x4: {  	_ = 	snop  }
0x5: {  	_ = 	snop  }
0x6: {  	_ = 	snop  }
0x7: {  	_ = 	snop  }
__scs_overlays_trampoline_lowered:
0x8: {  	[smem:$0x3FAF] =	sst s0  }
0x9: {  	[smem:$0x3FB0] =	sst s1  }
0xa: {  	[smem:$0x3FB1] =	sst s2  }
0xb: {  	[smem:$0x3FB2] =	sst s3  }
0xc: {  	[smem:$0x3FB3] =	sst s4  }
0xd: {  	[smem:$0x3FB4] =	sst s5  }
0xe: {  	[smem:$0x3FB5] =	sst s6  }
0xf: {  	[smem:$0x3FB6] =	sst s7  }
0x10: {  	[smem:$0x3FB7] =	sst s8  }
0x11: {  	[smem:$0x3FB8] =	sst s9;
	s0 =	simm.s32 @!p0 $0x0  }
0x12: {  	s1 =	sld [smem:$0x3F9E];
	s0 =	simm.s32 @p0 $0x1  }
0x13: {  	[smem:$0x3FB9] =	sst s0;
	s0 =	simm.s32 @!p1 $0x0  }
0x14: {  	s2 =	sld [smem:$0x3F9D];
	s0 =	simm.s32 @p1 $0x1  }
0x15: {  	[smem:$0x3FBA] =	sst s0;
	s0 =	simm.s32 @!p2 $0x0  }
0x16: {  	s3 =	sld [smem:$0x3FDB];
	s0 =	simm.s32 @p2 $0x1  }
0x17: {  	s4 =	simm.s32 $0x1BF5;
	[smem:$0x3FBC] =	sst s0  }
0x18: {  	s0 =	sld [smem:$0x3F9F];
	_ =	swait.ge [sflag:s4], $0x0  }
0x19: {  	s7 =	sld [smem:$0x3FA0]  }
0x1a: {  	s8 =	sadd.s32 $0xFFFFE003, lr  }
0x1b: {  	s9 =	sadd.s32 $0xFFFFFEF7, lr;
	s5 =	simm.s32 $0xFFFFFFFF;
	p2 =	slt.u32 s8, $0xFFFFF086  }
0x1c: {  	p1 =	slt.u32 s9, $0xF7A;
	s5 =	simm.s32 @!p2 $0x0  }
0x1d: {  	s5 =	simm.s32 @p1 $0x1;
	p0 =	seq.s32 s7, s2  }
0x1e: {  	s7 =	smul.u32 @!p0 $0xF7A, s2;
	p2 =	seq.s32 @!p0 s5, $0x0  }
0x1f: {  	s9 =	smul.u32 $0xF7A, s1;
	s8 =	simm.s32 @!p0 $0x1BF5;
	p2 =	por !p2, p0  }
0x20: {  	[sflag:s8] =	ssyncset.s32 @!p0 $0xFFFFF086;
	s6 =	sadd.s32 @!p0 s3, s7;
	s7 =	simm.s32 @!p0 $0x108  }
0x21: {  	s3 =	sadd.s32 s3, s9;
	s6 =	sadd.s32 @!p0 $0x88, s6;
	s7 =	simm.s32 @p2 $0x1082  }
0x22: {  	[simem:s7], [sflag:s8] =	dma.local @!p0 [hbm:s6], $0xF7A  }
0x23: {  	s9 =	sor.u32 $0xD0000000, s2;
	s6 =	simm.s32 $0x108;
	_ =	swait.ge @!p0 [sflag:s8], $0x0  }
0x24: {  	s3 =	sadd.s32 $0x88, s3;
	s6 =	simm.s32 @!p1 $0x1082;
	[sflag:s4] =	ssyncset.s32 $0xFFFFF086  }
0x25: {  	[simem:s6], [sflag:s4] =	dma.local [hbm:s3], $0xF7A  }
0x26: {  	[smem:$0x3FA0] =	sst s1;
	(tag) =	ssettag s2;
	_ =	strace s9  }
0x27: {  	s1 =	sld [smem:$0x3FB0]  }
0x28: {  	s2 =	sld [smem:$0x3FB1]  }
0x29: {  	s4 =	sld [smem:$0x3FB3]  }
0x2a: {  	p0 =	seq.s32 s5, $0x0;
	s5 =	sld [smem:$0x3FB4]  }
0x2b: {  	s6 =	sld [smem:$0x3FB5]  }
0x2c: {  	s7 =	sld [smem:$0x3FB6]  }
0x2d: {  	s3 =	simm.s32 $0x108;
	s8 =	sld [smem:$0x3FB7]  }
0x2e: {  	s3 =	simm.s32 @!p0 $0x1082;
	s9 =	sld [smem:$0x3FB8]  }
0x2f: {  	lr =	sadd.s32 s0, s3;
	s0 =	sld [smem:$0x3FAF]  }
0x30: {  	s3 =	sld [smem:$0x3FB2]  }
0x31: {  	[smem:$0x3FBB] =	sst s10  }
0x32: {  	s10 =	sld [smem:$0x3FB9];
	_ =	sdelay $0x3  }
0x33: {  	p0 =	seq.s32 s10, $0x1;
	s10 =	sld [smem:$0x3FBB];
	_ =	sdelay $0x3  }
0x34: {  	[smem:$0x3FBB] =	sst s10  }
0x35: {  	s10 =	sld [smem:$0x3FBA];
	_ =	sdelay $0x3  }
0x36: {  	p1 =	seq.s32 s10, $0x1;
	s10 =	sld [smem:$0x3FBB];
	_ =	sdelay $0x3  }
0x37: {  	[smem:$0x3FBB] =	sst s10  }
0x38: {  	s10 =	sld [smem:$0x3FBC]  }
0x39: {  	_ = 	snop;
	(pc) =	sbr.ind lr, $3  }
0x3a: {  	_ = 	snop  }
0x3b: {  	_ = 	snop  }
0x3c: {  	p2 =	seq.s32 s10, $0x1;
	s10 =	sld [smem:$0x3FBB]  }
0x3d: {  	_ =	shalt  }
0x3e: {  	_ =	shalt  }
0x3f: {  	_ =	shalt  }
0x40: {  	_ =	shalt  }
0x41: {  	_ =	shalt  }
0x42: {  	_ =	shalt  }
0x43: {  	_ =	shalt  }
0x44: {  	_ =	shalt  }
0x45: {  	_ =	shalt  }
0x46: {  	_ =	shalt  }
0x47: {  	_ =	shalt  }
0x48: {  	_ =	shalt  }
0x49: {  	_ =	shalt  }
0x4a: {  	_ =	shalt  }
0x4b: {  	_ =	shalt  }
0x4c: {  	_ =	shalt  }
0x4d: {  	_ =	shalt  }
0x4e: {  	_ =	shalt  }
0x4f: {  	_ =	shalt  }
0x50: {  	_ =	shalt  }
0x51: {  	_ =	shalt  }
0x52: {  	_ =	shalt  }
0x53: {  	_ =	shalt  }
0x54: {  	_ =	shalt  }
0x55: {  	_ =	shalt  }
0x56: {  	_ =	shalt  }
0x57: {  	_ =	shalt  }
0x58: {  	_ =	shalt  }
0x59: {  	_ =	shalt  }
0x5a: {  	_ =	shalt  }
0x5b: {  	_ =	shalt  }
0x5c: {  	_ =	shalt  }
0x5d: {  	_ =	shalt  }
0x5e: {  	_ =	shalt  }
0x5f: {  	_ =	shalt  }
0x60: {  	_ =	shalt  }
0x61: {  	_ =	shalt  }
0x62: {  	_ =	shalt  }
0x63: {  	_ =	shalt  }
0x64: {  	_ =	shalt  }
0x65: {  	_ =	shalt  }
0x66: {  	_ =	shalt  }
0x67: {  	_ =	shalt  }
0x68: {  	_ =	shalt  }
0x69: {  	_ =	shalt  }
0x6a: {  	_ =	shalt  }
0x6b: {  	_ =	shalt  }
0x6c: {  	_ =	shalt  }
0x6d: {  	_ =	shalt  }
0x6e: {  	_ =	shalt  }
0x6f: {  	_ =	shalt  }
0x70: {  	_ =	shalt  }
0x71: {  	_ =	shalt  }
0x72: {  	_ =	shalt  }
0x73: {  	_ =	shalt  }
0x74: {  	_ =	shalt  }
0x75: {  	_ =	shalt  }
0x76: {  	_ =	shalt  }
0x77: {  	_ =	shalt  }
0x78: {  	_ =	shalt  }
0x79: {  	_ =	shalt  }
0x7a: {  	_ =	shalt  }
0x7b: {  	_ =	shalt  }
0x7c: {  	_ =	shalt  }
0x7d: {  	_ =	shalt  }
0x7e: {  	_ =	shalt  }
0x7f: {  	_ =	shalt  }
0x80: {  	_ =	shalt  }
0x81: {  	_ =	shalt  }
0x82: {  	_ =	shalt  }
0x83: {  	_ =	shalt  }
0x84: {  	_ =	shalt  }
0x85: {  	_ =	shalt  }
0x86: {  	_ =	shalt  }
0x87: {  	_ =	shalt  }
.Lfunc_end0:
.L_simem_size_0:
called_computation_lowered:
.L_overlay_start_0:
0x88: {  	s2 =	sld [smem:$0x3FD9]  }
0x89: {  	s3 =	sld [smem:$0x3FFE];
	_ =	sdelay $0x1  }
0x8a: {  	s1 =	srdreg.scid  }
0x8b: {  	s0 =	sand.u32 $0x1, s1  }
0x8c: {  	s17 =	sshll.u32 s0, $0xA;
	s2 =	sadd.s32 s3, s2  }
0x8d: {  	s2 =	sadd.s32 s2, s17  }
0x8e: {  	[smem:$0x3FC7] =	sst s2  }
0x8f: {  	_ = 	snop  }
0x90: {  	s2 =	sld [smem:$0x3FC9]  }
0x91: {  	s18 =	sld [smem:$0x3FD0];
	(tm) =	ssettm $0x1  }
0x92: {  	s4 =	sld [smem:$0x3FFB];
	_ =	sdelay $0x3  }
0x93: {  	_ =	strace s4  }
0x94: {  	s4 =	sld [smem:$0x3FFC];
	_ =	sdelay $0x3  }
0x95: {  	_ =	strace s4  }
0x96: {  	s4 =	sld [smem:$0x3FFD];
	_ =	sdelay $0x3  }
0x97: {  	_ =	strace s4  }
0x98: {  	_ =	strace $0x8FFFFFFF  }
0x99: {  	s19 =	sld [smem:$0x3FDB];
	_ =	sdelay $0x1  }
0x9a: {  	s5 =	simm.s32 $_scs_section_size  }
0x9b: {  	s6 =	simm.s32 $_size__tile_overlayer_lowered;
	s7 =	simm.s32 $_tile_overlayer_lowered  }
0x9c: {  	s22 =	simm.s32 $0x1BFF;
	s21 =	sshll.u32 s7, $0x1;
	s4 =	sadd.s32 s5, s19  }
0x9d: {  	s8 =	simm.s32 $0x0;
	s20 =	sshll.u32 s6, $0x1;
	s6 =	sadd.s32 s21, s4  }
0x9e: {  	[timem:s8], [sflag:s22] =	dma.local [hbm:s6], s20  }
0x9f: {  	_ =	swait.ge [sflag:s22], s20  }
0xa0: {  	s5 =	ssub.s32 $0x0, s20;
	[sflag:s22] =	ssyncset.done $0x0  }
0xa1: {  	[sflag:s22] =	ssyncadd.s32 s5;
	_ =	sdelay $0x1  }
0xa2: {  	s23 =	simm.s32 $0x1B8B  }
0xa3: {  	_ =	swait.ge [sflag:s23], $0x1  }
0xa4: {  	[sflag:s23] =	ssyncset.done $0x0  }
0xa5: {  	s25 =	simm.s32 $0x1B8E;
	s24 =	sld [smem:$0x3FFE];
	[sflag:s23] =	ssyncadd.s32 $0xFFFFFFFF  }
0xa6: {  	s26 =	simm.s32 $execute0_lowered;
	[smem:$0x3FD2] =	sst s25  }
0xa7: {  	s6 =	sshll.u32 s26, $0x1;
	_ =	strace $0x80000046;
	[dreg:$0x1] =	wrdreg $0xFFFFFFFF  }
0xa8: {  	s28 =	simm.s32 $_size_execute0_lowered;
	s4 =	sadd.s32 s4, s6;
	[dreg:$0x0] =	wrdreg $0x0  }
0xa9: {  	s6 =	sshll.u32 s28, $0x1;
	[dreg:$0x2] =	wrdreg s4  }
0xaa: {  	[dreg:$0x3] =	wrdreg s6  }
0xab: {  	[dreg:$0x4] =	wrdreg $0xC0  }
0xac: {  	_ =	task [dreg:s8], $0x5FFFF  }
0xad: {  	[dreg:$0x1] =	wrdreg $0xFFFFFFFF  }
0xae: {  	[dreg:$0x0] =	wrdreg $0x60  }
0xaf: {  	[dreg:$0x2] =	wrdreg s2  }
0xb0: {  	[dreg:$0x3] =	wrdreg s24  }
0xb1: {  	[dreg:$0x4] =	wrdreg s18  }
0xb2: {  	[dreg:$0x5] =	wrdreg $0x9  }
0xb3: {  	_ =	task.clear_ibuf [dreg:s8], $0x6FFFF;
	_ =	strace $0x90000046  }
0xb4: {  	s29 =	simm.s32 $0x9;
	_ =	strace $0x80000048  }
0xb5: {  	_ =	swait.ge [sflag:s29], $0x1  }
0xb6: {  	[sflag:s29] =	ssyncadd.s32 $0xFFFFFFFF  }
0xb7: {  	_ =	strace $0x90000048  }
0xb8: {  	_ =	sfence  }
0xb9: {  	s30 =	sld [smem:$0x0];
	_ =	sdelay $0x2  }
0xba: {  	s31 =	sshll.u32 s1, $0xD;
	s1 =	sshrl.u32 s1, $0x2  }
0xbb: {  	s3 =	sand.u32 $0x4000, s31;
	s1 =	sadd.s32 s1, s30  }
0xbc: {  	s0 =	sor.u32 s3, s0;
	s1 =	sshll.u32 s1, $0x11  }
0xbd: {  	s0 =	sor.u32 s1, s0  }
0xbe: {  	s0 =	sadd.s32 $0x8F2B, s0  }
0xbf: {  	[sflag:s0] =	ssyncadd.remote.s32 $0x1  }
0xc0: {  	_ =	sfence.sel $0xFFFF  }
0xc1: {  	[dreg:$0x0] =	wrdreg $0xFFFFFFFF;
	(pc) =	sbr.abs _section_cstart, $3  }
0xc2: {  	[dreg:$0x1] =	wrdreg $0xFFFFFFFF  }
0xc3: {  	_ =	task.clear_ibuf [dreg:s8], $0x2FFFF;
	_ =	strace $0x9FFFFFFF  }
0xc4: {  	(tm) =	ssettm $0x7FFFFFFF  }
0xc5: {  	_ =	shalt  }
tec
execute0_lowered:
.L_overlay_start_1:
0x0: {  	(tag) =	ssettag $0x1  }
0x1: {  	s1 =	rddreg [dreg:$0x0]  }
0x2: {  	s0 =	rddreg [dreg:$0x1]  }
0x3: {  	s2 =	rddreg [dreg:$0x2]  }
0x4: {  	s3 =	srdreg.scid;
	s4 =	simm.s32 $0x0;
	s6 =	stileid.u32  }
0x5: {  	s3 =	sand.u32 $0x1, s3;
	s30 =	sshll.u32 s6, $0xB;
	[smem:$0x7FF] =	sst s4  }
0x6: {  	s6 =	sadd.s32 $0x200, s1;
	s7 =	sadd.s32 $0x300, s1;
	s8 =	sadd.s32 $0x400, s1  }
0x7: {  	s9 =	sadd.s32 $0x500, s1;
	s10 =	sadd.s32 $0x600, s1;
	s11 =	sadd.s32 $0x700, s1  }
0x8: {  	s12 =	sadd.s32 $0x100, s2;
	s13 =	sadd.s32 $0x200, s2;
	s14 =	sadd.s32 $0x300, s2  }
0x9: {  	s15 =	sadd.s32 $0x400, s2;
	s16 =	sadd.s32 $0x500, s2;
	s5 =	sshll.u32 s3, $0xA  }
0xa: {  	s17 =	sadd.s32 $0x600, s2;
	s3 =	ssub.s32 $0x2, s3;
	s0 =	sadd.s32 s5, s0  }
0xb: {  	v0 =	vlaneseq.u32;
	s18 =	sadd.s32 $0x700, s2;
	s31 =	sshrl.u32 s3, $0x1;
	s0 =	sadd.s32 s30, s0  }
0xc: {  	v1 =	vshrl.u32 v0, $0x3;
	_ =	strace $0x80000047;
	s3 =	ssub.s32 s3, s31;
	s0 =	sadd.s32 $0x400, s0  }
0xd: {  	vm0 =	vmmov $0xffff;
	v0 =	vand.u32 $0x7, v0;
	v1 =	vmul.u32 $0x8, v1;
	s5 =	sadd.s32 $0x100, s1;
	s3 =	smax.u32 s3, $0x1;
	[dreg:$0x4] =	wrdreg s0  }
.LBB2_1:
0xe: {  	[dreg:$0x5] =	wrdreg s3  }
0xf: {  	s25 =	rddreg [dreg:$0x4];
	s26 =	simm.s32 $0xF  }
0x10: {  	[tilespmem:s4], [sflag:$0xF] =	stream.linear.gather [hbm4b:s25+s4], $0x1D00, $0x38;
	[tilespmem:$0x1E000] =	vst v63  }
0x11: {  	_ =	swait.ge [sflag:s26], $0x1D00  }
0x12: {  	[sflag:s26] =	ssyncset.done $0x0  }
0x13: {  	[sflag:s26] =	ssyncadd.s32 $0xFFFFE300  }
0x14: {  	v2 =	vld.msk [tilespmem:$0x0], $0xff;
	_ =	sdelay $0x4  }
0x15: {  	v3 =	vshll.u32 v2, $0x4  }
0x16: {  	v2 =	vand.u32 $0x7, v2;
	v3 =	vand.u32 $0xFFFFFF80, v3  }
0x17: {  	v2 =	vor.u32 v2, v3  }
0x18: {  	v2 =	vperm.xlane v2, v0;
	_ =	sdelay $0x1  }
0x19: {  	v2 =	vadd.s32 v1, v2;
	_ =	sdelay $0x3  }
0x1a: {  	s0 =	simm.s32 $0x2000;
	s25 =	rddreg [dreg:$0x0]  }
0x1b: {  	[tilespmem:s0], [sflag:$0x1] =	stream.indirect_vreg.gather [hbm4b:s25+s4], $0x80, v2, vm0, $0xb8;
	[tilespmem:$0x1E000] =	vst v63  }
0x1c: {  	s28 =	simm.s32 $0x2800  }
0x1d: {  	[tilespmem:s28], [sflag:$0x1] =	stream.indirect_vreg.gather [hbm4b:s5+s4], $0x80, v2, vm0, $0xb8;
	[tilespmem:$0x1E000] =	vst v63  }
0x1e: {  	s29 =	simm.s32 $0x3000  }
0x1f: {  	[tilespmem:s29], [sflag:$0x1] =	stream.indirect_vreg.gather [hbm4b:s6+s4], $0x80, v2, vm0, $0xb8;
	[tilespmem:$0x1E000] =	vst v63  }
0x20: {  	s30 =	simm.s32 $0x3800  }
0x21: {  	[tilespmem:s30], [sflag:$0x1] =	stream.indirect_vreg.gather [hbm4b:s7+s4], $0x80, v2, vm0, $0xb8;
	[tilespmem:$0x1E000] =	vst v63  }
0x22: {  	s31 =	simm.s32 $0x4000  }
0x23: {  	[tilespmem:s31], [sflag:$0x1] =	stream.indirect_vreg.gather [hbm4b:s8+s4], $0x80, v2, vm0, $0xb8;
	[tilespmem:$0x1E000] =	vst v63  }
0x24: {  	s1 =	simm.s32 $0x4800  }
0x25: {  	[tilespmem:s1], [sflag:$0x1] =	stream.indirect_vreg.gather [hbm4b:s9+s4], $0x80, v2, vm0, $0xb8;
	[tilespmem:$0x1E000] =	vst v63  }
0x26: {  	s2 =	simm.s32 $0x5000  }
0x27: {  	[tilespmem:s2], [sflag:$0x1] =	stream.indirect_vreg.gather [hbm4b:s10+s4], $0x80, v2, vm0, $0xb8;
	[tilespmem:$0x1E000] =	vst v63  }
0x28: {  	s3 =	simm.s32 $0x5800  }
0x29: {  	[tilespmem:s3], [sflag:$0x1] =	stream.indirect_vreg.gather [hbm4b:s11+s4], $0x80, v2, vm0, $0xb8;
	[tilespmem:$0x1E000] =	vst v63  }
0x2a: {  	v2 =	vld.msk [tilespmem:$0x80], $0xff;
	_ =	sdelay $0x4  }
0x2b: {  	v3 =	vshll.u32 v2, $0x4  }
0x2c: {  	v2 =	vand.u32 $0x7, v2;
	v3 =	vand.u32 $0xFFFFFF80, v3  }
0x2d: {  	v2 =	vor.u32 v2, v3  }
0x2e: {  	v2 =	vperm.xlane v2, v0;
	_ =	sdelay $0x1  }
0x2f: {  	v2 =	vadd.s32 v1, v2;
	_ =	sdelay $0x3  }
0x30: {  	s26 =	simm.s32 $0x6000  }
0x31: {  	[tilespmem:s26], [sflag:$0x2] =	stream.indirect_vreg.gather [hbm4b:s25+s4], $0x80, v2, vm0, $0xb8;
	[tilespmem:$0x1E000] =	vst v63  }
0x32: {  	s29 =	simm.s32 $0x6800  }
0x33: {  	[tilespmem:s29], [sflag:$0x2] =	stream.indirect_vreg.gather [hbm4b:s5+s4], $0x80, v2, vm0, $0xb8;
	[tilespmem:$0x1E000] =	vst v63  }
0x34: {  	s30 =	simm.s32 $0x7000  }
0x35: {  	[tilespmem:s30], [sflag:$0x2] =	stream.indirect_vreg.gather [hbm4b:s6+s4], $0x80, v2, vm0, $0xb8;
	[tilespmem:$0x1E000] =	vst v63  }
0x36: {  	s31 =	simm.s32 $0x7800  }
0x37: {  	[tilespmem:s31], [sflag:$0x2] =	stream.indirect_vreg.gather [hbm4b:s7+s4], $0x80, v2, vm0, $0xb8;
	[tilespmem:$0x1E000] =	vst v63  }
0x38: {  	s1 =	simm.s32 $0x8000  }
0x39: {  	[tilespmem:s1], [sflag:$0x2] =	stream.indirect_vreg.gather [hbm4b:s8+s4], $0x80, v2, vm0, $0xb8;
	[tilespmem:$0x1E000] =	vst v63  }
0x3a: {  	s2 =	simm.s32 $0x8800  }
0x3b: {  	[tilespmem:s2], [sflag:$0x2] =	stream.indirect_vreg.gather [hbm4b:s9+s4], $0x80, v2, vm0, $0xb8;
	[tilespmem:$0x1E000] =	vst v63  }
0x3c: {  	s1 =	simm.s32 $0x9000  }
0x3d: {  	[tilespmem:s1], [sflag:$0x2] =	stream.indirect_vreg.gather [hbm4b:s10+s4], $0x80, v2, vm0, $0xb8;
	[tilespmem:$0x1E000] =	vst v63  }
0x3e: {  	s2 =	simm.s32 $0x9800  }
0x3f: {  	[tilespmem:s2], [sflag:$0x2] =	stream.indirect_vreg.gather [hbm4b:s11+s4], $0x80, v2, vm0, $0xb8;
	[tilespmem:$0x1E000] =	vst v63  }
0x40: {  	v2 =	vld.msk [tilespmem:$0x100], $0xff;
	_ =	sdelay $0x4  }
0x41: {  	v3 =	vshll.u32 v2, $0x4  }
0x42: {  	v2 =	vand.u32 $0x7, v2;
	v3 =	vand.u32 $0xFFFFFF80, v3  }
0x43: {  	v2 =	vor.u32 v2, v3  }
0x44: {  	v2 =	vperm.xlane v2, v0;
	_ =	sdelay $0x1  }
0x45: {  	v2 =	vadd.s32 v1, v2;
	_ =	sdelay $0x3  }
0x46: {  	s1 =	simm.s32 $0xA000  }
0x47: {  	[tilespmem:s1], [sflag:$0x3] =	stream.indirect_vreg.gather [hbm4b:s25+s4], $0x80, v2, vm0, $0xb8;
	[tilespmem:$0x1E000] =	vst v63  }
0x48: {  	s1 =	simm.s32 $0xA800  }
0x49: {  	[tilespmem:s1], [sflag:$0x3] =	stream.indirect_vreg.gather [hbm4b:s5+s4], $0x80, v2, vm0, $0xb8;
	[tilespmem:$0x1E000] =	vst v63  }
0x4a: {  	s1 =	simm.s32 $0xB000  }
0x4b: {  	[tilespmem:s1], [sflag:$0x3] =	stream.indirect_vreg.gather [hbm4b:s6+s4], $0x80, v2, vm0, $0xb8;
	[tilespmem:$0x1E000] =	vst v63  }
0x4c: {  	s1 =	simm.s32 $0xB800  }
0x4d: {  	[tilespmem:s1], [sflag:$0x3] =	stream.indirect_vreg.gather [hbm4b:s7+s4], $0x80, v2, vm0, $0xb8;
	[tilespmem:$0x1E000] =	vst v63  }
0x4e: {  	s1 =	simm.s32 $0xC000  }
0x4f: {  	[tilespmem:s1], [sflag:$0x3] =	stream.indirect_vreg.gather [hbm4b:s8+s4], $0x80, v2, vm0, $0xb8;
	[tilespmem:$0x1E000] =	vst v63  }
0x50: {  	s1 =	simm.s32 $0xC800  }
0x51: {  	[tilespmem:s1], [sflag:$0x3] =	stream.indirect_vreg.gather [hbm4b:s9+s4], $0x80, v2, vm0, $0xb8;
	[tilespmem:$0x1E000] =	vst v63  }
0x52: {  	s1 =	simm.s32 $0xD000  }
0x53: {  	[tilespmem:s1], [sflag:$0x3] =	stream.indirect_vreg.gather [hbm4b:s10+s4], $0x80, v2, vm0, $0xb8;
	[tilespmem:$0x1E000] =	vst v63  }
0x54: {  	s1 =	simm.s32 $0xD800  }
0x55: {  	[tilespmem:s1], [sflag:$0x3] =	stream.indirect_vreg.gather [hbm4b:s11+s4], $0x80, v2, vm0, $0xb8;
	[tilespmem:$0x1E000] =	vst v63  }
0x56: {  	v2 =	vld.msk [tilespmem:$0x180], $0xff;
	_ =	sdelay $0x4  }
0x57: {  	v3 =	vshll.u32 v2, $0x4  }
0x58: {  	v2 =	vand.u32 $0x7, v2;
	v3 =	vand.u32 $0xFFFFFF80, v3  }
0x59: {  	v2 =	vor.u32 v2, v3  }
0x5a: {  	v2 =	vperm.xlane v2, v0;
	_ =	sdelay $0x1  }
0x5b: {  	v2 =	vadd.s32 v1, v2;
	_ =	sdelay $0x3  }
0x5c: {  	s1 =	simm.s32 $0xE000  }
0x5d: {  	[tilespmem:s1], [sflag:$0x4] =	stream.indirect_vreg.gather [hbm4b:s25+s4], $0x80, v2, vm0, $0xb8;
	[tilespmem:$0x1E000] =	vst v63  }
0x5e: {  	s1 =	simm.s32 $0xE800  }
0x5f: {  	[tilespmem:s1], [sflag:$0x4] =	stream.indirect_vreg.gather [hbm4b:s5+s4], $0x80, v2, vm0, $0xb8;
	[tilespmem:$0x1E000] =	vst v63  }
0x60: {  	s1 =	simm.s32 $0xF000  }
0x61: {  	[tilespmem:s1], [sflag:$0x4] =	stream.indirect_vreg.gather [hbm4b:s6+s4], $0x80, v2, vm0, $0xb8;
	[tilespmem:$0x1E000] =	vst v63  }
0x62: {  	s1 =	simm.s32 $0xF800  }
0x63: {  	[tilespmem:s1], [sflag:$0x4] =	stream.indirect_vreg.gather [hbm4b:s7+s4], $0x80, v2, vm0, $0xb8;
	[tilespmem:$0x1E000] =	vst v63  }
0x64: {  	s1 =	simm.s32 $0x10000  }
0x65: {  	[tilespmem:s1], [sflag:$0x4] =	stream.indirect_vreg.gather [hbm4b:s8+s4], $0x80, v2, vm0, $0xb8;
	[tilespmem:$0x1E000] =	vst v63  }
0x66: {  	s1 =	simm.s32 $0x10800  }
0x67: {  	[tilespmem:s1], [sflag:$0x4] =	stream.indirect_vreg.gather [hbm4b:s9+s4], $0x80, v2, vm0, $0xb8;
	[tilespmem:$0x1E000] =	vst v63  }
0x68: {  	s1 =	simm.s32 $0x11000  }
0x69: {  	[tilespmem:s1], [sflag:$0x4] =	stream.indirect_vreg.gather [hbm4b:s10+s4], $0x80, v2, vm0, $0xb8;
	[tilespmem:$0x1E000] =	vst v63  }
0x6a: {  	s1 =	simm.s32 $0x11800  }
0x6b: {  	[tilespmem:s1], [sflag:$0x4] =	stream.indirect_vreg.gather [hbm4b:s11+s4], $0x80, v2, vm0, $0xb8;
	[tilespmem:$0x1E000] =	vst v63  }
0x6c: {  	s1 =	simm.s32 $0x1  }
0x6d: {  	_ =	swait.ge [sflag:s1], $0x4000  }
0x6e: {  	[sflag:s1] =	ssyncset.done $0x0  }
0x6f: {  	[sflag:s1] =	ssyncadd.s32 $0xFFFFC000  }
0x70: {  	v2 =	vld.msk [tilespmem:$0xE80], $0xff;
	_ =	sdelay $0x4  }
0x71: {  	v3 =	vshll.u32 v2, $0x4  }
0x72: {  	v2 =	vand.u32 $0x7, v2;
	v3 =	vand.u32 $0xFFFFFF80, v3  }
0x73: {  	v2 =	vor.u32 v2, v3  }
0x74: {  	v2 =	vperm.xlane v2, v0;
	_ =	sdelay $0x1  }
0x75: {  	v2 =	vadd.s32 v1, v2;
	_ =	sdelay $0x3  }
0x76: {  	s19 =	simm.s32 $0x2000;
	s1 =	rddreg [dreg:$0x2]  }
0x77: {  	[hbm4b:s1+s4] =	stream.indirect_vreg.scatter [tilespmem:s19], [sflag:$0x8], $0x80, v2, vm0, $0xb8;
	[tilespmem:$0x1E000] =	vst v63  }
0x78: {  	s28 =	simm.s32 $0x2800  }
0x79: {  	[hbm4b:s12+s4] =	stream.indirect_vreg.scatter [tilespmem:s28], [sflag:$0x8], $0x80, v2, vm0, $0xb8;
	[tilespmem:$0x1E000] =	vst v63  }
0x7a: {  	s21 =	simm.s32 $0x3000  }
0x7b: {  	[hbm4b:s13+s4] =	stream.indirect_vreg.scatter [tilespmem:s21], [sflag:$0x8], $0x80, v2, vm0, $0xb8;
	[tilespmem:$0x1E000] =	vst v63  }
0x7c: {  	s22 =	simm.s32 $0x3800  }
0x7d: {  	[hbm4b:s14+s4] =	stream.indirect_vreg.scatter [tilespmem:s22], [sflag:$0x8], $0x80, v2, vm0, $0xb8;
	[tilespmem:$0x1E000] =	vst v63  }
0x7e: {  	s23 =	simm.s32 $0x4000  }
0x7f: {  	[hbm4b:s15+s4] =	stream.indirect_vreg.scatter [tilespmem:s23], [sflag:$0x8], $0x80, v2, vm0, $0xb8;
	[tilespmem:$0x1E000] =	vst v63  }
0x80: {  	s20 =	simm.s32 $0x4800  }
0x81: {  	[hbm4b:s16+s4] =	stream.indirect_vreg.scatter [tilespmem:s20], [sflag:$0x8], $0x80, v2, vm0, $0xb8;
	[tilespmem:$0x1E000] =	vst v63  }
0x82: {  	s24 =	simm.s32 $0x5000  }
0x83: {  	[hbm4b:s17+s4] =	stream.indirect_vreg.scatter [tilespmem:s24], [sflag:$0x8], $0x80, v2, vm0, $0xb8;
	[tilespmem:$0x1E000] =	vst v63  }
0x84: {  	s0 =	simm.s32 $0x5800  }
0x85: {  	[hbm4b:s18+s4] =	stream.indirect_vreg.scatter [tilespmem:s0], [sflag:$0x8], $0x80, v2, vm0, $0xb8;
	[tilespmem:$0x1E000] =	vst v63  }
0x86: {  	v2 =	vld.msk [tilespmem:$0x200], $0xff;
	_ =	sdelay $0x4  }
0x87: {  	v3 =	vshll.u32 v2, $0x4  }
0x88: {  	v2 =	vand.u32 $0x7, v2;
	v3 =	vand.u32 $0xFFFFFF80, v3  }
0x89: {  	v2 =	vor.u32 v2, v3  }
0x8a: {  	v2 =	vperm.xlane v2, v0;
	_ =	sdelay $0x1  }
0x8b: {  	v2 =	vadd.s32 v1, v2;
	_ =	sdelay $0x3  }
0x8c: {  	s28 =	simm.s32 $0x12000  }
0x8d: {  	[tilespmem:s28], [sflag:$0x5] =	stream.indirect_vreg.gather [hbm4b:s25+s4], $0x80, v2, vm0, $0xb8;
	[tilespmem:$0x1E000] =	vst v63  }
0x8e: {  	s3 =	simm.s32 $0x12800  }
0x8f: {  	[tilespmem:s3], [sflag:$0x5] =	stream.indirect_vreg.gather [hbm4b:s5+s4], $0x80, v2, vm0, $0xb8;
	[tilespmem:$0x1E000] =	vst v63  }
0x90: {  	s19 =	simm.s32 $0x13000  }
0x91: {  	[tilespmem:s19], [sflag:$0x5] =	stream.indirect_vreg.gather [hbm4b:s6+s4], $0x80, v2, vm0, $0xb8;
	[tilespmem:$0x1E000] =	vst v63  }
0x92: {  	s28 =	simm.s32 $0x13800  }
0x93: {  	[tilespmem:s28], [sflag:$0x5] =	stream.indirect_vreg.gather [hbm4b:s7+s4], $0x80, v2, vm0, $0xb8;
	[tilespmem:$0x1E000] =	vst v63  }
0x94: {  	s3 =	simm.s32 $0x14000  }
0x95: {  	[tilespmem:s3], [sflag:$0x5] =	stream.indirect_vreg.gather [hbm4b:s8+s4], $0x80, v2, vm0, $0xb8;
	[tilespmem:$0x1E000] =	vst v63  }
0x96: {  	s19 =	simm.s32 $0x14800  }
0x97: {  	[tilespmem:s19], [sflag:$0x5] =	stream.indirect_vreg.gather [hbm4b:s9+s4], $0x80, v2, vm0, $0xb8;
	[tilespmem:$0x1E000] =	vst v63  }
0x98: {  	s28 =	simm.s32 $0x15000  }
0x99: {  	[tilespmem:s28], [sflag:$0x5] =	stream.indirect_vreg.gather [hbm4b:s10+s4], $0x80, v2, vm0, $0xb8;
	[tilespmem:$0x1E000] =	vst v63  }
0x9a: {  	s3 =	simm.s32 $0x15800;
	s19 =	simm.s32 $0x2  }
0x9b: {  	[tilespmem:s3], [sflag:$0x5] =	stream.indirect_vreg.gather [hbm4b:s11+s4], $0x80, v2, vm0, $0xb8;
	[tilespmem:$0x1E000] =	vst v63  }
0x9c: {  	_ =	swait.ge [sflag:s19], $0x4000  }
0x9d: {  	[sflag:s19] =	ssyncset.done $0x0  }
0x9e: {  	[sflag:s19] =	ssyncadd.s32 $0xFFFFC000  }
0x9f: {  	v2 =	vld.msk [tilespmem:$0xF00], $0xff;
	_ =	sdelay $0x4  }
0xa0: {  	v3 =	vshll.u32 v2, $0x4  }
0xa1: {  	v2 =	vand.u32 $0x7, v2;
	v3 =	vand.u32 $0xFFFFFF80, v3  }
0xa2: {  	v2 =	vor.u32 v2, v3  }
0xa3: {  	v2 =	vperm.xlane v2, v0;
	_ =	sdelay $0x1  }
0xa4: {  	v2 =	vadd.s32 v1, v2;
	_ =	sdelay $0x3  }
0xa5: {  	s28 =	simm.s32 $0x6000  }
0xa6: {  	[hbm4b:s1+s4] =	stream.indirect_vreg.scatter [tilespmem:s28], [sflag:$0x9], $0x80, v2, vm0, $0xb8;
	[tilespmem:$0x1E000] =	vst v63  }
0xa7: {  	s26 =	simm.s32 $0x6800  }
0xa8: {  	[hbm4b:s12+s4] =	stream.indirect_vreg.scatter [tilespmem:s26], [sflag:$0x9], $0x80, v2, vm0, $0xb8;
	[tilespmem:$0x1E000] =	vst v63  }
0xa9: {  	s29 =	simm.s32 $0x7000  }
0xaa: {  	[hbm4b:s13+s4] =	stream.indirect_vreg.scatter [tilespmem:s29], [sflag:$0x9], $0x80, v2, vm0, $0xb8;
	[tilespmem:$0x1E000] =	vst v63  }
0xab: {  	s30 =	simm.s32 $0x7800  }
0xac: {  	[hbm4b:s14+s4] =	stream.indirect_vreg.scatter [tilespmem:s30], [sflag:$0x9], $0x80, v2, vm0, $0xb8;
	[tilespmem:$0x1E000] =	vst v63  }
0xad: {  	s31 =	simm.s32 $0x8000  }
0xae: {  	[hbm4b:s15+s4] =	stream.indirect_vreg.scatter [tilespmem:s31], [sflag:$0x9], $0x80, v2, vm0, $0xb8;
	[tilespmem:$0x1E000] =	vst v63  }
0xaf: {  	s3 =	simm.s32 $0x8800  }
0xb0: {  	[hbm4b:s16+s4] =	stream.indirect_vreg.scatter [tilespmem:s3], [sflag:$0x9], $0x80, v2, vm0, $0xb8;
	[tilespmem:$0x1E000] =	vst v63  }
0xb1: {  	s19 =	simm.s32 $0x9000  }
0xb2: {  	[hbm4b:s17+s4] =	stream.indirect_vreg.scatter [tilespmem:s19], [sflag:$0x9], $0x80, v2, vm0, $0xb8;
	[tilespmem:$0x1E000] =	vst v63  }
0xb3: {  	s2 =	simm.s32 $0x9800  }
0xb4: {  	[hbm4b:s18+s4] =	stream.indirect_vreg.scatter [tilespmem:s2], [sflag:$0x9], $0x80, v2, vm0, $0xb8;
	[tilespmem:$0x1E000] =	vst v63  }
0xb5: {  	v2 =	vld.msk [tilespmem:$0x280], $0xff;
	_ =	sdelay $0x4  }
0xb6: {  	v3 =	vshll.u32 v2, $0x4  }
0xb7: {  	v2 =	vand.u32 $0x7, v2;
	v3 =	vand.u32 $0xFFFFFF80, v3  }
0xb8: {  	v2 =	vor.u32 v2, v3  }
0xb9: {  	v2 =	vperm.xlane v2, v0;
	_ =	sdelay $0x1  }
0xba: {  	v2 =	vadd.s32 v1, v2;
	_ =	sdelay $0x3  }
0xbb: {  	s28 =	simm.s32 $0x16000  }
0xbc: {  	[tilespmem:s28], [sflag:$0x6] =	stream.indirect_vreg.gather [hbm4b:s25+s4], $0x80, v2, vm0, $0xb8;
	[tilespmem:$0x1E000] =	vst v63  }
0xbd: {  	s2 =	simm.s32 $0x16800  }
0xbe: {  	[tilespmem:s2], [sflag:$0x6] =	stream.indirect_vreg.gather [hbm4b:s5+s4], $0x80, v2, vm0, $0xb8;
	[tilespmem:$0x1E000] =	vst v63  }
0xbf: {  	s3 =	simm.s32 $0x17000  }
0xc0: {  	[tilespmem:s3], [sflag:$0x6] =	stream.indirect_vreg.gather [hbm4b:s6+s4], $0x80, v2, vm0, $0xb8;
	[tilespmem:$0x1E000] =	vst v63  }
0xc1: {  	s19 =	simm.s32 $0x17800  }
0xc2: {  	[tilespmem:s19], [sflag:$0x6] =	stream.indirect_vreg.gather [hbm4b:s7+s4], $0x80, v2, vm0, $0xb8;
	[tilespmem:$0x1E000] =	vst v63  }
0xc3: {  	s28 =	simm.s32 $0x18000  }
0xc4: {  	[tilespmem:s28], [sflag:$0x6] =	stream.indirect_vreg.gather [hbm4b:s8+s4], $0x80, v2, vm0, $0xb8;
	[tilespmem:$0x1E000] =	vst v63  }
0xc5: {  	s2 =	simm.s32 $0x18800  }
0xc6: {  	[tilespmem:s2], [sflag:$0x6] =	stream.indirect_vreg.gather [hbm4b:s9+s4], $0x80, v2, vm0, $0xb8;
	[tilespmem:$0x1E000] =	vst v63  }
0xc7: {  	s3 =	simm.s32 $0x19000  }
0xc8: {  	[tilespmem:s3], [sflag:$0x6] =	stream.indirect_vreg.gather [hbm4b:s10+s4], $0x80, v2, vm0, $0xb8;
	[tilespmem:$0x1E000] =	vst v63  }
0xc9: {  	s19 =	simm.s32 $0x19800;
	s28 =	simm.s32 $0x3  }
0xca: {  	[tilespmem:s19], [sflag:$0x6] =	stream.indirect_vreg.gather [hbm4b:s11+s4], $0x80, v2, vm0, $0xb8;
	[tilespmem:$0x1E000] =	vst v63  }
0xcb: {  	_ =	swait.ge [sflag:s28], $0x4000  }
0xcc: {  	[sflag:s28] =	ssyncset.done $0x0  }
0xcd: {  	[sflag:s28] =	ssyncadd.s32 $0xFFFFC000  }
0xce: {  	v2 =	vld.msk [tilespmem:$0xF80], $0xff;
	_ =	sdelay $0x4  }
0xcf: {  	v3 =	vshll.u32 v2, $0x4  }
0xd0: {  	v2 =	vand.u32 $0x7, v2;
	v3 =	vand.u32 $0xFFFFFF80, v3  }
0xd1: {  	v2 =	vor.u32 v2, v3  }
0xd2: {  	v2 =	vperm.xlane v2, v0;
	_ =	sdelay $0x1  }
0xd3: {  	v2 =	vadd.s32 v1, v2;
	_ =	sdelay $0x3  }
0xd4: {  	s3 =	simm.s32 $0xA000  }
0xd5: {  	[hbm4b:s1+s4] =	stream.indirect_vreg.scatter [tilespmem:s3], [sflag:$0xA], $0x80, v2, vm0, $0xb8;
	[tilespmem:$0x1E000] =	vst v63  }
0xd6: {  	s19 =	simm.s32 $0xA800  }
0xd7: {  	[hbm4b:s12+s4] =	stream.indirect_vreg.scatter [tilespmem:s19], [sflag:$0xA], $0x80, v2, vm0, $0xb8;
	[tilespmem:$0x1E000] =	vst v63  }
0xd8: {  	s28 =	simm.s32 $0xB000  }
0xd9: {  	[hbm4b:s13+s4] =	stream.indirect_vreg.scatter [tilespmem:s28], [sflag:$0xA], $0x80, v2, vm0, $0xb8;
	[tilespmem:$0x1E000] =	vst v63  }
0xda: {  	s2 =	simm.s32 $0xB800  }
0xdb: {  	[hbm4b:s14+s4] =	stream.indirect_vreg.scatter [tilespmem:s2], [sflag:$0xA], $0x80, v2, vm0, $0xb8;
	[tilespmem:$0x1E000] =	vst v63  }
0xdc: {  	s2 =	simm.s32 $0xC000  }
0xdd: {  	[hbm4b:s15+s4] =	stream.indirect_vreg.scatter [tilespmem:s2], [sflag:$0xA], $0x80, v2, vm0, $0xb8;
	[tilespmem:$0x1E000] =	vst v63  }
0xde: {  	s2 =	simm.s32 $0xC800  }
0xdf: {  	[hbm4b:s16+s4] =	stream.indirect_vreg.scatter [tilespmem:s2], [sflag:$0xA], $0x80, v2, vm0, $0xb8;
	[tilespmem:$0x1E000] =	vst v63  }
0xe0: {  	s2 =	simm.s32 $0xD000  }
0xe1: {  	[hbm4b:s17+s4] =	stream.indirect_vreg.scatter [tilespmem:s2], [sflag:$0xA], $0x80, v2, vm0, $0xb8;
	[tilespmem:$0x1E000] =	vst v63  }
0xe2: {  	s2 =	simm.s32 $0xD800  }
0xe3: {  	[hbm4b:s18+s4] =	stream.indirect_vreg.scatter [tilespmem:s2], [sflag:$0xA], $0x80, v2, vm0, $0xb8;
	[tilespmem:$0x1E000] =	vst v63  }
0xe4: {  	v2 =	vld.msk [tilespmem:$0x300], $0xff;
	_ =	sdelay $0x4  }
0xe5: {  	v3 =	vshll.u32 v2, $0x4  }
0xe6: {  	v2 =	vand.u32 $0x7, v2;
	v3 =	vand.u32 $0xFFFFFF80, v3  }
0xe7: {  	v2 =	vor.u32 v2, v3  }
0xe8: {  	v2 =	vperm.xlane v2, v0;
	_ =	sdelay $0x1  }
0xe9: {  	v2 =	vadd.s32 v1, v2;
	_ =	sdelay $0x3  }
0xea: {  	s2 =	simm.s32 $0x1A000  }
0xeb: {  	[tilespmem:s2], [sflag:$0x7] =	stream.indirect_vreg.gather [hbm4b:s25+s4], $0x80, v2, vm0, $0xb8;
	[tilespmem:$0x1E000] =	vst v63  }
0xec: {  	s2 =	simm.s32 $0x1A800  }
0xed: {  	[tilespmem:s2], [sflag:$0x7] =	stream.indirect_vreg.gather [hbm4b:s5+s4], $0x80, v2, vm0, $0xb8;
	[tilespmem:$0x1E000] =	vst v63  }
0xee: {  	s2 =	simm.s32 $0x1B000  }
0xef: {  	[tilespmem:s2], [sflag:$0x7] =	stream.indirect_vreg.gather [hbm4b:s6+s4], $0x80, v2, vm0, $0xb8;
	[tilespmem:$0x1E000] =	vst v63  }
0xf0: {  	s2 =	simm.s32 $0x1B800  }
0xf1: {  	[tilespmem:s2], [sflag:$0x7] =	stream.indirect_vreg.gather [hbm4b:s7+s4], $0x80, v2, vm0, $0xb8;
	[tilespmem:$0x1E000] =	vst v63  }
0xf2: {  	s2 =	simm.s32 $0x1C000  }
0xf3: {  	[tilespmem:s2], [sflag:$0x7] =	stream.indirect_vreg.gather [hbm4b:s8+s4], $0x80, v2, vm0, $0xb8;
	[tilespmem:$0x1E000] =	vst v63  }
0xf4: {  	s2 =	simm.s32 $0x1C800  }
0xf5: {  	[tilespmem:s2], [sflag:$0x7] =	stream.indirect_vreg.gather [hbm4b:s9+s4], $0x80, v2, vm0, $0xb8;
	[tilespmem:$0x1E000] =	vst v63  }
0xf6: {  	s2 =	simm.s32 $0x1D000  }
0xf7: {  	[tilespmem:s2], [sflag:$0x7] =	stream.indirect_vreg.gather [hbm4b:s10+s4], $0x80, v2, vm0, $0xb8;
	[tilespmem:$0x1E000] =	vst v63  }
0xf8: {  	s2 =	simm.s32 $0x1D800  }
0xf9: {  	[tilespmem:s2], [sflag:$0x7] =	stream.indirect_vreg.gather [hbm4b:s11+s4], $0x80, v2, vm0, $0xb8;
	[tilespmem:$0x1E000] =	vst v63  }
0xfa: {  	s2 =	simm.s32 $0x4  }
0xfb: {  	_ =	swait.ge [sflag:s2], $0x4000  }
0xfc: {  	[sflag:s2] =	ssyncset.done $0x0  }
0xfd: {  	[sflag:s2] =	ssyncadd.s32 $0xFFFFC000  }
0xfe: {  	v2 =	vld.msk [tilespmem:$0x1000], $0xff;
	_ =	sdelay $0x4  }
0xff: {  	v3 =	vshll.u32 v2, $0x4  }
0x100: {  	v2 =	vand.u32 $0x7, v2;
	v3 =	vand.u32 $0xFFFFFF80, v3  }
0x101: {  	v2 =	vor.u32 v2, v3  }
0x102: {  	v2 =	vperm.xlane v2, v0;
	_ =	sdelay $0x1  }
0x103: {  	v2 =	vadd.s32 v1, v2;
	_ =	sdelay $0x3  }
0x104: {  	s2 =	simm.s32 $0xE000  }
0x105: {  	[hbm4b:s1+s4] =	stream.indirect_vreg.scatter [tilespmem:s2], [sflag:$0xB], $0x80, v2, vm0, $0xb8;
	[tilespmem:$0x1E000] =	vst v63  }
0x106: {  	s2 =	simm.s32 $0xE800  }
0x107: {  	[hbm4b:s12+s4] =	stream.indirect_vreg.scatter [tilespmem:s2], [sflag:$0xB], $0x80, v2, vm0, $0xb8;
	[tilespmem:$0x1E000] =	vst v63  }
0x108: {  	s2 =	simm.s32 $0xF000  }
0x109: {  	[hbm4b:s13+s4] =	stream.indirect_vreg.scatter [tilespmem:s2], [sflag:$0xB], $0x80, v2, vm0, $0xb8;
	[tilespmem:$0x1E000] =	vst v63  }
0x10a: {  	s2 =	simm.s32 $0xF800  }
0x10b: {  	[hbm4b:s14+s4] =	stream.indirect_vreg.scatter [tilespmem:s2], [sflag:$0xB], $0x80, v2, vm0, $0xb8;
	[tilespmem:$0x1E000] =	vst v63  }
0x10c: {  	s2 =	simm.s32 $0x10000  }
0x10d: {  	[hbm4b:s15+s4] =	stream.indirect_vreg.scatter [tilespmem:s2], [sflag:$0xB], $0x80, v2, vm0, $0xb8;
	[tilespmem:$0x1E000] =	vst v63  }
0x10e: {  	s2 =	simm.s32 $0x10800  }
0x10f: {  	[hbm4b:s16+s4] =	stream.indirect_vreg.scatter [tilespmem:s2], [sflag:$0xB], $0x80, v2, vm0, $0xb8;
	[tilespmem:$0x1E000] =	vst v63  }
0x110: {  	s2 =	simm.s32 $0x11000  }
0x111: {  	[hbm4b:s17+s4] =	stream.indirect_vreg.scatter [tilespmem:s2], [sflag:$0xB], $0x80, v2, vm0, $0xb8;
	[tilespmem:$0x1E000] =	vst v63  }
0x112: {  	s2 =	simm.s32 $0x11800  }
0x113: {  	[hbm4b:s18+s4] =	stream.indirect_vreg.scatter [tilespmem:s2], [sflag:$0xB], $0x80, v2, vm0, $0xb8;
	[tilespmem:$0x1E000] =	vst v63  }
0x114: {  	s2 =	simm.s32 $0x8  }
0x115: {  	_ =	swait.ge [sflag:s2], $0x4000  }
0x116: {  	[sflag:s2] =	ssyncset.done $0x0  }
0x117: {  	[sflag:s2] =	ssyncadd.s32 $0xFFFFC000  }
0x118: {  	v2 =	vld.msk [tilespmem:$0x380], $0xff;
	_ =	sdelay $0x4  }
0x119: {  	v3 =	vshll.u32 v2, $0x4  }
0x11a: {  	v2 =	vand.u32 $0x7, v2;
	v3 =	vand.u32 $0xFFFFFF80, v3  }
0x11b: {  	v2 =	vor.u32 v2, v3  }
0x11c: {  	v2 =	vperm.xlane v2, v0;
	_ =	sdelay $0x1  }
0x11d: {  	v2 =	vadd.s32 v1, v2;
	_ =	sdelay $0x3  }
0x11e: {  	s2 =	simm.s32 $0x2000  }
0x11f: {  	[tilespmem:s2], [sflag:$0x1] =	stream.indirect_vreg.gather [hbm4b:s25+s4], $0x80, v2, vm0, $0xb8;
	[tilespmem:$0x1E000] =	vst v63  }
0x120: {  	s2 =	simm.s32 $0x2800  }
0x121: {  	[tilespmem:s2], [sflag:$0x1] =	stream.indirect_vreg.gather [hbm4b:s5+s4], $0x80, v2, vm0, $0xb8;
	[tilespmem:$0x1E000] =	vst v63  }
0x122: {  	s2 =	simm.s32 $0x3000  }
0x123: {  	[tilespmem:s2], [sflag:$0x1] =	stream.indirect_vreg.gather [hbm4b:s6+s4], $0x80, v2, vm0, $0xb8;
	[tilespmem:$0x1E000] =	vst v63  }
0x124: {  	s2 =	simm.s32 $0x3800  }
0x125: {  	[tilespmem:s2], [sflag:$0x1] =	stream.indirect_vreg.gather [hbm4b:s7+s4], $0x80, v2, vm0, $0xb8;
	[tilespmem:$0x1E000] =	vst v63  }
0x126: {  	s21 =	simm.s32 $0x4000  }
0x127: {  	[tilespmem:s21], [sflag:$0x1] =	stream.indirect_vreg.gather [hbm4b:s8+s4], $0x80, v2, vm0, $0xb8;
	[tilespmem:$0x1E000] =	vst v63  }
0x128: {  	s20 =	simm.s32 $0x4800  }
0x129: {  	[tilespmem:s20], [sflag:$0x1] =	stream.indirect_vreg.gather [hbm4b:s9+s4], $0x80, v2, vm0, $0xb8;
	[tilespmem:$0x1E000] =	vst v63  }
0x12a: {  	s22 =	simm.s32 $0x5000  }
0x12b: {  	[tilespmem:s22], [sflag:$0x1] =	stream.indirect_vreg.gather [hbm4b:s10+s4], $0x80, v2, vm0, $0xb8;
	[tilespmem:$0x1E000] =	vst v63  }
0x12c: {  	s23 =	simm.s32 $0x5800  }
0x12d: {  	[tilespmem:s23], [sflag:$0x1] =	stream.indirect_vreg.gather [hbm4b:s11+s4], $0x80, v2, vm0, $0xb8;
	[tilespmem:$0x1E000] =	vst v63  }
0x12e: {  	s23 =	simm.s32 $0x5  }
0x12f: {  	_ =	swait.ge [sflag:s23], $0x4000  }
0x130: {  	[sflag:s23] =	ssyncset.done $0x0  }
0x131: {  	[sflag:s23] =	ssyncadd.s32 $0xFFFFC000  }
0x132: {  	v2 =	vld.msk [tilespmem:$0x1080], $0xff;
	_ =	sdelay $0x4  }
0x133: {  	v3 =	vshll.u32 v2, $0x4  }
0x134: {  	v2 =	vand.u32 $0x7, v2;
	v3 =	vand.u32 $0xFFFFFF80, v3  }
0x135: {  	v2 =	vor.u32 v2, v3  }
0x136: {  	v2 =	vperm.xlane v2, v0;
	_ =	sdelay $0x1  }
0x137: {  	v2 =	vadd.s32 v1, v2;
	_ =	sdelay $0x3  }
0x138: {  	s24 =	simm.s32 $0x12000  }
0x139: {  	[hbm4b:s1+s4] =	stream.indirect_vreg.scatter [tilespmem:s24], [sflag:$0xC], $0x80, v2, vm0, $0xb8;
	[tilespmem:$0x1E000] =	vst v63  }
0x13a: {  	s0 =	simm.s32 $0x12800  }
0x13b: {  	[hbm4b:s12+s4] =	stream.indirect_vreg.scatter [tilespmem:s0], [sflag:$0xC], $0x80, v2, vm0, $0xb8;
	[tilespmem:$0x1E000] =	vst v63  }
0x13c: {  	s2 =	simm.s32 $0x13000  }
0x13d: {  	[hbm4b:s13+s4] =	stream.indirect_vreg.scatter [tilespmem:s2], [sflag:$0xC], $0x80, v2, vm0, $0xb8;
	[tilespmem:$0x1E000] =	vst v63  }
0x13e: {  	s24 =	simm.s32 $0x13800  }
0x13f: {  	[hbm4b:s14+s4] =	stream.indirect_vreg.scatter [tilespmem:s24], [sflag:$0xC], $0x80, v2, vm0, $0xb8;
	[tilespmem:$0x1E000] =	vst v63  }
0x140: {  	s20 =	simm.s32 $0x14000  }
0x141: {  	[hbm4b:s15+s4] =	stream.indirect_vreg.scatter [tilespmem:s20], [sflag:$0xC], $0x80, v2, vm0, $0xb8;
	[tilespmem:$0x1E000] =	vst v63  }
0x142: {  	s21 =	simm.s32 $0x14800  }
0x143: {  	[hbm4b:s16+s4] =	stream.indirect_vreg.scatter [tilespmem:s21], [sflag:$0xC], $0x80, v2, vm0, $0xb8;
	[tilespmem:$0x1E000] =	vst v63  }
0x144: {  	s23 =	simm.s32 $0x15000  }
0x145: {  	[hbm4b:s17+s4] =	stream.indirect_vreg.scatter [tilespmem:s23], [sflag:$0xC], $0x80, v2, vm0, $0xb8;
	[tilespmem:$0x1E000] =	vst v63  }
0x146: {  	s23 =	simm.s32 $0x15800  }
0x147: {  	[hbm4b:s18+s4] =	stream.indirect_vreg.scatter [tilespmem:s23], [sflag:$0xC], $0x80, v2, vm0, $0xb8;
	[tilespmem:$0x1E000] =	vst v63  }
0x148: {  	s23 =	simm.s32 $0x9  }
0x149: {  	_ =	swait.ge [sflag:s23], $0x4000  }
0x14a: {  	[sflag:s23] =	ssyncset.done $0x0  }
0x14b: {  	[sflag:s23] =	ssyncadd.s32 $0xFFFFC000  }
0x14c: {  	v2 =	vld.msk [tilespmem:$0x400], $0xff;
	_ =	sdelay $0x4  }
0x14d: {  	v3 =	vshll.u32 v2, $0x4  }
0x14e: {  	v2 =	vand.u32 $0x7, v2;
	v3 =	vand.u32 $0xFFFFFF80, v3  }
0x14f: {  	v2 =	vor.u32 v2, v3  }
0x150: {  	v2 =	vperm.xlane v2, v0;
	_ =	sdelay $0x1  }
0x151: {  	v2 =	vadd.s32 v1, v2;
	_ =	sdelay $0x3  }
0x152: {  	s23 =	simm.s32 $0x6000  }
0x153: {  	[tilespmem:s23], [sflag:$0x2] =	stream.indirect_vreg.gather [hbm4b:s25+s4], $0x80, v2, vm0, $0xb8;
	[tilespmem:$0x1E000] =	vst v63  }
0x154: {  	s23 =	simm.s32 $0x6800  }
0x155: {  	[tilespmem:s23], [sflag:$0x2] =	stream.indirect_vreg.gather [hbm4b:s5+s4], $0x80, v2, vm0, $0xb8;
	[tilespmem:$0x1E000] =	vst v63  }
0x156: {  	s26 =	simm.s32 $0x7000  }
0x157: {  	[tilespmem:s26], [sflag:$0x2] =	stream.indirect_vreg.gather [hbm4b:s6+s4], $0x80, v2, vm0, $0xb8;
	[tilespmem:$0x1E000] =	vst v63  }
0x158: {  	s29 =	simm.s32 $0x7800  }
0x159: {  	[tilespmem:s29], [sflag:$0x2] =	stream.indirect_vreg.gather [hbm4b:s7+s4], $0x80, v2, vm0, $0xb8;
	[tilespmem:$0x1E000] =	vst v63  }
0x15a: {  	s30 =	simm.s32 $0x8000  }
0x15b: {  	[tilespmem:s30], [sflag:$0x2] =	stream.indirect_vreg.gather [hbm4b:s8+s4], $0x80, v2, vm0, $0xb8;
	[tilespmem:$0x1E000] =	vst v63  }
0x15c: {  	s31 =	simm.s32 $0x8800  }
0x15d: {  	[tilespmem:s31], [sflag:$0x2] =	stream.indirect_vreg.gather [hbm4b:s9+s4], $0x80, v2, vm0, $0xb8;
	[tilespmem:$0x1E000] =	vst v63  }
0x15e: {  	s29 =	simm.s32 $0x9000  }
0x15f: {  	[tilespmem:s29], [sflag:$0x2] =	stream.indirect_vreg.gather [hbm4b:s10+s4], $0x80, v2, vm0, $0xb8;
	[tilespmem:$0x1E000] =	vst v63  }
0x160: {  	s30 =	simm.s32 $0x9800;
	s31 =	simm.s32 $0x6  }
0x161: {  	[tilespmem:s30], [sflag:$0x2] =	stream.indirect_vreg.gather [hbm4b:s11+s4], $0x80, v2, vm0, $0xb8;
	[tilespmem:$0x1E000] =	vst v63  }
0x162: {  	_ =	swait.ge [sflag:s31], $0x4000  }
0x163: {  	[sflag:s31] =	ssyncset.done $0x0  }
0x164: {  	[sflag:s31] =	ssyncadd.s32 $0xFFFFC000  }
0x165: {  	v2 =	vld.msk [tilespmem:$0x1100], $0xff;
	_ =	sdelay $0x4  }
0x166: {  	v3 =	vshll.u32 v2, $0x4  }
0x167: {  	v2 =	vand.u32 $0x7, v2;
	v3 =	vand.u32 $0xFFFFFF80, v3  }
0x168: {  	v2 =	vor.u32 v2, v3  }
0x169: {  	v2 =	vperm.xlane v2, v0;
	_ =	sdelay $0x1  }
0x16a: {  	v2 =	vadd.s32 v1, v2;
	_ =	sdelay $0x3  }
0x16b: {  	s26 =	simm.s32 $0x16000  }
0x16c: {  	[hbm4b:s1+s4] =	stream.indirect_vreg.scatter [tilespmem:s26], [sflag:$0xD], $0x80, v2, vm0, $0xb8;
	[tilespmem:$0x1E000] =	vst v63  }
0x16d: {  	s29 =	simm.s32 $0x16800  }
0x16e: {  	[hbm4b:s12+s4] =	stream.indirect_vreg.scatter [tilespmem:s29], [sflag:$0xD], $0x80, v2, vm0, $0xb8;
	[tilespmem:$0x1E000] =	vst v63  }
0x16f: {  	s30 =	simm.s32 $0x17000  }
0x170: {  	[hbm4b:s13+s4] =	stream.indirect_vreg.scatter [tilespmem:s30], [sflag:$0xD], $0x80, v2, vm0, $0xb8;
	[tilespmem:$0x1E000] =	vst v63  }
0x171: {  	s31 =	simm.s32 $0x17800  }
0x172: {  	[hbm4b:s14+s4] =	stream.indirect_vreg.scatter [tilespmem:s31], [sflag:$0xD], $0x80, v2, vm0, $0xb8;
	[tilespmem:$0x1E000] =	vst v63  }
0x173: {  	s30 =	simm.s32 $0x18000  }
0x174: {  	[hbm4b:s15+s4] =	stream.indirect_vreg.scatter [tilespmem:s30], [sflag:$0xD], $0x80, v2, vm0, $0xb8;
	[tilespmem:$0x1E000] =	vst v63  }
0x175: {  	s31 =	simm.s32 $0x18800  }
0x176: {  	[hbm4b:s16+s4] =	stream.indirect_vreg.scatter [tilespmem:s31], [sflag:$0xD], $0x80, v2, vm0, $0xb8;
	[tilespmem:$0x1E000] =	vst v63  }
0x177: {  	s30 =	simm.s32 $0x19000  }
0x178: {  	[hbm4b:s17+s4] =	stream.indirect_vreg.scatter [tilespmem:s30], [sflag:$0xD], $0x80, v2, vm0, $0xb8;
	[tilespmem:$0x1E000] =	vst v63  }
0x179: {  	s31 =	simm.s32 $0x19800;
	s30 =	simm.s32 $0xA  }
0x17a: {  	[hbm4b:s18+s4] =	stream.indirect_vreg.scatter [tilespmem:s31], [sflag:$0xD], $0x80, v2, vm0, $0xb8;
	[tilespmem:$0x1E000] =	vst v63  }
0x17b: {  	_ =	swait.ge [sflag:s30], $0x4000  }
0x17c: {  	[sflag:s30] =	ssyncset.done $0x0  }
0x17d: {  	[sflag:s30] =	ssyncadd.s32 $0xFFFFC000  }
0x17e: {  	v2 =	vld.msk [tilespmem:$0x480], $0xff;
	_ =	sdelay $0x4  }
0x17f: {  	v3 =	vshll.u32 v2, $0x4  }
0x180: {  	v2 =	vand.u32 $0x7, v2;
	v3 =	vand.u32 $0xFFFFFF80, v3  }
0x181: {  	v2 =	vor.u32 v2, v3  }
0x182: {  	v2 =	vperm.xlane v2, v0;
	_ =	sdelay $0x1  }
0x183: {  	v2 =	vadd.s32 v1, v2;
	_ =	sdelay $0x4  }
0x184: {  	[tilespmem:s3], [sflag:$0x3] =	stream.indirect_vreg.gather [hbm4b:s25+s4], $0x80, v2, vm0, $0xb8;
	[tilespmem:$0x1E000] =	vst v63  }
0x185: {  	_ = 	snop  }
0x186: {  	[tilespmem:s19], [sflag:$0x3] =	stream.indirect_vreg.gather [hbm4b:s5+s4], $0x80, v2, vm0, $0xb8;
	[tilespmem:$0x1E000] =	vst v63  }
0x187: {  	_ = 	snop  }
0x188: {  	[tilespmem:s28], [sflag:$0x3] =	stream.indirect_vreg.gather [hbm4b:s6+s4], $0x80, v2, vm0, $0xb8;
	[tilespmem:$0x1E000] =	vst v63  }
0x189: {  	s31 =	simm.s32 $0xB800  }
0x18a: {  	[tilespmem:s31], [sflag:$0x3] =	stream.indirect_vreg.gather [hbm4b:s7+s4], $0x80, v2, vm0, $0xb8;
	[tilespmem:$0x1E000] =	vst v63  }
0x18b: {  	s28 =	simm.s32 $0xC000  }
0x18c: {  	[tilespmem:s28], [sflag:$0x3] =	stream.indirect_vreg.gather [hbm4b:s8+s4], $0x80, v2, vm0, $0xb8;
	[tilespmem:$0x1E000] =	vst v63  }
0x18d: {  	s30 =	simm.s32 $0xC800  }
0x18e: {  	[tilespmem:s30], [sflag:$0x3] =	stream.indirect_vreg.gather [hbm4b:s9+s4], $0x80, v2, vm0, $0xb8;
	[tilespmem:$0x1E000] =	vst v63  }
0x18f: {  	s31 =	simm.s32 $0xD000  }
0x190: {  	[tilespmem:s31], [sflag:$0x3] =	stream.indirect_vreg.gather [hbm4b:s10+s4], $0x80, v2, vm0, $0xb8;
	[tilespmem:$0x1E000] =	vst v63  }
0x191: {  	s28 =	simm.s32 $0xD800;
	s30 =	simm.s32 $0x7  }
0x192: {  	[tilespmem:s28], [sflag:$0x3] =	stream.indirect_vreg.gather [hbm4b:s11+s4], $0x80, v2, vm0, $0xb8;
	[tilespmem:$0x1E000] =	vst v63  }
0x193: {  	_ =	swait.ge [sflag:s30], $0x4000  }
0x194: {  	[sflag:s30] =	ssyncset.done $0x0  }
0x195: {  	[sflag:s30] =	ssyncadd.s32 $0xFFFFC000  }
0x196: {  	v2 =	vld.msk [tilespmem:$0x1180], $0xff;
	_ =	sdelay $0x4  }
0x197: {  	v3 =	vshll.u32 v2, $0x4  }
0x198: {  	v2 =	vand.u32 $0x7, v2;
	v3 =	vand.u32 $0xFFFFFF80, v3  }
0x199: {  	v2 =	vor.u32 v2, v3  }
0x19a: {  	v2 =	vperm.xlane v2, v0;
	_ =	sdelay $0x1  }
0x19b: {  	v2 =	vadd.s32 v1, v2;
	_ =	sdelay $0x3  }
0x19c: {  	s31 =	simm.s32 $0x1A000  }
0x19d: {  	[hbm4b:s1+s4] =	stream.indirect_vreg.scatter [tilespmem:s31], [sflag:$0xE], $0x80, v2, vm0, $0xb8;
	[tilespmem:$0x1E000] =	vst v63  }
0x19e: {  	s28 =	simm.s32 $0x1A800  }
0x19f: {  	[hbm4b:s12+s4] =	stream.indirect_vreg.scatter [tilespmem:s28], [sflag:$0xE], $0x80, v2, vm0, $0xb8;
	[tilespmem:$0x1E000] =	vst v63  }
0x1a0: {  	s30 =	simm.s32 $0x1B000  }
0x1a1: {  	[hbm4b:s13+s4] =	stream.indirect_vreg.scatter [tilespmem:s30], [sflag:$0xE], $0x80, v2, vm0, $0xb8;
	[tilespmem:$0x1E000] =	vst v63  }
0x1a2: {  	s30 =	simm.s32 $0x1B800  }
0x1a3: {  	[hbm4b:s14+s4] =	stream.indirect_vreg.scatter [tilespmem:s30], [sflag:$0xE], $0x80, v2, vm0, $0xb8;
	[tilespmem:$0x1E000] =	vst v63  }
0x1a4: {  	s30 =	simm.s32 $0x1C000  }
0x1a5: {  	[hbm4b:s15+s4] =	stream.indirect_vreg.scatter [tilespmem:s30], [sflag:$0xE], $0x80, v2, vm0, $0xb8;
	[tilespmem:$0x1E000] =	vst v63  }
0x1a6: {  	s30 =	simm.s32 $0x1C800  }
0x1a7: {  	[hbm4b:s16+s4] =	stream.indirect_vreg.scatter [tilespmem:s30], [sflag:$0xE], $0x80, v2, vm0, $0xb8;
	[tilespmem:$0x1E000] =	vst v63  }
0x1a8: {  	s30 =	simm.s32 $0x1D000  }
0x1a9: {  	[hbm4b:s17+s4] =	stream.indirect_vreg.scatter [tilespmem:s30], [sflag:$0xE], $0x80, v2, vm0, $0xb8;
	[tilespmem:$0x1E000] =	vst v63  }
0x1aa: {  	s30 =	simm.s32 $0x1D800  }
0x1ab: {  	[hbm4b:s18+s4] =	stream.indirect_vreg.scatter [tilespmem:s30], [sflag:$0xE], $0x80, v2, vm0, $0xb8;
	[tilespmem:$0x1E000] =	vst v63  }
0x1ac: {  	s30 =	simm.s32 $0xB  }
0x1ad: {  	_ =	swait.ge [sflag:s30], $0x4000  }
0x1ae: {  	[sflag:s30] =	ssyncset.done $0x0  }
0x1af: {  	[sflag:s30] =	ssyncadd.s32 $0xFFFFC000  }
0x1b0: {  	v2 =	vld.msk [tilespmem:$0x500], $0xff;
	_ =	sdelay $0x4  }
0x1b1: {  	v3 =	vshll.u32 v2, $0x4  }
0x1b2: {  	v2 =	vand.u32 $0x7, v2;
	v3 =	vand.u32 $0xFFFFFF80, v3  }
0x1b3: {  	v2 =	vor.u32 v2, v3  }
0x1b4: {  	v2 =	vperm.xlane v2, v0;
	_ =	sdelay $0x1  }
0x1b5: {  	v2 =	vadd.s32 v1, v2;
	_ =	sdelay $0x3  }
0x1b6: {  	s23 =	simm.s32 $0xE000  }
0x1b7: {  	[tilespmem:s23], [sflag:$0x4] =	stream.indirect_vreg.gather [hbm4b:s25+s4], $0x80, v2, vm0, $0xb8;
	[tilespmem:$0x1E000] =	vst v63  }
0x1b8: {  	s30 =	simm.s32 $0xE800  }
0x1b9: {  	[tilespmem:s30], [sflag:$0x4] =	stream.indirect_vreg.gather [hbm4b:s5+s4], $0x80, v2, vm0, $0xb8;
	[tilespmem:$0x1E000] =	vst v63  }
0x1ba: {  	s30 =	simm.s32 $0xF000  }
0x1bb: {  	[tilespmem:s30], [sflag:$0x4] =	stream.indirect_vreg.gather [hbm4b:s6+s4], $0x80, v2, vm0, $0xb8;
	[tilespmem:$0x1E000] =	vst v63  }
0x1bc: {  	s30 =	simm.s32 $0xF800  }
0x1bd: {  	[tilespmem:s30], [sflag:$0x4] =	stream.indirect_vreg.gather [hbm4b:s7+s4], $0x80, v2, vm0, $0xb8;
	[tilespmem:$0x1E000] =	vst v63  }
0x1be: {  	s30 =	simm.s32 $0x10000  }
0x1bf: {  	[tilespmem:s30], [sflag:$0x4] =	stream.indirect_vreg.gather [hbm4b:s8+s4], $0x80, v2, vm0, $0xb8;
	[tilespmem:$0x1E000] =	vst v63  }
0x1c0: {  	s30 =	simm.s32 $0x10800  }
0x1c1: {  	[tilespmem:s30], [sflag:$0x4] =	stream.indirect_vreg.gather [hbm4b:s9+s4], $0x80, v2, vm0, $0xb8;
	[tilespmem:$0x1E000] =	vst v63  }
0x1c2: {  	s30 =	simm.s32 $0x11000  }
0x1c3: {  	[tilespmem:s30], [sflag:$0x4] =	stream.indirect_vreg.gather [hbm4b:s10+s4], $0x80, v2, vm0, $0xb8;
	[tilespmem:$0x1E000] =	vst v63  }
0x1c4: {  	s30 =	simm.s32 $0x11800  }
0x1c5: {  	[tilespmem:s30], [sflag:$0x4] =	stream.indirect_vreg.gather [hbm4b:s11+s4], $0x80, v2, vm0, $0xb8;
	[tilespmem:$0x1E000] =	vst v63  }
0x1c6: {  	s30 =	simm.s32 $0x1  }
0x1c7: {  	_ =	swait.ge [sflag:s30], $0x4000  }
0x1c8: {  	[sflag:s30] =	ssyncset.done $0x0  }
0x1c9: {  	[sflag:s30] =	ssyncadd.s32 $0xFFFFC000  }
0x1ca: {  	v2 =	vld.msk [tilespmem:$0x1200], $0xff;
	_ =	sdelay $0x4  }
0x1cb: {  	v3 =	vshll.u32 v2, $0x4  }
0x1cc: {  	v2 =	vand.u32 $0x7, v2;
	v3 =	vand.u32 $0xFFFFFF80, v3  }
0x1cd: {  	v2 =	vor.u32 v2, v3  }
0x1ce: {  	v2 =	vperm.xlane v2, v0;
	_ =	sdelay $0x1  }
0x1cf: {  	v2 =	vadd.s32 v1, v2;
	_ =	sdelay $0x3  }
0x1d0: {  	s30 =	simm.s32 $0x2000  }
0x1d1: {  	[hbm4b:s1+s4] =	stream.indirect_vreg.scatter [tilespmem:s30], [sflag:$0x8], $0x80, v2, vm0, $0xb8;
	[tilespmem:$0x1E000] =	vst v63  }
0x1d2: {  	s30 =	simm.s32 $0x2800  }
0x1d3: {  	[hbm4b:s12+s4] =	stream.indirect_vreg.scatter [tilespmem:s30], [sflag:$0x8], $0x80, v2, vm0, $0xb8;
	[tilespmem:$0x1E000] =	vst v63  }
0x1d4: {  	s30 =	simm.s32 $0x3000  }
0x1d5: {  	[hbm4b:s13+s4] =	stream.indirect_vreg.scatter [tilespmem:s30], [sflag:$0x8], $0x80, v2, vm0, $0xb8;
	[tilespmem:$0x1E000] =	vst v63  }
0x1d6: {  	s30 =	simm.s32 $0x3800  }
0x1d7: {  	[hbm4b:s14+s4] =	stream.indirect_vreg.scatter [tilespmem:s30], [sflag:$0x8], $0x80, v2, vm0, $0xb8;
	[tilespmem:$0x1E000] =	vst v63  }
0x1d8: {  	s30 =	simm.s32 $0x4000  }
0x1d9: {  	[hbm4b:s15+s4] =	stream.indirect_vreg.scatter [tilespmem:s30], [sflag:$0x8], $0x80, v2, vm0, $0xb8;
	[tilespmem:$0x1E000] =	vst v63  }
0x1da: {  	s30 =	simm.s32 $0x4800  }
0x1db: {  	[hbm4b:s16+s4] =	stream.indirect_vreg.scatter [tilespmem:s30], [sflag:$0x8], $0x80, v2, vm0, $0xb8;
	[tilespmem:$0x1E000] =	vst v63  }
0x1dc: {  	s30 =	simm.s32 $0x5000  }
0x1dd: {  	[hbm4b:s17+s4] =	stream.indirect_vreg.scatter [tilespmem:s30], [sflag:$0x8], $0x80, v2, vm0, $0xb8;
	[tilespmem:$0x1E000] =	vst v63  }
0x1de: {  	s22 =	simm.s32 $0x5800;
	s30 =	simm.s32 $0xC  }
0x1df: {  	[hbm4b:s18+s4] =	stream.indirect_vreg.scatter [tilespmem:s22], [sflag:$0x8], $0x80, v2, vm0, $0xb8;
	[tilespmem:$0x1E000] =	vst v63  }
0x1e0: {  	_ =	swait.ge [sflag:s30], $0x4000  }
0x1e1: {  	[sflag:s30] =	ssyncset.done $0x0  }
0x1e2: {  	[sflag:s30] =	ssyncadd.s32 $0xFFFFC000  }
0x1e3: {  	v2 =	vld.msk [tilespmem:$0x580], $0xff;
	_ =	sdelay $0x4  }
0x1e4: {  	v3 =	vshll.u32 v2, $0x4  }
0x1e5: {  	v2 =	vand.u32 $0x7, v2;
	v3 =	vand.u32 $0xFFFFFF80, v3  }
0x1e6: {  	v2 =	vor.u32 v2, v3  }
0x1e7: {  	v2 =	vperm.xlane v2, v0;
	_ =	sdelay $0x1  }
0x1e8: {  	v2 =	vadd.s32 v1, v2;
	_ =	sdelay $0x3  }
0x1e9: {  	s30 =	simm.s32 $0x12000  }
0x1ea: {  	[tilespmem:s30], [sflag:$0x5] =	stream.indirect_vreg.gather [hbm4b:s25+s4], $0x80, v2, vm0, $0xb8;
	[tilespmem:$0x1E000] =	vst v63  }
0x1eb: {  	_ = 	snop  }
0x1ec: {  	[tilespmem:s0], [sflag:$0x5] =	stream.indirect_vreg.gather [hbm4b:s5+s4], $0x80, v2, vm0, $0xb8;
	[tilespmem:$0x1E000] =	vst v63  }
0x1ed: {  	_ = 	snop  }
0x1ee: {  	[tilespmem:s2], [sflag:$0x5] =	stream.indirect_vreg.gather [hbm4b:s6+s4], $0x80, v2, vm0, $0xb8;
	[tilespmem:$0x1E000] =	vst v63  }
0x1ef: {  	_ = 	snop  }
0x1f0: {  	[tilespmem:s24], [sflag:$0x5] =	stream.indirect_vreg.gather [hbm4b:s7+s4], $0x80, v2, vm0, $0xb8;
	[tilespmem:$0x1E000] =	vst v63  }
0x1f1: {  	_ = 	snop  }
0x1f2: {  	[tilespmem:s20], [sflag:$0x5] =	stream.indirect_vreg.gather [hbm4b:s8+s4], $0x80, v2, vm0, $0xb8;
	[tilespmem:$0x1E000] =	vst v63  }
0x1f3: {  	_ = 	snop  }
0x1f4: {  	[tilespmem:s21], [sflag:$0x5] =	stream.indirect_vreg.gather [hbm4b:s9+s4], $0x80, v2, vm0, $0xb8;
	[tilespmem:$0x1E000] =	vst v63  }
0x1f5: {  	s21 =	simm.s32 $0x15000  }
0x1f6: {  	[tilespmem:s21], [sflag:$0x5] =	stream.indirect_vreg.gather [hbm4b:s10+s4], $0x80, v2, vm0, $0xb8;
	[tilespmem:$0x1E000] =	vst v63  }
0x1f7: {  	s30 =	simm.s32 $0x15800;
	s24 =	simm.s32 $0x2  }
0x1f8: {  	[tilespmem:s30], [sflag:$0x5] =	stream.indirect_vreg.gather [hbm4b:s11+s4], $0x80, v2, vm0, $0xb8;
	[tilespmem:$0x1E000] =	vst v63  }
0x1f9: {  	_ =	swait.ge [sflag:s24], $0x4000  }
0x1fa: {  	[sflag:s24] =	ssyncset.done $0x0  }
0x1fb: {  	[sflag:s24] =	ssyncadd.s32 $0xFFFFC000  }
0x1fc: {  	v2 =	vld.msk [tilespmem:$0x1280], $0xff;
	_ =	sdelay $0x4  }
0x1fd: {  	v3 =	vshll.u32 v2, $0x4  }
0x1fe: {  	v2 =	vand.u32 $0x7, v2;
	v3 =	vand.u32 $0xFFFFFF80, v3  }
0x1ff: {  	v2 =	vor.u32 v2, v3  }
0x200: {  	v2 =	vperm.xlane v2, v0;
	_ =	sdelay $0x1  }
0x201: {  	v2 =	vadd.s32 v1, v2;
	_ =	sdelay $0x3  }
0x202: {  	s2 =	simm.s32 $0x6000  }
0x203: {  	[hbm4b:s1+s4] =	stream.indirect_vreg.scatter [tilespmem:s2], [sflag:$0x9], $0x80, v2, vm0, $0xb8;
	[tilespmem:$0x1E000] =	vst v63  }
0x204: {  	s20 =	simm.s32 $0x6800  }
0x205: {  	[hbm4b:s12+s4] =	stream.indirect_vreg.scatter [tilespmem:s20], [sflag:$0x9], $0x80, v2, vm0, $0xb8;
	[tilespmem:$0x1E000] =	vst v63  }
0x206: {  	s22 =	simm.s32 $0x7000  }
0x207: {  	[hbm4b:s13+s4] =	stream.indirect_vreg.scatter [tilespmem:s22], [sflag:$0x9], $0x80, v2, vm0, $0xb8;
	[tilespmem:$0x1E000] =	vst v63  }
0x208: {  	s24 =	simm.s32 $0x7800  }
0x209: {  	[hbm4b:s14+s4] =	stream.indirect_vreg.scatter [tilespmem:s24], [sflag:$0x9], $0x80, v2, vm0, $0xb8;
	[tilespmem:$0x1E000] =	vst v63  }
0x20a: {  	s2 =	simm.s32 $0x8000  }
0x20b: {  	[hbm4b:s15+s4] =	stream.indirect_vreg.scatter [tilespmem:s2], [sflag:$0x9], $0x80, v2, vm0, $0xb8;
	[tilespmem:$0x1E000] =	vst v63  }
0x20c: {  	s20 =	simm.s32 $0x8800  }
0x20d: {  	[hbm4b:s16+s4] =	stream.indirect_vreg.scatter [tilespmem:s20], [sflag:$0x9], $0x80, v2, vm0, $0xb8;
	[tilespmem:$0x1E000] =	vst v63  }
0x20e: {  	s22 =	simm.s32 $0x9000  }
0x20f: {  	[hbm4b:s17+s4] =	stream.indirect_vreg.scatter [tilespmem:s22], [sflag:$0x9], $0x80, v2, vm0, $0xb8;
	[tilespmem:$0x1E000] =	vst v63  }
0x210: {  	s24 =	simm.s32 $0x9800;
	s2 =	simm.s32 $0xD  }
0x211: {  	[hbm4b:s18+s4] =	stream.indirect_vreg.scatter [tilespmem:s24], [sflag:$0x9], $0x80, v2, vm0, $0xb8;
	[tilespmem:$0x1E000] =	vst v63  }
0x212: {  	_ =	swait.ge [sflag:s2], $0x4000  }
0x213: {  	[sflag:s2] =	ssyncset.done $0x0  }
0x214: {  	[sflag:s2] =	ssyncadd.s32 $0xFFFFC000  }
0x215: {  	v2 =	vld.msk [tilespmem:$0x600], $0xff;
	_ =	sdelay $0x4  }
0x216: {  	v3 =	vshll.u32 v2, $0x4  }
0x217: {  	v2 =	vand.u32 $0x7, v2;
	v3 =	vand.u32 $0xFFFFFF80, v3  }
0x218: {  	v2 =	vor.u32 v2, v3  }
0x219: {  	v2 =	vperm.xlane v2, v0;
	_ =	sdelay $0x1  }
0x21a: {  	v2 =	vadd.s32 v1, v2;
	_ =	sdelay $0x3  }
0x21b: {  	s26 =	simm.s32 $0x16000  }
0x21c: {  	[tilespmem:s26], [sflag:$0x6] =	stream.indirect_vreg.gather [hbm4b:s25+s4], $0x80, v2, vm0, $0xb8;
	[tilespmem:$0x1E000] =	vst v63  }
0x21d: {  	s29 =	simm.s32 $0x16800  }
0x21e: {  	[tilespmem:s29], [sflag:$0x6] =	stream.indirect_vreg.gather [hbm4b:s5+s4], $0x80, v2, vm0, $0xb8;
	[tilespmem:$0x1E000] =	vst v63  }
0x21f: {  	s20 =	simm.s32 $0x17000  }
0x220: {  	[tilespmem:s20], [sflag:$0x6] =	stream.indirect_vreg.gather [hbm4b:s6+s4], $0x80, v2, vm0, $0xb8;
	[tilespmem:$0x1E000] =	vst v63  }
0x221: {  	s20 =	simm.s32 $0x17800  }
0x222: {  	[tilespmem:s20], [sflag:$0x6] =	stream.indirect_vreg.gather [hbm4b:s7+s4], $0x80, v2, vm0, $0xb8;
	[tilespmem:$0x1E000] =	vst v63  }
0x223: {  	s24 =	simm.s32 $0x18000  }
0x224: {  	[tilespmem:s24], [sflag:$0x6] =	stream.indirect_vreg.gather [hbm4b:s8+s4], $0x80, v2, vm0, $0xb8;
	[tilespmem:$0x1E000] =	vst v63  }
0x225: {  	s2 =	simm.s32 $0x18800  }
0x226: {  	[tilespmem:s2], [sflag:$0x6] =	stream.indirect_vreg.gather [hbm4b:s9+s4], $0x80, v2, vm0, $0xb8;
	[tilespmem:$0x1E000] =	vst v63  }
0x227: {  	s26 =	simm.s32 $0x19000  }
0x228: {  	[tilespmem:s26], [sflag:$0x6] =	stream.indirect_vreg.gather [hbm4b:s10+s4], $0x80, v2, vm0, $0xb8;
	[tilespmem:$0x1E000] =	vst v63  }
0x229: {  	s22 =	simm.s32 $0x3;
	s29 =	simm.s32 $0x19800  }
0x22a: {  	[tilespmem:s29], [sflag:$0x6] =	stream.indirect_vreg.gather [hbm4b:s11+s4], $0x80, v2, vm0, $0xb8;
	[tilespmem:$0x1E000] =	vst v63  }
0x22b: {  	_ =	swait.ge [sflag:s22], $0x4000  }
0x22c: {  	[sflag:s22] =	ssyncset.done $0x0  }
0x22d: {  	[sflag:s22] =	ssyncadd.s32 $0xFFFFC000  }
0x22e: {  	v2 =	vld.msk [tilespmem:$0x1300], $0xff;
	_ =	sdelay $0x4  }
0x22f: {  	v3 =	vshll.u32 v2, $0x4  }
0x230: {  	v2 =	vand.u32 $0x7, v2;
	v3 =	vand.u32 $0xFFFFFF80, v3  }
0x231: {  	v2 =	vor.u32 v2, v3  }
0x232: {  	v2 =	vperm.xlane v2, v0;
	_ =	sdelay $0x1  }
0x233: {  	v2 =	vadd.s32 v1, v2;
	_ =	sdelay $0x3  }
0x234: {  	s22 =	simm.s32 $0xA000  }
0x235: {  	[hbm4b:s1+s4] =	stream.indirect_vreg.scatter [tilespmem:s22], [sflag:$0xA], $0x80, v2, vm0, $0xb8;
	[tilespmem:$0x1E000] =	vst v63  }
0x236: {  	s3 =	simm.s32 $0xA800  }
0x237: {  	[hbm4b:s12+s4] =	stream.indirect_vreg.scatter [tilespmem:s3], [sflag:$0xA], $0x80, v2, vm0, $0xb8;
	[tilespmem:$0x1E000] =	vst v63  }
0x238: {  	s19 =	simm.s32 $0xB000  }
0x239: {  	[hbm4b:s13+s4] =	stream.indirect_vreg.scatter [tilespmem:s19], [sflag:$0xA], $0x80, v2, vm0, $0xb8;
	[tilespmem:$0x1E000] =	vst v63  }
0x23a: {  	s22 =	simm.s32 $0xB800  }
0x23b: {  	[hbm4b:s14+s4] =	stream.indirect_vreg.scatter [tilespmem:s22], [sflag:$0xA], $0x80, v2, vm0, $0xb8;
	[tilespmem:$0x1E000] =	vst v63  }
0x23c: {  	s3 =	simm.s32 $0xC000  }
0x23d: {  	[hbm4b:s15+s4] =	stream.indirect_vreg.scatter [tilespmem:s3], [sflag:$0xA], $0x80, v2, vm0, $0xb8;
	[tilespmem:$0x1E000] =	vst v63  }
0x23e: {  	s19 =	simm.s32 $0xC800  }
0x23f: {  	[hbm4b:s16+s4] =	stream.indirect_vreg.scatter [tilespmem:s19], [sflag:$0xA], $0x80, v2, vm0, $0xb8;
	[tilespmem:$0x1E000] =	vst v63  }
0x240: {  	s22 =	simm.s32 $0xD000  }
0x241: {  	[hbm4b:s17+s4] =	stream.indirect_vreg.scatter [tilespmem:s22], [sflag:$0xA], $0x80, v2, vm0, $0xb8;
	[tilespmem:$0x1E000] =	vst v63  }
0x242: {  	s3 =	simm.s32 $0xD800;
	s19 =	simm.s32 $0xE  }
0x243: {  	[hbm4b:s18+s4] =	stream.indirect_vreg.scatter [tilespmem:s3], [sflag:$0xA], $0x80, v2, vm0, $0xb8;
	[tilespmem:$0x1E000] =	vst v63  }
0x244: {  	_ =	swait.ge [sflag:s19], $0x4000  }
0x245: {  	[sflag:s19] =	ssyncset.done $0x0  }
0x246: {  	[sflag:s19] =	ssyncadd.s32 $0xFFFFC000  }
0x247: {  	v2 =	vld.msk [tilespmem:$0x680], $0xff;
	_ =	sdelay $0x4  }
0x248: {  	v3 =	vshll.u32 v2, $0x4  }
0x249: {  	v2 =	vand.u32 $0x7, v2;
	v3 =	vand.u32 $0xFFFFFF80, v3  }
0x24a: {  	v2 =	vor.u32 v2, v3  }
0x24b: {  	v2 =	vperm.xlane v2, v0;
	_ =	sdelay $0x1  }
0x24c: {  	v2 =	vadd.s32 v1, v2;
	_ =	sdelay $0x3  }
0x24d: {  	s31 =	simm.s32 $0x1A000  }
0x24e: {  	[tilespmem:s31], [sflag:$0x7] =	stream.indirect_vreg.gather [hbm4b:s25+s4], $0x80, v2, vm0, $0xb8;
	[tilespmem:$0x1E000] =	vst v63  }
0x24f: {  	s28 =	simm.s32 $0x1A800  }
0x250: {  	[tilespmem:s28], [sflag:$0x7] =	stream.indirect_vreg.gather [hbm4b:s5+s4], $0x80, v2, vm0, $0xb8;
	[tilespmem:$0x1E000] =	vst v63  }
0x251: {  	s22 =	simm.s32 $0x1B000  }
0x252: {  	[tilespmem:s22], [sflag:$0x7] =	stream.indirect_vreg.gather [hbm4b:s6+s4], $0x80, v2, vm0, $0xb8;
	[tilespmem:$0x1E000] =	vst v63  }
0x253: {  	s28 =	simm.s32 $0x1B800  }
0x254: {  	[tilespmem:s28], [sflag:$0x7] =	stream.indirect_vreg.gather [hbm4b:s7+s4], $0x80, v2, vm0, $0xb8;
	[tilespmem:$0x1E000] =	vst v63  }
0x255: {  	s31 =	simm.s32 $0x1C000  }
0x256: {  	[tilespmem:s31], [sflag:$0x7] =	stream.indirect_vreg.gather [hbm4b:s8+s4], $0x80, v2, vm0, $0xb8;
	[tilespmem:$0x1E000] =	vst v63  }
0x257: {  	s31 =	simm.s32 $0x1C800  }
0x258: {  	[tilespmem:s31], [sflag:$0x7] =	stream.indirect_vreg.gather [hbm4b:s9+s4], $0x80, v2, vm0, $0xb8;
	[tilespmem:$0x1E000] =	vst v63  }
0x259: {  	s3 =	simm.s32 $0x1D000  }
0x25a: {  	[tilespmem:s3], [sflag:$0x7] =	stream.indirect_vreg.gather [hbm4b:s10+s4], $0x80, v2, vm0, $0xb8;
	[tilespmem:$0x1E000] =	vst v63  }
0x25b: {  	s19 =	simm.s32 $0x1D800;
	s22 =	simm.s32 $0x4  }
0x25c: {  	[tilespmem:s19], [sflag:$0x7] =	stream.indirect_vreg.gather [hbm4b:s11+s4], $0x80, v2, vm0, $0xb8;
	[tilespmem:$0x1E000] =	vst v63  }
0x25d: {  	_ =	swait.ge [sflag:s22], $0x4000  }
0x25e: {  	[sflag:s22] =	ssyncset.done $0x0  }
0x25f: {  	[sflag:s22] =	ssyncadd.s32 $0xFFFFC000  }
0x260: {  	v2 =	vld.msk [tilespmem:$0x1380], $0xff;
	_ =	sdelay $0x4  }
0x261: {  	v3 =	vshll.u32 v2, $0x4  }
0x262: {  	v2 =	vand.u32 $0x7, v2;
	v3 =	vand.u32 $0xFFFFFF80, v3  }
0x263: {  	v2 =	vor.u32 v2, v3  }
0x264: {  	v2 =	vperm.xlane v2, v0;
	_ =	sdelay $0x1  }
0x265: {  	v2 =	vadd.s32 v1, v2;
	_ =	sdelay $0x4  }
0x266: {  	[hbm4b:s1+s4] =	stream.indirect_vreg.scatter [tilespmem:s23], [sflag:$0xB], $0x80, v2, vm0, $0xb8;
	[tilespmem:$0x1E000] =	vst v63  }
0x267: {  	s3 =	simm.s32 $0xE800  }
0x268: {  	[hbm4b:s12+s4] =	stream.indirect_vreg.scatter [tilespmem:s3], [sflag:$0xB], $0x80, v2, vm0, $0xb8;
	[tilespmem:$0x1E000] =	vst v63  }
0x269: {  	s19 =	simm.s32 $0xF000  }
0x26a: {  	[hbm4b:s13+s4] =	stream.indirect_vreg.scatter [tilespmem:s19], [sflag:$0xB], $0x80, v2, vm0, $0xb8;
	[tilespmem:$0x1E000] =	vst v63  }
0x26b: {  	s28 =	simm.s32 $0xF800  }
0x26c: {  	[hbm4b:s14+s4] =	stream.indirect_vreg.scatter [tilespmem:s28], [sflag:$0xB], $0x80, v2, vm0, $0xb8;
	[tilespmem:$0x1E000] =	vst v63  }
0x26d: {  	s22 =	simm.s32 $0x10000  }
0x26e: {  	[hbm4b:s15+s4] =	stream.indirect_vreg.scatter [tilespmem:s22], [sflag:$0xB], $0x80, v2, vm0, $0xb8;
	[tilespmem:$0x1E000] =	vst v63  }
0x26f: {  	s23 =	simm.s32 $0x10800  }
0x270: {  	[hbm4b:s16+s4] =	stream.indirect_vreg.scatter [tilespmem:s23], [sflag:$0xB], $0x80, v2, vm0, $0xb8;
	[tilespmem:$0x1E000] =	vst v63  }
0x271: {  	s23 =	simm.s32 $0x11000  }
0x272: {  	[hbm4b:s17+s4] =	stream.indirect_vreg.scatter [tilespmem:s23], [sflag:$0xB], $0x80, v2, vm0, $0xb8;
	[tilespmem:$0x1E000] =	vst v63  }
0x273: {  	s0 =	simm.s32 $0x11800  }
0x274: {  	[hbm4b:s18+s4] =	stream.indirect_vreg.scatter [tilespmem:s0], [sflag:$0xB], $0x80, v2, vm0, $0xb8;
	[tilespmem:$0x1E000] =	vst v63  }
0x275: {  	s0 =	simm.s32 $0x8  }
0x276: {  	_ =	swait.ge [sflag:s0], $0x4000  }
0x277: {  	[sflag:s0] =	ssyncset.done $0x0  }
0x278: {  	[sflag:s0] =	ssyncadd.s32 $0xFFFFC000  }
0x279: {  	v2 =	vld.msk [tilespmem:$0x700], $0xff;
	_ =	sdelay $0x4  }
0x27a: {  	v3 =	vshll.u32 v2, $0x4  }
0x27b: {  	v2 =	vand.u32 $0x7, v2;
	v3 =	vand.u32 $0xFFFFFF80, v3  }
0x27c: {  	v2 =	vor.u32 v2, v3  }
0x27d: {  	v2 =	vperm.xlane v2, v0;
	_ =	sdelay $0x1  }
0x27e: {  	v2 =	vadd.s32 v1, v2;
	_ =	sdelay $0x3  }
0x27f: {  	s0 =	simm.s32 $0x2000  }
0x280: {  	[tilespmem:s0], [sflag:$0x1] =	stream.indirect_vreg.gather [hbm4b:s25+s4], $0x80, v2, vm0, $0xb8;
	[tilespmem:$0x1E000] =	vst v63  }
0x281: {  	s0 =	simm.s32 $0x2800  }
0x282: {  	[tilespmem:s0], [sflag:$0x1] =	stream.indirect_vreg.gather [hbm4b:s5+s4], $0x80, v2, vm0, $0xb8;
	[tilespmem:$0x1E000] =	vst v63  }
0x283: {  	s0 =	simm.s32 $0x3000  }
0x284: {  	[tilespmem:s0], [sflag:$0x1] =	stream.indirect_vreg.gather [hbm4b:s6+s4], $0x80, v2, vm0, $0xb8;
	[tilespmem:$0x1E000] =	vst v63  }
0x285: {  	s0 =	simm.s32 $0x3800  }
0x286: {  	[tilespmem:s0], [sflag:$0x1] =	stream.indirect_vreg.gather [hbm4b:s7+s4], $0x80, v2, vm0, $0xb8;
	[tilespmem:$0x1E000] =	vst v63  }
0x287: {  	s0 =	simm.s32 $0x4000  }
0x288: {  	[tilespmem:s0], [sflag:$0x1] =	stream.indirect_vreg.gather [hbm4b:s8+s4], $0x80, v2, vm0, $0xb8;
	[tilespmem:$0x1E000] =	vst v63  }
0x289: {  	s0 =	simm.s32 $0x4800  }
0x28a: {  	[tilespmem:s0], [sflag:$0x1] =	stream.indirect_vreg.gather [hbm4b:s9+s4], $0x80, v2, vm0, $0xb8;
	[tilespmem:$0x1E000] =	vst v63  }
0x28b: {  	s0 =	simm.s32 $0x5000  }
0x28c: {  	[tilespmem:s0], [sflag:$0x1] =	stream.indirect_vreg.gather [hbm4b:s10+s4], $0x80, v2, vm0, $0xb8;
	[tilespmem:$0x1E000] =	vst v63  }
0x28d: {  	s0 =	simm.s32 $0x5800  }
0x28e: {  	[tilespmem:s0], [sflag:$0x1] =	stream.indirect_vreg.gather [hbm4b:s11+s4], $0x80, v2, vm0, $0xb8;
	[tilespmem:$0x1E000] =	vst v63  }
0x28f: {  	s0 =	simm.s32 $0x5  }
0x290: {  	_ =	swait.ge [sflag:s0], $0x4000  }
0x291: {  	[sflag:s0] =	ssyncset.done $0x0  }
0x292: {  	[sflag:s0] =	ssyncadd.s32 $0xFFFFC000  }
0x293: {  	v2 =	vld.msk [tilespmem:$0x1400], $0xff;
	_ =	sdelay $0x4  }
0x294: {  	v3 =	vshll.u32 v2, $0x4  }
0x295: {  	v2 =	vand.u32 $0x7, v2;
	v3 =	vand.u32 $0xFFFFFF80, v3  }
0x296: {  	v2 =	vor.u32 v2, v3  }
0x297: {  	v2 =	vperm.xlane v2, v0;
	_ =	sdelay $0x1  }
0x298: {  	v2 =	vadd.s32 v1, v2;
	_ =	sdelay $0x3  }
0x299: {  	s0 =	simm.s32 $0x12000  }
0x29a: {  	[hbm4b:s1+s4] =	stream.indirect_vreg.scatter [tilespmem:s0], [sflag:$0xC], $0x80, v2, vm0, $0xb8;
	[tilespmem:$0x1E000] =	vst v63  }
0x29b: {  	s0 =	simm.s32 $0x12800  }
0x29c: {  	[hbm4b:s12+s4] =	stream.indirect_vreg.scatter [tilespmem:s0], [sflag:$0xC], $0x80, v2, vm0, $0xb8;
	[tilespmem:$0x1E000] =	vst v63  }
0x29d: {  	s0 =	simm.s32 $0x13000  }
0x29e: {  	[hbm4b:s13+s4] =	stream.indirect_vreg.scatter [tilespmem:s0], [sflag:$0xC], $0x80, v2, vm0, $0xb8;
	[tilespmem:$0x1E000] =	vst v63  }
0x29f: {  	s0 =	simm.s32 $0x13800  }
0x2a0: {  	[hbm4b:s14+s4] =	stream.indirect_vreg.scatter [tilespmem:s0], [sflag:$0xC], $0x80, v2, vm0, $0xb8;
	[tilespmem:$0x1E000] =	vst v63  }
0x2a1: {  	s0 =	simm.s32 $0x14000  }
0x2a2: {  	[hbm4b:s15+s4] =	stream.indirect_vreg.scatter [tilespmem:s0], [sflag:$0xC], $0x80, v2, vm0, $0xb8;
	[tilespmem:$0x1E000] =	vst v63  }
0x2a3: {  	s0 =	simm.s32 $0x14800  }
0x2a4: {  	[hbm4b:s16+s4] =	stream.indirect_vreg.scatter [tilespmem:s0], [sflag:$0xC], $0x80, v2, vm0, $0xb8;
	[tilespmem:$0x1E000] =	vst v63  }
0x2a5: {  	_ = 	snop  }
0x2a6: {  	[hbm4b:s17+s4] =	stream.indirect_vreg.scatter [tilespmem:s21], [sflag:$0xC], $0x80, v2, vm0, $0xb8;
	[tilespmem:$0x1E000] =	vst v63  }
0x2a7: {  	s21 =	simm.s32 $0x9  }
0x2a8: {  	[hbm4b:s18+s4] =	stream.indirect_vreg.scatter [tilespmem:s30], [sflag:$0xC], $0x80, v2, vm0, $0xb8;
	[tilespmem:$0x1E000] =	vst v63  }
0x2a9: {  	_ =	swait.ge [sflag:s21], $0x4000  }
0x2aa: {  	[sflag:s21] =	ssyncset.done $0x0  }
0x2ab: {  	[sflag:s21] =	ssyncadd.s32 $0xFFFFC000  }
0x2ac: {  	v2 =	vld.msk [tilespmem:$0x780], $0xff;
	_ =	sdelay $0x4  }
0x2ad: {  	v3 =	vshll.u32 v2, $0x4  }
0x2ae: {  	v2 =	vand.u32 $0x7, v2;
	v3 =	vand.u32 $0xFFFFFF80, v3  }
0x2af: {  	v2 =	vor.u32 v2, v3  }
0x2b0: {  	v2 =	vperm.xlane v2, v0;
	_ =	sdelay $0x1  }
0x2b1: {  	v2 =	vadd.s32 v1, v2;
	_ =	sdelay $0x3  }
0x2b2: {  	s30 =	simm.s32 $0x6000  }
0x2b3: {  	[tilespmem:s30], [sflag:$0x2] =	stream.indirect_vreg.gather [hbm4b:s25+s4], $0x80, v2, vm0, $0xb8;
	[tilespmem:$0x1E000] =	vst v63  }
0x2b4: {  	s21 =	simm.s32 $0x6800  }
0x2b5: {  	[tilespmem:s21], [sflag:$0x2] =	stream.indirect_vreg.gather [hbm4b:s5+s4], $0x80, v2, vm0, $0xb8;
	[tilespmem:$0x1E000] =	vst v63  }
0x2b6: {  	s30 =	simm.s32 $0x7000  }
0x2b7: {  	[tilespmem:s30], [sflag:$0x2] =	stream.indirect_vreg.gather [hbm4b:s6+s4], $0x80, v2, vm0, $0xb8;
	[tilespmem:$0x1E000] =	vst v63  }
0x2b8: {  	s21 =	simm.s32 $0x7800  }
0x2b9: {  	[tilespmem:s21], [sflag:$0x2] =	stream.indirect_vreg.gather [hbm4b:s7+s4], $0x80, v2, vm0, $0xb8;
	[tilespmem:$0x1E000] =	vst v63  }
0x2ba: {  	s30 =	simm.s32 $0x8000  }
0x2bb: {  	[tilespmem:s30], [sflag:$0x2] =	stream.indirect_vreg.gather [hbm4b:s8+s4], $0x80, v2, vm0, $0xb8;
	[tilespmem:$0x1E000] =	vst v63  }
0x2bc: {  	s21 =	simm.s32 $0x8800  }
0x2bd: {  	[tilespmem:s21], [sflag:$0x2] =	stream.indirect_vreg.gather [hbm4b:s9+s4], $0x80, v2, vm0, $0xb8;
	[tilespmem:$0x1E000] =	vst v63  }
0x2be: {  	s30 =	simm.s32 $0x9000  }
0x2bf: {  	[tilespmem:s30], [sflag:$0x2] =	stream.indirect_vreg.gather [hbm4b:s10+s4], $0x80, v2, vm0, $0xb8;
	[tilespmem:$0x1E000] =	vst v63  }
0x2c0: {  	s21 =	simm.s32 $0x9800;
	s30 =	simm.s32 $0x6  }
0x2c1: {  	[tilespmem:s21], [sflag:$0x2] =	stream.indirect_vreg.gather [hbm4b:s11+s4], $0x80, v2, vm0, $0xb8;
	[tilespmem:$0x1E000] =	vst v63  }
0x2c2: {  	_ =	swait.ge [sflag:s30], $0x4000  }
0x2c3: {  	[sflag:s30] =	ssyncset.done $0x0  }
0x2c4: {  	[sflag:s30] =	ssyncadd.s32 $0xFFFFC000  }
0x2c5: {  	v2 =	vld.msk [tilespmem:$0x1480], $0xff;
	_ =	sdelay $0x4  }
0x2c6: {  	v3 =	vshll.u32 v2, $0x4  }
0x2c7: {  	v2 =	vand.u32 $0x7, v2;
	v3 =	vand.u32 $0xFFFFFF80, v3  }
0x2c8: {  	v2 =	vor.u32 v2, v3  }
0x2c9: {  	v2 =	vperm.xlane v2, v0;
	_ =	sdelay $0x1  }
0x2ca: {  	v2 =	vadd.s32 v1, v2;
	_ =	sdelay $0x3  }
0x2cb: {  	s21 =	simm.s32 $0x16000  }
0x2cc: {  	[hbm4b:s1+s4] =	stream.indirect_vreg.scatter [tilespmem:s21], [sflag:$0xD], $0x80, v2, vm0, $0xb8;
	[tilespmem:$0x1E000] =	vst v63  }
0x2cd: {  	s30 =	simm.s32 $0x16800  }
0x2ce: {  	[hbm4b:s12+s4] =	stream.indirect_vreg.scatter [tilespmem:s30], [sflag:$0xD], $0x80, v2, vm0, $0xb8;
	[tilespmem:$0x1E000] =	vst v63  }
0x2cf: {  	s21 =	simm.s32 $0x17000  }
0x2d0: {  	[hbm4b:s13+s4] =	stream.indirect_vreg.scatter [tilespmem:s21], [sflag:$0xD], $0x80, v2, vm0, $0xb8;
	[tilespmem:$0x1E000] =	vst v63  }
0x2d1: {  	_ = 	snop  }
0x2d2: {  	[hbm4b:s14+s4] =	stream.indirect_vreg.scatter [tilespmem:s20], [sflag:$0xD], $0x80, v2, vm0, $0xb8;
	[tilespmem:$0x1E000] =	vst v63  }
0x2d3: {  	_ = 	snop  }
0x2d4: {  	[hbm4b:s15+s4] =	stream.indirect_vreg.scatter [tilespmem:s24], [sflag:$0xD], $0x80, v2, vm0, $0xb8;
	[tilespmem:$0x1E000] =	vst v63  }
0x2d5: {  	_ = 	snop  }
0x2d6: {  	[hbm4b:s16+s4] =	stream.indirect_vreg.scatter [tilespmem:s2], [sflag:$0xD], $0x80, v2, vm0, $0xb8;
	[tilespmem:$0x1E000] =	vst v63  }
0x2d7: {  	_ = 	snop  }
0x2d8: {  	[hbm4b:s17+s4] =	stream.indirect_vreg.scatter [tilespmem:s26], [sflag:$0xD], $0x80, v2, vm0, $0xb8;
	[tilespmem:$0x1E000] =	vst v63  }
0x2d9: {  	s24 =	simm.s32 $0xA  }
0x2da: {  	[hbm4b:s18+s4] =	stream.indirect_vreg.scatter [tilespmem:s29], [sflag:$0xD], $0x80, v2, vm0, $0xb8;
	[tilespmem:$0x1E000] =	vst v63  }
0x2db: {  	_ =	swait.ge [sflag:s24], $0x4000  }
0x2dc: {  	[sflag:s24] =	ssyncset.done $0x0  }
0x2dd: {  	[sflag:s24] =	ssyncadd.s32 $0xFFFFC000  }
0x2de: {  	v2 =	vld.msk [tilespmem:$0x800], $0xff;
	_ =	sdelay $0x4  }
0x2df: {  	v3 =	vshll.u32 v2, $0x4  }
0x2e0: {  	v2 =	vand.u32 $0x7, v2;
	v3 =	vand.u32 $0xFFFFFF80, v3  }
0x2e1: {  	v2 =	vor.u32 v2, v3  }
0x2e2: {  	v2 =	vperm.xlane v2, v0;
	_ =	sdelay $0x1  }
0x2e3: {  	v2 =	vadd.s32 v1, v2;
	_ =	sdelay $0x3  }
0x2e4: {  	s29 =	simm.s32 $0xA000  }
0x2e5: {  	[tilespmem:s29], [sflag:$0x3] =	stream.indirect_vreg.gather [hbm4b:s25+s4], $0x80, v2, vm0, $0xb8;
	[tilespmem:$0x1E000] =	vst v63  }
0x2e6: {  	s30 =	simm.s32 $0xA800  }
0x2e7: {  	[tilespmem:s30], [sflag:$0x3] =	stream.indirect_vreg.gather [hbm4b:s5+s4], $0x80, v2, vm0, $0xb8;
	[tilespmem:$0x1E000] =	vst v63  }
0x2e8: {  	s0 =	simm.s32 $0xB000  }
0x2e9: {  	[tilespmem:s0], [sflag:$0x3] =	stream.indirect_vreg.gather [hbm4b:s6+s4], $0x80, v2, vm0, $0xb8;
	[tilespmem:$0x1E000] =	vst v63  }
0x2ea: {  	s26 =	simm.s32 $0xB800  }
0x2eb: {  	[tilespmem:s26], [sflag:$0x3] =	stream.indirect_vreg.gather [hbm4b:s7+s4], $0x80, v2, vm0, $0xb8;
	[tilespmem:$0x1E000] =	vst v63  }
0x2ec: {  	s20 =	simm.s32 $0xC000  }
0x2ed: {  	[tilespmem:s20], [sflag:$0x3] =	stream.indirect_vreg.gather [hbm4b:s8+s4], $0x80, v2, vm0, $0xb8;
	[tilespmem:$0x1E000] =	vst v63  }
0x2ee: {  	s21 =	simm.s32 $0xC800  }
0x2ef: {  	[tilespmem:s21], [sflag:$0x3] =	stream.indirect_vreg.gather [hbm4b:s9+s4], $0x80, v2, vm0, $0xb8;
	[tilespmem:$0x1E000] =	vst v63  }
0x2f0: {  	s24 =	simm.s32 $0xD000  }
0x2f1: {  	[tilespmem:s24], [sflag:$0x3] =	stream.indirect_vreg.gather [hbm4b:s10+s4], $0x80, v2, vm0, $0xb8;
	[tilespmem:$0x1E000] =	vst v63  }
0x2f2: {  	s26 =	simm.s32 $0xD800;
	s20 =	simm.s32 $0x7  }
0x2f3: {  	[tilespmem:s26], [sflag:$0x3] =	stream.indirect_vreg.gather [hbm4b:s11+s4], $0x80, v2, vm0, $0xb8;
	[tilespmem:$0x1E000] =	vst v63  }
0x2f4: {  	_ =	swait.ge [sflag:s20], $0x4000  }
0x2f5: {  	[sflag:s20] =	ssyncset.done $0x0  }
0x2f6: {  	[sflag:s20] =	ssyncadd.s32 $0xFFFFC000  }
0x2f7: {  	v2 =	vld.msk [tilespmem:$0x1500], $0xff;
	_ =	sdelay $0x4  }
0x2f8: {  	v3 =	vshll.u32 v2, $0x4  }
0x2f9: {  	v2 =	vand.u32 $0x7, v2;
	v3 =	vand.u32 $0xFFFFFF80, v3  }
0x2fa: {  	v2 =	vor.u32 v2, v3  }
0x2fb: {  	v2 =	vperm.xlane v2, v0;
	_ =	sdelay $0x1  }
0x2fc: {  	v2 =	vadd.s32 v1, v2;
	_ =	sdelay $0x3  }
0x2fd: {  	s24 =	simm.s32 $0x1A000  }
0x2fe: {  	[hbm4b:s1+s4] =	stream.indirect_vreg.scatter [tilespmem:s24], [sflag:$0xE], $0x80, v2, vm0, $0xb8;
	[tilespmem:$0x1E000] =	vst v63  }
0x2ff: {  	s26 =	simm.s32 $0x1A800  }
0x300: {  	[hbm4b:s12+s4] =	stream.indirect_vreg.scatter [tilespmem:s26], [sflag:$0xE], $0x80, v2, vm0, $0xb8;
	[tilespmem:$0x1E000] =	vst v63  }
0x301: {  	s20 =	simm.s32 $0x1B000  }
0x302: {  	[hbm4b:s13+s4] =	stream.indirect_vreg.scatter [tilespmem:s20], [sflag:$0xE], $0x80, v2, vm0, $0xb8;
	[tilespmem:$0x1E000] =	vst v63  }
0x303: {  	s21 =	simm.s32 $0x1B800  }
0x304: {  	[hbm4b:s14+s4] =	stream.indirect_vreg.scatter [tilespmem:s21], [sflag:$0xE], $0x80, v2, vm0, $0xb8;
	[tilespmem:$0x1E000] =	vst v63  }
0x305: {  	s24 =	simm.s32 $0x1C000  }
0x306: {  	[hbm4b:s15+s4] =	stream.indirect_vreg.scatter [tilespmem:s24], [sflag:$0xE], $0x80, v2, vm0, $0xb8;
	[tilespmem:$0x1E000] =	vst v63  }
0x307: {  	_ = 	snop  }
0x308: {  	[hbm4b:s16+s4] =	stream.indirect_vreg.scatter [tilespmem:s31], [sflag:$0xE], $0x80, v2, vm0, $0xb8;
	[tilespmem:$0x1E000] =	vst v63  }
0x309: {  	s26 =	simm.s32 $0x1D000  }
0x30a: {  	[hbm4b:s17+s4] =	stream.indirect_vreg.scatter [tilespmem:s26], [sflag:$0xE], $0x80, v2, vm0, $0xb8;
	[tilespmem:$0x1E000] =	vst v63  }
0x30b: {  	s2 =	simm.s32 $0xB;
	s31 =	simm.s32 $0x1D800  }
0x30c: {  	[hbm4b:s18+s4] =	stream.indirect_vreg.scatter [tilespmem:s31], [sflag:$0xE], $0x80, v2, vm0, $0xb8;
	[tilespmem:$0x1E000] =	vst v63  }
0x30d: {  	_ =	swait.ge [sflag:s2], $0x4000  }
0x30e: {  	[sflag:s2] =	ssyncset.done $0x0  }
0x30f: {  	[sflag:s2] =	ssyncadd.s32 $0xFFFFC000  }
0x310: {  	v2 =	vld.msk [tilespmem:$0x880], $0xff;
	_ =	sdelay $0x4  }
0x311: {  	v3 =	vshll.u32 v2, $0x4  }
0x312: {  	v2 =	vand.u32 $0x7, v2;
	v3 =	vand.u32 $0xFFFFFF80, v3  }
0x313: {  	v2 =	vor.u32 v2, v3  }
0x314: {  	v2 =	vperm.xlane v2, v0;
	_ =	sdelay $0x1  }
0x315: {  	v2 =	vadd.s32 v1, v2;
	_ =	sdelay $0x3  }
0x316: {  	s20 =	simm.s32 $0xE000  }
0x317: {  	[tilespmem:s20], [sflag:$0x4] =	stream.indirect_vreg.gather [hbm4b:s25+s4], $0x80, v2, vm0, $0xb8;
	[tilespmem:$0x1E000] =	vst v63  }
0x318: {  	_ = 	snop  }
0x319: {  	[tilespmem:s3], [sflag:$0x4] =	stream.indirect_vreg.gather [hbm4b:s5+s4], $0x80, v2, vm0, $0xb8;
	[tilespmem:$0x1E000] =	vst v63  }
0x31a: {  	_ = 	snop  }
0x31b: {  	[tilespmem:s19], [sflag:$0x4] =	stream.indirect_vreg.gather [hbm4b:s6+s4], $0x80, v2, vm0, $0xb8;
	[tilespmem:$0x1E000] =	vst v63  }
0x31c: {  	_ = 	snop  }
0x31d: {  	[tilespmem:s28], [sflag:$0x4] =	stream.indirect_vreg.gather [hbm4b:s7+s4], $0x80, v2, vm0, $0xb8;
	[tilespmem:$0x1E000] =	vst v63  }
0x31e: {  	_ = 	snop  }
0x31f: {  	[tilespmem:s22], [sflag:$0x4] =	stream.indirect_vreg.gather [hbm4b:s8+s4], $0x80, v2, vm0, $0xb8;
	[tilespmem:$0x1E000] =	vst v63  }
0x320: {  	s21 =	simm.s32 $0x10800  }
0x321: {  	[tilespmem:s21], [sflag:$0x4] =	stream.indirect_vreg.gather [hbm4b:s9+s4], $0x80, v2, vm0, $0xb8;
	[tilespmem:$0x1E000] =	vst v63  }
0x322: {  	_ = 	snop  }
0x323: {  	[tilespmem:s23], [sflag:$0x4] =	stream.indirect_vreg.gather [hbm4b:s10+s4], $0x80, v2, vm0, $0xb8;
	[tilespmem:$0x1E000] =	vst v63  }
0x324: {  	s22 =	simm.s32 $0x11800;
	s23 =	simm.s32 $0x1  }
0x325: {  	[tilespmem:s22], [sflag:$0x4] =	stream.indirect_vreg.gather [hbm4b:s11+s4], $0x80, v2, vm0, $0xb8;
	[tilespmem:$0x1E000] =	vst v63  }
0x326: {  	_ =	swait.ge [sflag:s23], $0x4000  }
0x327: {  	[sflag:s23] =	ssyncset.done $0x0  }
0x328: {  	[sflag:s23] =	ssyncadd.s32 $0xFFFFC000  }
0x329: {  	v2 =	vld.msk [tilespmem:$0x1580], $0xff;
	_ =	sdelay $0x4  }
0x32a: {  	v3 =	vshll.u32 v2, $0x4  }
0x32b: {  	v2 =	vand.u32 $0x7, v2;
	v3 =	vand.u32 $0xFFFFFF80, v3  }
0x32c: {  	v2 =	vor.u32 v2, v3  }
0x32d: {  	v2 =	vperm.xlane v2, v0;
	_ =	sdelay $0x1  }
0x32e: {  	v2 =	vadd.s32 v1, v2;
	_ =	sdelay $0x3  }
0x32f: {  	s24 =	simm.s32 $0x2000  }
0x330: {  	[hbm4b:s1+s4] =	stream.indirect_vreg.scatter [tilespmem:s24], [sflag:$0x8], $0x80, v2, vm0, $0xb8;
	[tilespmem:$0x1E000] =	vst v63  }
0x331: {  	s26 =	simm.s32 $0x2800  }
0x332: {  	[hbm4b:s12+s4] =	stream.indirect_vreg.scatter [tilespmem:s26], [sflag:$0x8], $0x80, v2, vm0, $0xb8;
	[tilespmem:$0x1E000] =	vst v63  }
0x333: {  	s28 =	simm.s32 $0x3000  }
0x334: {  	[hbm4b:s13+s4] =	stream.indirect_vreg.scatter [tilespmem:s28], [sflag:$0x8], $0x80, v2, vm0, $0xb8;
	[tilespmem:$0x1E000] =	vst v63  }
0x335: {  	s31 =	simm.s32 $0x3800  }
0x336: {  	[hbm4b:s14+s4] =	stream.indirect_vreg.scatter [tilespmem:s31], [sflag:$0x8], $0x80, v2, vm0, $0xb8;
	[tilespmem:$0x1E000] =	vst v63  }
0x337: {  	s3 =	simm.s32 $0x4000  }
0x338: {  	[hbm4b:s15+s4] =	stream.indirect_vreg.scatter [tilespmem:s3], [sflag:$0x8], $0x80, v2, vm0, $0xb8;
	[tilespmem:$0x1E000] =	vst v63  }
0x339: {  	s20 =	simm.s32 $0x4800  }
0x33a: {  	[hbm4b:s16+s4] =	stream.indirect_vreg.scatter [tilespmem:s20], [sflag:$0x8], $0x80, v2, vm0, $0xb8;
	[tilespmem:$0x1E000] =	vst v63  }
0x33b: {  	s21 =	simm.s32 $0x5000  }
0x33c: {  	[hbm4b:s17+s4] =	stream.indirect_vreg.scatter [tilespmem:s21], [sflag:$0x8], $0x80, v2, vm0, $0xb8;
	[tilespmem:$0x1E000] =	vst v63  }
0x33d: {  	s22 =	simm.s32 $0xC;
	s23 =	simm.s32 $0x5800  }
0x33e: {  	[hbm4b:s18+s4] =	stream.indirect_vreg.scatter [tilespmem:s23], [sflag:$0x8], $0x80, v2, vm0, $0xb8;
	[tilespmem:$0x1E000] =	vst v63  }
0x33f: {  	_ =	swait.ge [sflag:s22], $0x4000  }
0x340: {  	[sflag:s22] =	ssyncset.done $0x0  }
0x341: {  	[sflag:s22] =	ssyncadd.s32 $0xFFFFC000  }
0x342: {  	v2 =	vld.msk [tilespmem:$0x900], $0xff;
	_ =	sdelay $0x4  }
0x343: {  	v3 =	vshll.u32 v2, $0x4  }
0x344: {  	v2 =	vand.u32 $0x7, v2;
	v3 =	vand.u32 $0xFFFFFF80, v3  }
0x345: {  	v2 =	vor.u32 v2, v3  }
0x346: {  	v2 =	vperm.xlane v2, v0;
	_ =	sdelay $0x1  }
0x347: {  	v2 =	vadd.s32 v1, v2;
	_ =	sdelay $0x3  }
0x348: {  	s24 =	simm.s32 $0x12000  }
0x349: {  	[tilespmem:s24], [sflag:$0x5] =	stream.indirect_vreg.gather [hbm4b:s25+s4], $0x80, v2, vm0, $0xb8;
	[tilespmem:$0x1E000] =	vst v63  }
0x34a: {  	s26 =	simm.s32 $0x12800  }
0x34b: {  	[tilespmem:s26], [sflag:$0x5] =	stream.indirect_vreg.gather [hbm4b:s5+s4], $0x80, v2, vm0, $0xb8;
	[tilespmem:$0x1E000] =	vst v63  }
0x34c: {  	s21 =	simm.s32 $0x13000  }
0x34d: {  	[tilespmem:s21], [sflag:$0x5] =	stream.indirect_vreg.gather [hbm4b:s6+s4], $0x80, v2, vm0, $0xb8;
	[tilespmem:$0x1E000] =	vst v63  }
0x34e: {  	s20 =	simm.s32 $0x13800  }
0x34f: {  	[tilespmem:s20], [sflag:$0x5] =	stream.indirect_vreg.gather [hbm4b:s7+s4], $0x80, v2, vm0, $0xb8;
	[tilespmem:$0x1E000] =	vst v63  }
0x350: {  	s24 =	simm.s32 $0x14000  }
0x351: {  	[tilespmem:s24], [sflag:$0x5] =	stream.indirect_vreg.gather [hbm4b:s8+s4], $0x80, v2, vm0, $0xb8;
	[tilespmem:$0x1E000] =	vst v63  }
0x352: {  	s2 =	simm.s32 $0x14800  }
0x353: {  	[tilespmem:s2], [sflag:$0x5] =	stream.indirect_vreg.gather [hbm4b:s9+s4], $0x80, v2, vm0, $0xb8;
	[tilespmem:$0x1E000] =	vst v63  }
0x354: {  	s28 =	simm.s32 $0x15000  }
0x355: {  	[tilespmem:s28], [sflag:$0x5] =	stream.indirect_vreg.gather [hbm4b:s10+s4], $0x80, v2, vm0, $0xb8;
	[tilespmem:$0x1E000] =	vst v63  }
0x356: {  	s31 =	simm.s32 $0x15800;
	s22 =	simm.s32 $0x2  }
0x357: {  	[tilespmem:s31], [sflag:$0x5] =	stream.indirect_vreg.gather [hbm4b:s11+s4], $0x80, v2, vm0, $0xb8;
	[tilespmem:$0x1E000] =	vst v63  }
0x358: {  	_ =	swait.ge [sflag:s22], $0x4000  }
0x359: {  	[sflag:s22] =	ssyncset.done $0x0  }
0x35a: {  	[sflag:s22] =	ssyncadd.s32 $0xFFFFC000  }
0x35b: {  	v2 =	vld.msk [tilespmem:$0x1600], $0xff;
	_ =	sdelay $0x4  }
0x35c: {  	v3 =	vshll.u32 v2, $0x4  }
0x35d: {  	v2 =	vand.u32 $0x7, v2;
	v3 =	vand.u32 $0xFFFFFF80, v3  }
0x35e: {  	v2 =	vor.u32 v2, v3  }
0x35f: {  	v2 =	vperm.xlane v2, v0;
	_ =	sdelay $0x1  }
0x360: {  	v2 =	vadd.s32 v1, v2;
	_ =	sdelay $0x3  }
0x361: {  	s26 =	simm.s32 $0x6000  }
0x362: {  	[hbm4b:s1+s4] =	stream.indirect_vreg.scatter [tilespmem:s26], [sflag:$0x9], $0x80, v2, vm0, $0xb8;
	[tilespmem:$0x1E000] =	vst v63  }
0x363: {  	s28 =	simm.s32 $0x6800  }
0x364: {  	[hbm4b:s12+s4] =	stream.indirect_vreg.scatter [tilespmem:s28], [sflag:$0x9], $0x80, v2, vm0, $0xb8;
	[tilespmem:$0x1E000] =	vst v63  }
0x365: {  	s31 =	simm.s32 $0x7000  }
0x366: {  	[hbm4b:s13+s4] =	stream.indirect_vreg.scatter [tilespmem:s31], [sflag:$0x9], $0x80, v2, vm0, $0xb8;
	[tilespmem:$0x1E000] =	vst v63  }
0x367: {  	s22 =	simm.s32 $0x7800  }
0x368: {  	[hbm4b:s14+s4] =	stream.indirect_vreg.scatter [tilespmem:s22], [sflag:$0x9], $0x80, v2, vm0, $0xb8;
	[tilespmem:$0x1E000] =	vst v63  }
0x369: {  	s26 =	simm.s32 $0x8000  }
0x36a: {  	[hbm4b:s15+s4] =	stream.indirect_vreg.scatter [tilespmem:s26], [sflag:$0x9], $0x80, v2, vm0, $0xb8;
	[tilespmem:$0x1E000] =	vst v63  }
0x36b: {  	s28 =	simm.s32 $0x8800  }
0x36c: {  	[hbm4b:s16+s4] =	stream.indirect_vreg.scatter [tilespmem:s28], [sflag:$0x9], $0x80, v2, vm0, $0xb8;
	[tilespmem:$0x1E000] =	vst v63  }
0x36d: {  	s31 =	simm.s32 $0x9000  }
0x36e: {  	[hbm4b:s17+s4] =	stream.indirect_vreg.scatter [tilespmem:s31], [sflag:$0x9], $0x80, v2, vm0, $0xb8;
	[tilespmem:$0x1E000] =	vst v63  }
0x36f: {  	s22 =	simm.s32 $0x9800;
	s26 =	simm.s32 $0xD  }
0x370: {  	[hbm4b:s18+s4] =	stream.indirect_vreg.scatter [tilespmem:s22], [sflag:$0x9], $0x80, v2, vm0, $0xb8;
	[tilespmem:$0x1E000] =	vst v63  }
0x371: {  	_ =	swait.ge [sflag:s26], $0x4000  }
0x372: {  	[sflag:s26] =	ssyncset.done $0x0  }
0x373: {  	[sflag:s26] =	ssyncadd.s32 $0xFFFFC000  }
0x374: {  	v2 =	vld.msk [tilespmem:$0x980], $0xff;
	_ =	sdelay $0x4  }
0x375: {  	v3 =	vshll.u32 v2, $0x4  }
0x376: {  	v2 =	vand.u32 $0x7, v2;
	v3 =	vand.u32 $0xFFFFFF80, v3  }
0x377: {  	v2 =	vor.u32 v2, v3  }
0x378: {  	v2 =	vperm.xlane v2, v0;
	_ =	sdelay $0x1  }
0x379: {  	v2 =	vadd.s32 v1, v2;
	_ =	sdelay $0x3  }
0x37a: {  	s31 =	simm.s32 $0x16000  }
0x37b: {  	[tilespmem:s31], [sflag:$0x6] =	stream.indirect_vreg.gather [hbm4b:s25+s4], $0x80, v2, vm0, $0xb8;
	[tilespmem:$0x1E000] =	vst v63  }
0x37c: {  	s28 =	simm.s32 $0x16800  }
0x37d: {  	[tilespmem:s28], [sflag:$0x6] =	stream.indirect_vreg.gather [hbm4b:s5+s4], $0x80, v2, vm0, $0xb8;
	[tilespmem:$0x1E000] =	vst v63  }
0x37e: {  	s26 =	simm.s32 $0x17000  }
0x37f: {  	[tilespmem:s26], [sflag:$0x6] =	stream.indirect_vreg.gather [hbm4b:s6+s4], $0x80, v2, vm0, $0xb8;
	[tilespmem:$0x1E000] =	vst v63  }
0x380: {  	s22 =	simm.s32 $0x17800  }
0x381: {  	[tilespmem:s22], [sflag:$0x6] =	stream.indirect_vreg.gather [hbm4b:s7+s4], $0x80, v2, vm0, $0xb8;
	[tilespmem:$0x1E000] =	vst v63  }
0x382: {  	s28 =	simm.s32 $0x18000  }
0x383: {  	[tilespmem:s28], [sflag:$0x6] =	stream.indirect_vreg.gather [hbm4b:s8+s4], $0x80, v2, vm0, $0xb8;
	[tilespmem:$0x1E000] =	vst v63  }
0x384: {  	s22 =	simm.s32 $0x18800  }
0x385: {  	[tilespmem:s22], [sflag:$0x6] =	stream.indirect_vreg.gather [hbm4b:s9+s4], $0x80, v2, vm0, $0xb8;
	[tilespmem:$0x1E000] =	vst v63  }
0x386: {  	s28 =	simm.s32 $0x19000  }
0x387: {  	[tilespmem:s28], [sflag:$0x6] =	stream.indirect_vreg.gather [hbm4b:s10+s4], $0x80, v2, vm0, $0xb8;
	[tilespmem:$0x1E000] =	vst v63  }
0x388: {  	s22 =	simm.s32 $0x19800;
	s28 =	simm.s32 $0x3  }
0x389: {  	[tilespmem:s22], [sflag:$0x6] =	stream.indirect_vreg.gather [hbm4b:s11+s4], $0x80, v2, vm0, $0xb8;
	[tilespmem:$0x1E000] =	vst v63  }
0x38a: {  	_ =	swait.ge [sflag:s28], $0x4000  }
0x38b: {  	[sflag:s28] =	ssyncset.done $0x0  }
0x38c: {  	[sflag:s28] =	ssyncadd.s32 $0xFFFFC000  }
0x38d: {  	v2 =	vld.msk [tilespmem:$0x1680], $0xff;
	_ =	sdelay $0x4  }
0x38e: {  	v3 =	vshll.u32 v2, $0x4  }
0x38f: {  	v2 =	vand.u32 $0x7, v2;
	v3 =	vand.u32 $0xFFFFFF80, v3  }
0x390: {  	v2 =	vor.u32 v2, v3  }
0x391: {  	v2 =	vperm.xlane v2, v0;
	_ =	sdelay $0x1  }
0x392: {  	v2 =	vadd.s32 v1, v2;
	_ =	sdelay $0x4  }
0x393: {  	[hbm4b:s1+s4] =	stream.indirect_vreg.scatter [tilespmem:s29], [sflag:$0xA], $0x80, v2, vm0, $0xb8;
	[tilespmem:$0x1E000] =	vst v63  }
0x394: {  	_ = 	snop  }
0x395: {  	[hbm4b:s12+s4] =	stream.indirect_vreg.scatter [tilespmem:s30], [sflag:$0xA], $0x80, v2, vm0, $0xb8;
	[tilespmem:$0x1E000] =	vst v63  }
0x396: {  	_ = 	snop  }
0x397: {  	[hbm4b:s13+s4] =	stream.indirect_vreg.scatter [tilespmem:s0], [sflag:$0xA], $0x80, v2, vm0, $0xb8;
	[tilespmem:$0x1E000] =	vst v63  }
0x398: {  	s3 =	simm.s32 $0xB800  }
0x399: {  	[hbm4b:s14+s4] =	stream.indirect_vreg.scatter [tilespmem:s3], [sflag:$0xA], $0x80, v2, vm0, $0xb8;
	[tilespmem:$0x1E000] =	vst v63  }
0x39a: {  	s30 =	simm.s32 $0xC000  }
0x39b: {  	[hbm4b:s15+s4] =	stream.indirect_vreg.scatter [tilespmem:s30], [sflag:$0xA], $0x80, v2, vm0, $0xb8;
	[tilespmem:$0x1E000] =	vst v63  }
0x39c: {  	s22 =	simm.s32 $0xC800  }
0x39d: {  	[hbm4b:s16+s4] =	stream.indirect_vreg.scatter [tilespmem:s22], [sflag:$0xA], $0x80, v2, vm0, $0xb8;
	[tilespmem:$0x1E000] =	vst v63  }
0x39e: {  	s28 =	simm.s32 $0xD000  }
0x39f: {  	[hbm4b:s17+s4] =	stream.indirect_vreg.scatter [tilespmem:s28], [sflag:$0xA], $0x80, v2, vm0, $0xb8;
	[tilespmem:$0x1E000] =	vst v63  }
0x3a0: {  	s29 =	simm.s32 $0xD800;
	s30 =	simm.s32 $0xE  }
0x3a1: {  	[hbm4b:s18+s4] =	stream.indirect_vreg.scatter [tilespmem:s29], [sflag:$0xA], $0x80, v2, vm0, $0xb8;
	[tilespmem:$0x1E000] =	vst v63  }
0x3a2: {  	_ =	swait.ge [sflag:s30], $0x4000  }
0x3a3: {  	[sflag:s30] =	ssyncset.done $0x0  }
0x3a4: {  	[sflag:s30] =	ssyncadd.s32 $0xFFFFC000  }
0x3a5: {  	v2 =	vld.msk [tilespmem:$0xA00], $0xff;
	_ =	sdelay $0x4  }
0x3a6: {  	v3 =	vshll.u32 v2, $0x4  }
0x3a7: {  	v2 =	vand.u32 $0x7, v2;
	v3 =	vand.u32 $0xFFFFFF80, v3  }
0x3a8: {  	v2 =	vor.u32 v2, v3  }
0x3a9: {  	v2 =	vperm.xlane v2, v0;
	_ =	sdelay $0x1  }
0x3aa: {  	v2 =	vadd.s32 v1, v2;
	_ =	sdelay $0x3  }
0x3ab: {  	s29 =	simm.s32 $0x1A000  }
0x3ac: {  	[tilespmem:s29], [sflag:$0x7] =	stream.indirect_vreg.gather [hbm4b:s25+s4], $0x80, v2, vm0, $0xb8;
	[tilespmem:$0x1E000] =	vst v63  }
0x3ad: {  	s22 =	simm.s32 $0x1A800  }
0x3ae: {  	[tilespmem:s22], [sflag:$0x7] =	stream.indirect_vreg.gather [hbm4b:s5+s4], $0x80, v2, vm0, $0xb8;
	[tilespmem:$0x1E000] =	vst v63  }
0x3af: {  	s30 =	simm.s32 $0x1B000  }
0x3b0: {  	[tilespmem:s30], [sflag:$0x7] =	stream.indirect_vreg.gather [hbm4b:s6+s4], $0x80, v2, vm0, $0xb8;
	[tilespmem:$0x1E000] =	vst v63  }
0x3b1: {  	s28 =	simm.s32 $0x1B800  }
0x3b2: {  	[tilespmem:s28], [sflag:$0x7] =	stream.indirect_vreg.gather [hbm4b:s7+s4], $0x80, v2, vm0, $0xb8;
	[tilespmem:$0x1E000] =	vst v63  }
0x3b3: {  	s22 =	simm.s32 $0x1C000  }
0x3b4: {  	[tilespmem:s22], [sflag:$0x7] =	stream.indirect_vreg.gather [hbm4b:s8+s4], $0x80, v2, vm0, $0xb8;
	[tilespmem:$0x1E000] =	vst v63  }
0x3b5: {  	s28 =	simm.s32 $0x1C800  }
0x3b6: {  	[tilespmem:s28], [sflag:$0x7] =	stream.indirect_vreg.gather [hbm4b:s9+s4], $0x80, v2, vm0, $0xb8;
	[tilespmem:$0x1E000] =	vst v63  }
0x3b7: {  	s22 =	simm.s32 $0x1D000  }
0x3b8: {  	[tilespmem:s22], [sflag:$0x7] =	stream.indirect_vreg.gather [hbm4b:s10+s4], $0x80, v2, vm0, $0xb8;
	[tilespmem:$0x1E000] =	vst v63  }
0x3b9: {  	s28 =	simm.s32 $0x1D800;
	s22 =	simm.s32 $0x4  }
0x3ba: {  	[tilespmem:s28], [sflag:$0x7] =	stream.indirect_vreg.gather [hbm4b:s11+s4], $0x80, v2, vm0, $0xb8;
	[tilespmem:$0x1E000] =	vst v63  }
0x3bb: {  	_ =	swait.ge [sflag:s22], $0x4000  }
0x3bc: {  	[sflag:s22] =	ssyncset.done $0x0  }
0x3bd: {  	[sflag:s22] =	ssyncadd.s32 $0xFFFFC000  }
0x3be: {  	v2 =	vld.msk [tilespmem:$0x1700], $0xff;
	_ =	sdelay $0x4  }
0x3bf: {  	v3 =	vshll.u32 v2, $0x4  }
0x3c0: {  	v2 =	vand.u32 $0x7, v2;
	v3 =	vand.u32 $0xFFFFFF80, v3  }
0x3c1: {  	v2 =	vor.u32 v2, v3  }
0x3c2: {  	v2 =	vperm.xlane v2, v0;
	_ =	sdelay $0x1  }
0x3c3: {  	v2 =	vadd.s32 v1, v2;
	_ =	sdelay $0x3  }
0x3c4: {  	s28 =	simm.s32 $0xE000  }
0x3c5: {  	[hbm4b:s1+s4] =	stream.indirect_vreg.scatter [tilespmem:s28], [sflag:$0xB], $0x80, v2, vm0, $0xb8;
	[tilespmem:$0x1E000] =	vst v63  }
0x3c6: {  	s28 =	simm.s32 $0xE800  }
0x3c7: {  	[hbm4b:s12+s4] =	stream.indirect_vreg.scatter [tilespmem:s28], [sflag:$0xB], $0x80, v2, vm0, $0xb8;
	[tilespmem:$0x1E000] =	vst v63  }
0x3c8: {  	s19 =	simm.s32 $0xF000  }
0x3c9: {  	[hbm4b:s13+s4] =	stream.indirect_vreg.scatter [tilespmem:s19], [sflag:$0xB], $0x80, v2, vm0, $0xb8;
	[tilespmem:$0x1E000] =	vst v63  }
0x3ca: {  	s22 =	simm.s32 $0xF800  }
0x3cb: {  	[hbm4b:s14+s4] =	stream.indirect_vreg.scatter [tilespmem:s22], [sflag:$0xB], $0x80, v2, vm0, $0xb8;
	[tilespmem:$0x1E000] =	vst v63  }
0x3cc: {  	s19 =	simm.s32 $0x10000  }
0x3cd: {  	[hbm4b:s15+s4] =	stream.indirect_vreg.scatter [tilespmem:s19], [sflag:$0xB], $0x80, v2, vm0, $0xb8;
	[tilespmem:$0x1E000] =	vst v63  }
0x3ce: {  	s19 =	simm.s32 $0x10800  }
0x3cf: {  	[hbm4b:s16+s4] =	stream.indirect_vreg.scatter [tilespmem:s19], [sflag:$0xB], $0x80, v2, vm0, $0xb8;
	[tilespmem:$0x1E000] =	vst v63  }
0x3d0: {  	s19 =	simm.s32 $0x11000  }
0x3d1: {  	[hbm4b:s17+s4] =	stream.indirect_vreg.scatter [tilespmem:s19], [sflag:$0xB], $0x80, v2, vm0, $0xb8;
	[tilespmem:$0x1E000] =	vst v63  }
0x3d2: {  	s19 =	simm.s32 $0x11800  }
0x3d3: {  	[hbm4b:s18+s4] =	stream.indirect_vreg.scatter [tilespmem:s19], [sflag:$0xB], $0x80, v2, vm0, $0xb8;
	[tilespmem:$0x1E000] =	vst v63  }
0x3d4: {  	s19 =	simm.s32 $0x8  }
0x3d5: {  	_ =	swait.ge [sflag:s19], $0x4000  }
0x3d6: {  	[sflag:s19] =	ssyncset.done $0x0  }
0x3d7: {  	[sflag:s19] =	ssyncadd.s32 $0xFFFFC000  }
0x3d8: {  	v2 =	vld.msk [tilespmem:$0xA80], $0xff;
	_ =	sdelay $0x4  }
0x3d9: {  	v3 =	vshll.u32 v2, $0x4  }
0x3da: {  	v2 =	vand.u32 $0x7, v2;
	v3 =	vand.u32 $0xFFFFFF80, v3  }
0x3db: {  	v2 =	vor.u32 v2, v3  }
0x3dc: {  	v2 =	vperm.xlane v2, v0;
	_ =	sdelay $0x1  }
0x3dd: {  	v2 =	vadd.s32 v1, v2;
	_ =	sdelay $0x3  }
0x3de: {  	s19 =	simm.s32 $0x2000  }
0x3df: {  	[tilespmem:s19], [sflag:$0x1] =	stream.indirect_vreg.gather [hbm4b:s25+s4], $0x80, v2, vm0, $0xb8;
	[tilespmem:$0x1E000] =	vst v63  }
0x3e0: {  	s19 =	simm.s32 $0x2800  }
0x3e1: {  	[tilespmem:s19], [sflag:$0x1] =	stream.indirect_vreg.gather [hbm4b:s5+s4], $0x80, v2, vm0, $0xb8;
	[tilespmem:$0x1E000] =	vst v63  }
0x3e2: {  	s19 =	simm.s32 $0x3000  }
0x3e3: {  	[tilespmem:s19], [sflag:$0x1] =	stream.indirect_vreg.gather [hbm4b:s6+s4], $0x80, v2, vm0, $0xb8;
	[tilespmem:$0x1E000] =	vst v63  }
0x3e4: {  	s19 =	simm.s32 $0x3800  }
0x3e5: {  	[tilespmem:s19], [sflag:$0x1] =	stream.indirect_vreg.gather [hbm4b:s7+s4], $0x80, v2, vm0, $0xb8;
	[tilespmem:$0x1E000] =	vst v63  }
0x3e6: {  	s19 =	simm.s32 $0x4000  }
0x3e7: {  	[tilespmem:s19], [sflag:$0x1] =	stream.indirect_vreg.gather [hbm4b:s8+s4], $0x80, v2, vm0, $0xb8;
	[tilespmem:$0x1E000] =	vst v63  }
0x3e8: {  	s19 =	simm.s32 $0x4800  }
0x3e9: {  	[tilespmem:s19], [sflag:$0x1] =	stream.indirect_vreg.gather [hbm4b:s9+s4], $0x80, v2, vm0, $0xb8;
	[tilespmem:$0x1E000] =	vst v63  }
0x3ea: {  	s19 =	simm.s32 $0x5000  }
0x3eb: {  	[tilespmem:s19], [sflag:$0x1] =	stream.indirect_vreg.gather [hbm4b:s10+s4], $0x80, v2, vm0, $0xb8;
	[tilespmem:$0x1E000] =	vst v63  }
0x3ec: {  	_ = 	snop  }
0x3ed: {  	[tilespmem:s23], [sflag:$0x1] =	stream.indirect_vreg.gather [hbm4b:s11+s4], $0x80, v2, vm0, $0xb8;
	[tilespmem:$0x1E000] =	vst v63  }
0x3ee: {  	s23 =	simm.s32 $0x5  }
0x3ef: {  	_ =	swait.ge [sflag:s23], $0x4000  }
0x3f0: {  	[sflag:s23] =	ssyncset.done $0x0  }
0x3f1: {  	[sflag:s23] =	ssyncadd.s32 $0xFFFFC000  }
0x3f2: {  	v2 =	vld.msk [tilespmem:$0x1780], $0xff;
	_ =	sdelay $0x4  }
0x3f3: {  	v3 =	vshll.u32 v2, $0x4  }
0x3f4: {  	v2 =	vand.u32 $0x7, v2;
	v3 =	vand.u32 $0xFFFFFF80, v3  }
0x3f5: {  	v2 =	vor.u32 v2, v3  }
0x3f6: {  	v2 =	vperm.xlane v2, v0;
	_ =	sdelay $0x1  }
0x3f7: {  	v2 =	vadd.s32 v1, v2;
	_ =	sdelay $0x3  }
0x3f8: {  	s19 =	simm.s32 $0x12000  }
0x3f9: {  	[hbm4b:s1+s4] =	stream.indirect_vreg.scatter [tilespmem:s19], [sflag:$0xC], $0x80, v2, vm0, $0xb8;
	[tilespmem:$0x1E000] =	vst v63  }
0x3fa: {  	s23 =	simm.s32 $0x12800  }
0x3fb: {  	[hbm4b:s12+s4] =	stream.indirect_vreg.scatter [tilespmem:s23], [sflag:$0xC], $0x80, v2, vm0, $0xb8;
	[tilespmem:$0x1E000] =	vst v63  }
0x3fc: {  	_ = 	snop  }
0x3fd: {  	[hbm4b:s13+s4] =	stream.indirect_vreg.scatter [tilespmem:s21], [sflag:$0xC], $0x80, v2, vm0, $0xb8;
	[tilespmem:$0x1E000] =	vst v63  }
0x3fe: {  	_ = 	snop  }
0x3ff: {  	[hbm4b:s14+s4] =	stream.indirect_vreg.scatter [tilespmem:s20], [sflag:$0xC], $0x80, v2, vm0, $0xb8;
	[tilespmem:$0x1E000] =	vst v63  }
0x400: {  	_ = 	snop  }
0x401: {  	[hbm4b:s15+s4] =	stream.indirect_vreg.scatter [tilespmem:s24], [sflag:$0xC], $0x80, v2, vm0, $0xb8;
	[tilespmem:$0x1E000] =	vst v63  }
0x402: {  	_ = 	snop  }
0x403: {  	[hbm4b:s16+s4] =	stream.indirect_vreg.scatter [tilespmem:s2], [sflag:$0xC], $0x80, v2, vm0, $0xb8;
	[tilespmem:$0x1E000] =	vst v63  }
0x404: {  	s21 =	simm.s32 $0x15000  }
0x405: {  	[hbm4b:s17+s4] =	stream.indirect_vreg.scatter [tilespmem:s21], [sflag:$0xC], $0x80, v2, vm0, $0xb8;
	[tilespmem:$0x1E000] =	vst v63  }
0x406: {  	s24 =	simm.s32 $0x15800;
	s2 =	simm.s32 $0x9  }
0x407: {  	[hbm4b:s18+s4] =	stream.indirect_vreg.scatter [tilespmem:s24], [sflag:$0xC], $0x80, v2, vm0, $0xb8;
	[tilespmem:$0x1E000] =	vst v63  }
0x408: {  	_ =	swait.ge [sflag:s2], $0x4000  }
0x409: {  	[sflag:s2] =	ssyncset.done $0x0  }
0x40a: {  	[sflag:s2] =	ssyncadd.s32 $0xFFFFC000  }
0x40b: {  	v2 =	vld.msk [tilespmem:$0xB00], $0xff;
	_ =	sdelay $0x4  }
0x40c: {  	v3 =	vshll.u32 v2, $0x4  }
0x40d: {  	v2 =	vand.u32 $0x7, v2;
	v3 =	vand.u32 $0xFFFFFF80, v3  }
0x40e: {  	v2 =	vor.u32 v2, v3  }
0x40f: {  	v2 =	vperm.xlane v2, v0;
	_ =	sdelay $0x1  }
0x410: {  	v2 =	vadd.s32 v1, v2;
	_ =	sdelay $0x3  }
0x411: {  	s19 =	simm.s32 $0x6000  }
0x412: {  	[tilespmem:s19], [sflag:$0x2] =	stream.indirect_vreg.gather [hbm4b:s25+s4], $0x80, v2, vm0, $0xb8;
	[tilespmem:$0x1E000] =	vst v63  }
0x413: {  	s20 =	simm.s32 $0x6800  }
0x414: {  	[tilespmem:s20], [sflag:$0x2] =	stream.indirect_vreg.gather [hbm4b:s5+s4], $0x80, v2, vm0, $0xb8;
	[tilespmem:$0x1E000] =	vst v63  }
0x415: {  	s21 =	simm.s32 $0x7000  }
0x416: {  	[tilespmem:s21], [sflag:$0x2] =	stream.indirect_vreg.gather [hbm4b:s6+s4], $0x80, v2, vm0, $0xb8;
	[tilespmem:$0x1E000] =	vst v63  }
0x417: {  	s24 =	simm.s32 $0x7800  }
0x418: {  	[tilespmem:s24], [sflag:$0x2] =	stream.indirect_vreg.gather [hbm4b:s7+s4], $0x80, v2, vm0, $0xb8;
	[tilespmem:$0x1E000] =	vst v63  }
0x419: {  	s2 =	simm.s32 $0x8000  }
0x41a: {  	[tilespmem:s2], [sflag:$0x2] =	stream.indirect_vreg.gather [hbm4b:s8+s4], $0x80, v2, vm0, $0xb8;
	[tilespmem:$0x1E000] =	vst v63  }
0x41b: {  	s19 =	simm.s32 $0x8800  }
0x41c: {  	[tilespmem:s19], [sflag:$0x2] =	stream.indirect_vreg.gather [hbm4b:s9+s4], $0x80, v2, vm0, $0xb8;
	[tilespmem:$0x1E000] =	vst v63  }
0x41d: {  	s20 =	simm.s32 $0x9000  }
0x41e: {  	[tilespmem:s20], [sflag:$0x2] =	stream.indirect_vreg.gather [hbm4b:s10+s4], $0x80, v2, vm0, $0xb8;
	[tilespmem:$0x1E000] =	vst v63  }
0x41f: {  	s21 =	simm.s32 $0x9800;
	s24 =	simm.s32 $0x6  }
0x420: {  	[tilespmem:s21], [sflag:$0x2] =	stream.indirect_vreg.gather [hbm4b:s11+s4], $0x80, v2, vm0, $0xb8;
	[tilespmem:$0x1E000] =	vst v63  }
0x421: {  	_ =	swait.ge [sflag:s24], $0x4000  }
0x422: {  	[sflag:s24] =	ssyncset.done $0x0  }
0x423: {  	[sflag:s24] =	ssyncadd.s32 $0xFFFFC000  }
0x424: {  	v2 =	vld.msk [tilespmem:$0x1800], $0xff;
	_ =	sdelay $0x4  }
0x425: {  	v3 =	vshll.u32 v2, $0x4  }
0x426: {  	v2 =	vand.u32 $0x7, v2;
	v3 =	vand.u32 $0xFFFFFF80, v3  }
0x427: {  	v2 =	vor.u32 v2, v3  }
0x428: {  	v2 =	vperm.xlane v2, v0;
	_ =	sdelay $0x1  }
0x429: {  	v2 =	vadd.s32 v1, v2;
	_ =	sdelay $0x4  }
0x42a: {  	[hbm4b:s1+s4] =	stream.indirect_vreg.scatter [tilespmem:s31], [sflag:$0xD], $0x80, v2, vm0, $0xb8;
	[tilespmem:$0x1E000] =	vst v63  }
0x42b: {  	s31 =	simm.s32 $0x16800  }
0x42c: {  	[hbm4b:s12+s4] =	stream.indirect_vreg.scatter [tilespmem:s31], [sflag:$0xD], $0x80, v2, vm0, $0xb8;
	[tilespmem:$0x1E000] =	vst v63  }
0x42d: {  	_ = 	snop  }
0x42e: {  	[hbm4b:s13+s4] =	stream.indirect_vreg.scatter [tilespmem:s26], [sflag:$0xD], $0x80, v2, vm0, $0xb8;
	[tilespmem:$0x1E000] =	vst v63  }
0x42f: {  	s19 =	simm.s32 $0x17800  }
0x430: {  	[hbm4b:s14+s4] =	stream.indirect_vreg.scatter [tilespmem:s19], [sflag:$0xD], $0x80, v2, vm0, $0xb8;
	[tilespmem:$0x1E000] =	vst v63  }
0x431: {  	s20 =	simm.s32 $0x18000  }
0x432: {  	[hbm4b:s15+s4] =	stream.indirect_vreg.scatter [tilespmem:s20], [sflag:$0xD], $0x80, v2, vm0, $0xb8;
	[tilespmem:$0x1E000] =	vst v63  }
0x433: {  	s24 =	simm.s32 $0x18800  }
0x434: {  	[hbm4b:s16+s4] =	stream.indirect_vreg.scatter [tilespmem:s24], [sflag:$0xD], $0x80, v2, vm0, $0xb8;
	[tilespmem:$0x1E000] =	vst v63  }
0x435: {  	s2 =	simm.s32 $0x19000  }
0x436: {  	[hbm4b:s17+s4] =	stream.indirect_vreg.scatter [tilespmem:s2], [sflag:$0xD], $0x80, v2, vm0, $0xb8;
	[tilespmem:$0x1E000] =	vst v63  }
0x437: {  	s0 =	simm.s32 $0xA;
	s26 =	simm.s32 $0x19800  }
0x438: {  	[hbm4b:s18+s4] =	stream.indirect_vreg.scatter [tilespmem:s26], [sflag:$0xD], $0x80, v2, vm0, $0xb8;
	[tilespmem:$0x1E000] =	vst v63  }
0x439: {  	_ =	swait.ge [sflag:s0], $0x4000  }
0x43a: {  	[sflag:s0] =	ssyncset.done $0x0  }
0x43b: {  	[sflag:s0] =	ssyncadd.s32 $0xFFFFC000  }
0x43c: {  	v2 =	vld.msk [tilespmem:$0xB80], $0xff;
	_ =	sdelay $0x4  }
0x43d: {  	v3 =	vshll.u32 v2, $0x4  }
0x43e: {  	v2 =	vand.u32 $0x7, v2;
	v3 =	vand.u32 $0xFFFFFF80, v3  }
0x43f: {  	v2 =	vor.u32 v2, v3  }
0x440: {  	v2 =	vperm.xlane v2, v0;
	_ =	sdelay $0x1  }
0x441: {  	v2 =	vadd.s32 v1, v2;
	_ =	sdelay $0x3  }
0x442: {  	s21 =	simm.s32 $0xA000  }
0x443: {  	[tilespmem:s21], [sflag:$0x3] =	stream.indirect_vreg.gather [hbm4b:s25+s4], $0x80, v2, vm0, $0xb8;
	[tilespmem:$0x1E000] =	vst v63  }
0x444: {  	s31 =	simm.s32 $0xA800  }
0x445: {  	[tilespmem:s31], [sflag:$0x3] =	stream.indirect_vreg.gather [hbm4b:s5+s4], $0x80, v2, vm0, $0xb8;
	[tilespmem:$0x1E000] =	vst v63  }
0x446: {  	s21 =	simm.s32 $0xB000  }
0x447: {  	[tilespmem:s21], [sflag:$0x3] =	stream.indirect_vreg.gather [hbm4b:s6+s4], $0x80, v2, vm0, $0xb8;
	[tilespmem:$0x1E000] =	vst v63  }
0x448: {  	_ = 	snop  }
0x449: {  	[tilespmem:s3], [sflag:$0x3] =	stream.indirect_vreg.gather [hbm4b:s7+s4], $0x80, v2, vm0, $0xb8;
	[tilespmem:$0x1E000] =	vst v63  }
0x44a: {  	s31 =	simm.s32 $0xC000  }
0x44b: {  	[tilespmem:s31], [sflag:$0x3] =	stream.indirect_vreg.gather [hbm4b:s8+s4], $0x80, v2, vm0, $0xb8;
	[tilespmem:$0x1E000] =	vst v63  }
0x44c: {  	s3 =	simm.s32 $0xC800  }
0x44d: {  	[tilespmem:s3], [sflag:$0x3] =	stream.indirect_vreg.gather [hbm4b:s9+s4], $0x80, v2, vm0, $0xb8;
	[tilespmem:$0x1E000] =	vst v63  }
0x44e: {  	s21 =	simm.s32 $0xD000  }
0x44f: {  	[tilespmem:s21], [sflag:$0x3] =	stream.indirect_vreg.gather [hbm4b:s10+s4], $0x80, v2, vm0, $0xb8;
	[tilespmem:$0x1E000] =	vst v63  }
0x450: {  	s31 =	simm.s32 $0xD800;
	s3 =	simm.s32 $0x7  }
0x451: {  	[tilespmem:s31], [sflag:$0x3] =	stream.indirect_vreg.gather [hbm4b:s11+s4], $0x80, v2, vm0, $0xb8;
	[tilespmem:$0x1E000] =	vst v63  }
0x452: {  	_ =	swait.ge [sflag:s3], $0x4000  }
0x453: {  	[sflag:s3] =	ssyncset.done $0x0  }
0x454: {  	[sflag:s3] =	ssyncadd.s32 $0xFFFFC000  }
0x455: {  	v2 =	vld.msk [tilespmem:$0x1880], $0xff;
	_ =	sdelay $0x4  }
0x456: {  	v3 =	vshll.u32 v2, $0x4  }
0x457: {  	v2 =	vand.u32 $0x7, v2;
	v3 =	vand.u32 $0xFFFFFF80, v3  }
0x458: {  	v2 =	vor.u32 v2, v3  }
0x459: {  	v2 =	vperm.xlane v2, v0;
	_ =	sdelay $0x1  }
0x45a: {  	v2 =	vadd.s32 v1, v2;
	_ =	sdelay $0x4  }
0x45b: {  	[hbm4b:s1+s4] =	stream.indirect_vreg.scatter [tilespmem:s29], [sflag:$0xE], $0x80, v2, vm0, $0xb8;
	[tilespmem:$0x1E000] =	vst v63  }
0x45c: {  	s21 =	simm.s32 $0x1A800  }
0x45d: {  	[hbm4b:s12+s4] =	stream.indirect_vreg.scatter [tilespmem:s21], [sflag:$0xE], $0x80, v2, vm0, $0xb8;
	[tilespmem:$0x1E000] =	vst v63  }
0x45e: {  	_ = 	snop  }
0x45f: {  	[hbm4b:s13+s4] =	stream.indirect_vreg.scatter [tilespmem:s30], [sflag:$0xE], $0x80, v2, vm0, $0xb8;
	[tilespmem:$0x1E000] =	vst v63  }
0x460: {  	s29 =	simm.s32 $0x1B800  }
0x461: {  	[hbm4b:s14+s4] =	stream.indirect_vreg.scatter [tilespmem:s29], [sflag:$0xE], $0x80, v2, vm0, $0xb8;
	[tilespmem:$0x1E000] =	vst v63  }
0x462: {  	s30 =	simm.s32 $0x1C000  }
0x463: {  	[hbm4b:s15+s4] =	stream.indirect_vreg.scatter [tilespmem:s30], [sflag:$0xE], $0x80, v2, vm0, $0xb8;
	[tilespmem:$0x1E000] =	vst v63  }
0x464: {  	s3 =	simm.s32 $0x1C800  }
0x465: {  	[hbm4b:s16+s4] =	stream.indirect_vreg.scatter [tilespmem:s3], [sflag:$0xE], $0x80, v2, vm0, $0xb8;
	[tilespmem:$0x1E000] =	vst v63  }
0x466: {  	s31 =	simm.s32 $0x1D000  }
0x467: {  	[hbm4b:s17+s4] =	stream.indirect_vreg.scatter [tilespmem:s31], [sflag:$0xE], $0x80, v2, vm0, $0xb8;
	[tilespmem:$0x1E000] =	vst v63  }
0x468: {  	s21 =	simm.s32 $0xB;
	s31 =	simm.s32 $0x1D800  }
0x469: {  	[hbm4b:s18+s4] =	stream.indirect_vreg.scatter [tilespmem:s31], [sflag:$0xE], $0x80, v2, vm0, $0xb8;
	[tilespmem:$0x1E000] =	vst v63  }
0x46a: {  	_ =	swait.ge [sflag:s21], $0x4000  }
0x46b: {  	[sflag:s21] =	ssyncset.done $0x0  }
0x46c: {  	[sflag:s21] =	ssyncadd.s32 $0xFFFFC000  }
0x46d: {  	v2 =	vld.msk [tilespmem:$0xC00], $0xff;
	_ =	sdelay $0x4  }
0x46e: {  	v3 =	vshll.u32 v2, $0x4  }
0x46f: {  	v2 =	vand.u32 $0x7, v2;
	v3 =	vand.u32 $0xFFFFFF80, v3  }
0x470: {  	v2 =	vor.u32 v2, v3  }
0x471: {  	v2 =	vperm.xlane v2, v0;
	_ =	sdelay $0x1  }
0x472: {  	v2 =	vadd.s32 v1, v2;
	_ =	sdelay $0x3  }
0x473: {  	s29 =	simm.s32 $0xE000  }
0x474: {  	[tilespmem:s29], [sflag:$0x4] =	stream.indirect_vreg.gather [hbm4b:s25+s4], $0x80, v2, vm0, $0xb8;
	[tilespmem:$0x1E000] =	vst v63  }
0x475: {  	_ = 	snop  }
0x476: {  	[tilespmem:s28], [sflag:$0x4] =	stream.indirect_vreg.gather [hbm4b:s5+s4], $0x80, v2, vm0, $0xb8;
	[tilespmem:$0x1E000] =	vst v63  }
0x477: {  	s30 =	simm.s32 $0xF000  }
0x478: {  	[tilespmem:s30], [sflag:$0x4] =	stream.indirect_vreg.gather [hbm4b:s6+s4], $0x80, v2, vm0, $0xb8;
	[tilespmem:$0x1E000] =	vst v63  }
0x479: {  	_ = 	snop  }
0x47a: {  	[tilespmem:s22], [sflag:$0x4] =	stream.indirect_vreg.gather [hbm4b:s7+s4], $0x80, v2, vm0, $0xb8;
	[tilespmem:$0x1E000] =	vst v63  }
0x47b: {  	s21 =	simm.s32 $0x10000  }
0x47c: {  	[tilespmem:s21], [sflag:$0x4] =	stream.indirect_vreg.gather [hbm4b:s8+s4], $0x80, v2, vm0, $0xb8;
	[tilespmem:$0x1E000] =	vst v63  }
0x47d: {  	s22 =	simm.s32 $0x10800  }
0x47e: {  	[tilespmem:s22], [sflag:$0x4] =	stream.indirect_vreg.gather [hbm4b:s9+s4], $0x80, v2, vm0, $0xb8;
	[tilespmem:$0x1E000] =	vst v63  }
0x47f: {  	s29 =	simm.s32 $0x11000  }
0x480: {  	[tilespmem:s29], [sflag:$0x4] =	stream.indirect_vreg.gather [hbm4b:s10+s4], $0x80, v2, vm0, $0xb8;
	[tilespmem:$0x1E000] =	vst v63  }
0x481: {  	s0 =	simm.s32 $0x1;
	s30 =	simm.s32 $0x11800  }
0x482: {  	[tilespmem:s30], [sflag:$0x4] =	stream.indirect_vreg.gather [hbm4b:s11+s4], $0x80, v2, vm0, $0xb8;
	[tilespmem:$0x1E000] =	vst v63  }
0x483: {  	_ =	swait.ge [sflag:s0], $0x4000  }
0x484: {  	[sflag:s0] =	ssyncset.done $0x0  }
0x485: {  	[sflag:s0] =	ssyncadd.s32 $0xFFFFC000  }
0x486: {  	v2 =	vld.msk [tilespmem:$0x1900], $0xff;
	_ =	sdelay $0x4  }
0x487: {  	v3 =	vshll.u32 v2, $0x4  }
0x488: {  	v2 =	vand.u32 $0x7, v2;
	v3 =	vand.u32 $0xFFFFFF80, v3  }
0x489: {  	v2 =	vor.u32 v2, v3  }
0x48a: {  	v2 =	vperm.xlane v2, v0;
	_ =	sdelay $0x1  }
0x48b: {  	v2 =	vadd.s32 v1, v2;
	_ =	sdelay $0x3  }
0x48c: {  	s22 =	simm.s32 $0x2000  }
0x48d: {  	[hbm4b:s1+s4] =	stream.indirect_vreg.scatter [tilespmem:s22], [sflag:$0x8], $0x80, v2, vm0, $0xb8;
	[tilespmem:$0x1E000] =	vst v63  }
0x48e: {  	s29 =	simm.s32 $0x2800  }
0x48f: {  	[hbm4b:s12+s4] =	stream.indirect_vreg.scatter [tilespmem:s29], [sflag:$0x8], $0x80, v2, vm0, $0xb8;
	[tilespmem:$0x1E000] =	vst v63  }
0x490: {  	s30 =	simm.s32 $0x3000  }
0x491: {  	[hbm4b:s13+s4] =	stream.indirect_vreg.scatter [tilespmem:s30], [sflag:$0x8], $0x80, v2, vm0, $0xb8;
	[tilespmem:$0x1E000] =	vst v63  }
0x492: {  	s21 =	simm.s32 $0x3800  }
0x493: {  	[hbm4b:s14+s4] =	stream.indirect_vreg.scatter [tilespmem:s21], [sflag:$0x8], $0x80, v2, vm0, $0xb8;
	[tilespmem:$0x1E000] =	vst v63  }
0x494: {  	s22 =	simm.s32 $0x4000  }
0x495: {  	[hbm4b:s15+s4] =	stream.indirect_vreg.scatter [tilespmem:s22], [sflag:$0x8], $0x80, v2, vm0, $0xb8;
	[tilespmem:$0x1E000] =	vst v63  }
0x496: {  	s29 =	simm.s32 $0x4800  }
0x497: {  	[hbm4b:s16+s4] =	stream.indirect_vreg.scatter [tilespmem:s29], [sflag:$0x8], $0x80, v2, vm0, $0xb8;
	[tilespmem:$0x1E000] =	vst v63  }
0x498: {  	s30 =	simm.s32 $0x5000  }
0x499: {  	[hbm4b:s17+s4] =	stream.indirect_vreg.scatter [tilespmem:s30], [sflag:$0x8], $0x80, v2, vm0, $0xb8;
	[tilespmem:$0x1E000] =	vst v63  }
0x49a: {  	s21 =	simm.s32 $0x5800;
	s22 =	simm.s32 $0xC  }
0x49b: {  	[hbm4b:s18+s4] =	stream.indirect_vreg.scatter [tilespmem:s21], [sflag:$0x8], $0x80, v2, vm0, $0xb8;
	[tilespmem:$0x1E000] =	vst v63  }
0x49c: {  	_ =	swait.ge [sflag:s22], $0x4000  }
0x49d: {  	[sflag:s22] =	ssyncset.done $0x0  }
0x49e: {  	[sflag:s22] =	ssyncadd.s32 $0xFFFFC000  }
0x49f: {  	v2 =	vld.msk [tilespmem:$0xC80], $0xff;
	_ =	sdelay $0x4  }
0x4a0: {  	v3 =	vshll.u32 v2, $0x4  }
0x4a1: {  	v2 =	vand.u32 $0x7, v2;
	v3 =	vand.u32 $0xFFFFFF80, v3  }
0x4a2: {  	v2 =	vor.u32 v2, v3  }
0x4a3: {  	v2 =	vperm.xlane v2, v0;
	_ =	sdelay $0x1  }
0x4a4: {  	v2 =	vadd.s32 v1, v2;
	_ =	sdelay $0x3  }
0x4a5: {  	s29 =	simm.s32 $0x12000  }
0x4a6: {  	[tilespmem:s29], [sflag:$0x5] =	stream.indirect_vreg.gather [hbm4b:s25+s4], $0x80, v2, vm0, $0xb8;
	[tilespmem:$0x1E000] =	vst v63  }
0x4a7: {  	_ = 	snop  }
0x4a8: {  	[tilespmem:s23], [sflag:$0x5] =	stream.indirect_vreg.gather [hbm4b:s5+s4], $0x80, v2, vm0, $0xb8;
	[tilespmem:$0x1E000] =	vst v63  }
0x4a9: {  	s30 =	simm.s32 $0x13000  }
0x4aa: {  	[tilespmem:s30], [sflag:$0x5] =	stream.indirect_vreg.gather [hbm4b:s6+s4], $0x80, v2, vm0, $0xb8;
	[tilespmem:$0x1E000] =	vst v63  }
0x4ab: {  	s21 =	simm.s32 $0x13800  }
0x4ac: {  	[tilespmem:s21], [sflag:$0x5] =	stream.indirect_vreg.gather [hbm4b:s7+s4], $0x80, v2, vm0, $0xb8;
	[tilespmem:$0x1E000] =	vst v63  }
0x4ad: {  	s22 =	simm.s32 $0x14000  }
0x4ae: {  	[tilespmem:s22], [sflag:$0x5] =	stream.indirect_vreg.gather [hbm4b:s8+s4], $0x80, v2, vm0, $0xb8;
	[tilespmem:$0x1E000] =	vst v63  }
0x4af: {  	s23 =	simm.s32 $0x14800  }
0x4b0: {  	[tilespmem:s23], [sflag:$0x5] =	stream.indirect_vreg.gather [hbm4b:s9+s4], $0x80, v2, vm0, $0xb8;
	[tilespmem:$0x1E000] =	vst v63  }
0x4b1: {  	s29 =	simm.s32 $0x15000  }
0x4b2: {  	[tilespmem:s29], [sflag:$0x5] =	stream.indirect_vreg.gather [hbm4b:s10+s4], $0x80, v2, vm0, $0xb8;
	[tilespmem:$0x1E000] =	vst v63  }
0x4b3: {  	s30 =	simm.s32 $0x15800;
	s21 =	simm.s32 $0x2  }
0x4b4: {  	[tilespmem:s30], [sflag:$0x5] =	stream.indirect_vreg.gather [hbm4b:s11+s4], $0x80, v2, vm0, $0xb8;
	[tilespmem:$0x1E000] =	vst v63  }
0x4b5: {  	_ =	swait.ge [sflag:s21], $0x4000  }
0x4b6: {  	[sflag:s21] =	ssyncset.done $0x0  }
0x4b7: {  	[sflag:s21] =	ssyncadd.s32 $0xFFFFC000  }
0x4b8: {  	v2 =	vld.msk [tilespmem:$0x1980], $0xff;
	_ =	sdelay $0x4  }
0x4b9: {  	v3 =	vshll.u32 v2, $0x4  }
0x4ba: {  	v2 =	vand.u32 $0x7, v2;
	v3 =	vand.u32 $0xFFFFFF80, v3  }
0x4bb: {  	v2 =	vor.u32 v2, v3  }
0x4bc: {  	v2 =	vperm.xlane v2, v0;
	_ =	sdelay $0x1  }
0x4bd: {  	v2 =	vadd.s32 v1, v2;
	_ =	sdelay $0x3  }
0x4be: {  	s22 =	simm.s32 $0x6000  }
0x4bf: {  	[hbm4b:s1+s4] =	stream.indirect_vreg.scatter [tilespmem:s22], [sflag:$0x9], $0x80, v2, vm0, $0xb8;
	[tilespmem:$0x1E000] =	vst v63  }
0x4c0: {  	s23 =	simm.s32 $0x6800  }
0x4c1: {  	[hbm4b:s12+s4] =	stream.indirect_vreg.scatter [tilespmem:s23], [sflag:$0x9], $0x80, v2, vm0, $0xb8;
	[tilespmem:$0x1E000] =	vst v63  }
0x4c2: {  	s29 =	simm.s32 $0x7000  }
0x4c3: {  	[hbm4b:s13+s4] =	stream.indirect_vreg.scatter [tilespmem:s29], [sflag:$0x9], $0x80, v2, vm0, $0xb8;
	[tilespmem:$0x1E000] =	vst v63  }
0x4c4: {  	s30 =	simm.s32 $0x7800  }
0x4c5: {  	[hbm4b:s14+s4] =	stream.indirect_vreg.scatter [tilespmem:s30], [sflag:$0x9], $0x80, v2, vm0, $0xb8;
	[tilespmem:$0x1E000] =	vst v63  }
0x4c6: {  	s21 =	simm.s32 $0x8000  }
0x4c7: {  	[hbm4b:s15+s4] =	stream.indirect_vreg.scatter [tilespmem:s21], [sflag:$0x9], $0x80, v2, vm0, $0xb8;
	[tilespmem:$0x1E000] =	vst v63  }
0x4c8: {  	s22 =	simm.s32 $0x8800  }
0x4c9: {  	[hbm4b:s16+s4] =	stream.indirect_vreg.scatter [tilespmem:s22], [sflag:$0x9], $0x80, v2, vm0, $0xb8;
	[tilespmem:$0x1E000] =	vst v63  }
0x4ca: {  	s23 =	simm.s32 $0x9000  }
0x4cb: {  	[hbm4b:s17+s4] =	stream.indirect_vreg.scatter [tilespmem:s23], [sflag:$0x9], $0x80, v2, vm0, $0xb8;
	[tilespmem:$0x1E000] =	vst v63  }
0x4cc: {  	s29 =	simm.s32 $0x9800;
	s30 =	simm.s32 $0xD  }
0x4cd: {  	[hbm4b:s18+s4] =	stream.indirect_vreg.scatter [tilespmem:s29], [sflag:$0x9], $0x80, v2, vm0, $0xb8;
	[tilespmem:$0x1E000] =	vst v63  }
0x4ce: {  	_ =	swait.ge [sflag:s30], $0x4000  }
0x4cf: {  	[sflag:s30] =	ssyncset.done $0x0  }
0x4d0: {  	[sflag:s30] =	ssyncadd.s32 $0xFFFFC000  }
0x4d1: {  	v2 =	vld.msk [tilespmem:$0xD00], $0xff;
	_ =	sdelay $0x4  }
0x4d2: {  	v3 =	vshll.u32 v2, $0x4  }
0x4d3: {  	v2 =	vand.u32 $0x7, v2;
	v3 =	vand.u32 $0xFFFFFF80, v3  }
0x4d4: {  	v2 =	vor.u32 v2, v3  }
0x4d5: {  	v2 =	vperm.xlane v2, v0;
	_ =	sdelay $0x1  }
0x4d6: {  	v2 =	vadd.s32 v1, v2;
	_ =	sdelay $0x3  }
0x4d7: {  	s21 =	simm.s32 $0x16000  }
0x4d8: {  	[tilespmem:s21], [sflag:$0x6] =	stream.indirect_vreg.gather [hbm4b:s25+s4], $0x80, v2, vm0, $0xb8;
	[tilespmem:$0x1E000] =	vst v63  }
0x4d9: {  	s22 =	simm.s32 $0x16800  }
0x4da: {  	[tilespmem:s22], [sflag:$0x6] =	stream.indirect_vreg.gather [hbm4b:s5+s4], $0x80, v2, vm0, $0xb8;
	[tilespmem:$0x1E000] =	vst v63  }
0x4db: {  	s23 =	simm.s32 $0x17000  }
0x4dc: {  	[tilespmem:s23], [sflag:$0x6] =	stream.indirect_vreg.gather [hbm4b:s6+s4], $0x80, v2, vm0, $0xb8;
	[tilespmem:$0x1E000] =	vst v63  }
0x4dd: {  	_ = 	snop  }
0x4de: {  	[tilespmem:s19], [sflag:$0x6] =	stream.indirect_vreg.gather [hbm4b:s7+s4], $0x80, v2, vm0, $0xb8;
	[tilespmem:$0x1E000] =	vst v63  }
0x4df: {  	_ = 	snop  }
0x4e0: {  	[tilespmem:s20], [sflag:$0x6] =	stream.indirect_vreg.gather [hbm4b:s8+s4], $0x80, v2, vm0, $0xb8;
	[tilespmem:$0x1E000] =	vst v63  }
0x4e1: {  	_ = 	snop  }
0x4e2: {  	[tilespmem:s24], [sflag:$0x6] =	stream.indirect_vreg.gather [hbm4b:s9+s4], $0x80, v2, vm0, $0xb8;
	[tilespmem:$0x1E000] =	vst v63  }
0x4e3: {  	_ = 	snop  }
0x4e4: {  	[tilespmem:s2], [sflag:$0x6] =	stream.indirect_vreg.gather [hbm4b:s10+s4], $0x80, v2, vm0, $0xb8;
	[tilespmem:$0x1E000] =	vst v63  }
0x4e5: {  	s24 =	simm.s32 $0x3  }
0x4e6: {  	[tilespmem:s26], [sflag:$0x6] =	stream.indirect_vreg.gather [hbm4b:s11+s4], $0x80, v2, vm0, $0xb8;
	[tilespmem:$0x1E000] =	vst v63  }
0x4e7: {  	_ =	swait.ge [sflag:s24], $0x4000  }
0x4e8: {  	[sflag:s24] =	ssyncset.done $0x0  }
0x4e9: {  	[sflag:s24] =	ssyncadd.s32 $0xFFFFC000  }
0x4ea: {  	v2 =	vld.msk [tilespmem:$0x1A00], $0xff;
	_ =	sdelay $0x4  }
0x4eb: {  	v3 =	vshll.u32 v2, $0x4  }
0x4ec: {  	v2 =	vand.u32 $0x7, v2;
	v3 =	vand.u32 $0xFFFFFF80, v3  }
0x4ed: {  	v2 =	vor.u32 v2, v3  }
0x4ee: {  	v2 =	vperm.xlane v2, v0;
	_ =	sdelay $0x1  }
0x4ef: {  	v2 =	vadd.s32 v1, v2;
	_ =	sdelay $0x3  }
0x4f0: {  	s26 =	simm.s32 $0xA000  }
0x4f1: {  	[hbm4b:s1+s4] =	stream.indirect_vreg.scatter [tilespmem:s26], [sflag:$0xA], $0x80, v2, vm0, $0xb8;
	[tilespmem:$0x1E000] =	vst v63  }
0x4f2: {  	s29 =	simm.s32 $0xA800  }
0x4f3: {  	[hbm4b:s12+s4] =	stream.indirect_vreg.scatter [tilespmem:s29], [sflag:$0xA], $0x80, v2, vm0, $0xb8;
	[tilespmem:$0x1E000] =	vst v63  }
0x4f4: {  	s30 =	simm.s32 $0xB000  }
0x4f5: {  	[hbm4b:s13+s4] =	stream.indirect_vreg.scatter [tilespmem:s30], [sflag:$0xA], $0x80, v2, vm0, $0xb8;
	[tilespmem:$0x1E000] =	vst v63  }
0x4f6: {  	s2 =	simm.s32 $0xB800  }
0x4f7: {  	[hbm4b:s14+s4] =	stream.indirect_vreg.scatter [tilespmem:s2], [sflag:$0xA], $0x80, v2, vm0, $0xb8;
	[tilespmem:$0x1E000] =	vst v63  }
0x4f8: {  	s19 =	simm.s32 $0xC000  }
0x4f9: {  	[hbm4b:s15+s4] =	stream.indirect_vreg.scatter [tilespmem:s19], [sflag:$0xA], $0x80, v2, vm0, $0xb8;
	[tilespmem:$0x1E000] =	vst v63  }
0x4fa: {  	s20 =	simm.s32 $0xC800  }
0x4fb: {  	[hbm4b:s16+s4] =	stream.indirect_vreg.scatter [tilespmem:s20], [sflag:$0xA], $0x80, v2, vm0, $0xb8;
	[tilespmem:$0x1E000] =	vst v63  }
0x4fc: {  	s21 =	simm.s32 $0xD000  }
0x4fd: {  	[hbm4b:s17+s4] =	stream.indirect_vreg.scatter [tilespmem:s21], [sflag:$0xA], $0x80, v2, vm0, $0xb8;
	[tilespmem:$0x1E000] =	vst v63  }
0x4fe: {  	s22 =	simm.s32 $0xD800;
	s23 =	simm.s32 $0xE  }
0x4ff: {  	[hbm4b:s18+s4] =	stream.indirect_vreg.scatter [tilespmem:s22], [sflag:$0xA], $0x80, v2, vm0, $0xb8;
	[tilespmem:$0x1E000] =	vst v63  }
0x500: {  	_ =	swait.ge [sflag:s23], $0x4000  }
0x501: {  	[sflag:s23] =	ssyncset.done $0x0  }
0x502: {  	[sflag:s23] =	ssyncadd.s32 $0xFFFFC000  }
0x503: {  	v2 =	vld.msk [tilespmem:$0xD80], $0xff;
	_ =	sdelay $0x4  }
0x504: {  	v3 =	vshll.u32 v2, $0x4  }
0x505: {  	v2 =	vand.u32 $0x7, v2;
	v3 =	vand.u32 $0xFFFFFF80, v3  }
0x506: {  	v2 =	vor.u32 v2, v3  }
0x507: {  	v2 =	vperm.xlane v2, v0;
	_ =	sdelay $0x1  }
0x508: {  	v2 =	vadd.s32 v1, v2;
	_ =	sdelay $0x3  }
0x509: {  	s30 =	simm.s32 $0x1A000  }
0x50a: {  	[tilespmem:s30], [sflag:$0x7] =	stream.indirect_vreg.gather [hbm4b:s25+s4], $0x80, v2, vm0, $0xb8;
	[tilespmem:$0x1E000] =	vst v63  }
0x50b: {  	s21 =	simm.s32 $0x1A800  }
0x50c: {  	[tilespmem:s21], [sflag:$0x7] =	stream.indirect_vreg.gather [hbm4b:s5+s4], $0x80, v2, vm0, $0xb8;
	[tilespmem:$0x1E000] =	vst v63  }
0x50d: {  	s22 =	simm.s32 $0x1B000  }
0x50e: {  	[tilespmem:s22], [sflag:$0x7] =	stream.indirect_vreg.gather [hbm4b:s6+s4], $0x80, v2, vm0, $0xb8;
	[tilespmem:$0x1E000] =	vst v63  }
0x50f: {  	s23 =	simm.s32 $0x1B800  }
0x510: {  	[tilespmem:s23], [sflag:$0x7] =	stream.indirect_vreg.gather [hbm4b:s7+s4], $0x80, v2, vm0, $0xb8;
	[tilespmem:$0x1E000] =	vst v63  }
0x511: {  	s29 =	simm.s32 $0x1C000  }
0x512: {  	[tilespmem:s29], [sflag:$0x7] =	stream.indirect_vreg.gather [hbm4b:s8+s4], $0x80, v2, vm0, $0xb8;
	[tilespmem:$0x1E000] =	vst v63  }
0x513: {  	_ = 	snop  }
0x514: {  	[tilespmem:s3], [sflag:$0x7] =	stream.indirect_vreg.gather [hbm4b:s9+s4], $0x80, v2, vm0, $0xb8;
	[tilespmem:$0x1E000] =	vst v63  }
0x515: {  	s24 =	simm.s32 $0x1D000  }
0x516: {  	[tilespmem:s24], [sflag:$0x7] =	stream.indirect_vreg.gather [hbm4b:s10+s4], $0x80, v2, vm0, $0xb8;
	[tilespmem:$0x1E000] =	vst v63  }
0x517: {  	s26 =	simm.s32 $0x4  }
0x518: {  	[tilespmem:s31], [sflag:$0x7] =	stream.indirect_vreg.gather [hbm4b:s11+s4], $0x80, v2, vm0, $0xb8;
	[tilespmem:$0x1E000] =	vst v63  }
0x519: {  	_ =	swait.ge [sflag:s26], $0x4000  }
0x51a: {  	[sflag:s26] =	ssyncset.done $0x0  }
0x51b: {  	[sflag:s26] =	ssyncadd.s32 $0xFFFFC000  }
0x51c: {  	v2 =	vld.msk [tilespmem:$0x1A80], $0xff;
	_ =	sdelay $0x4  }
0x51d: {  	v3 =	vshll.u32 v2, $0x4  }
0x51e: {  	v2 =	vand.u32 $0x7, v2;
	v3 =	vand.u32 $0xFFFFFF80, v3  }
0x51f: {  	v2 =	vor.u32 v2, v3  }
0x520: {  	v2 =	vperm.xlane v2, v0;
	_ =	sdelay $0x1  }
0x521: {  	v2 =	vadd.s32 v1, v2;
	_ =	sdelay $0x3  }
0x522: {  	s31 =	simm.s32 $0xE000  }
0x523: {  	[hbm4b:s1+s4] =	stream.indirect_vreg.scatter [tilespmem:s31], [sflag:$0xB], $0x80, v2, vm0, $0xb8;
	[tilespmem:$0x1E000] =	vst v63  }
0x524: {  	s2 =	simm.s32 $0xE800  }
0x525: {  	[hbm4b:s12+s4] =	stream.indirect_vreg.scatter [tilespmem:s2], [sflag:$0xB], $0x80, v2, vm0, $0xb8;
	[tilespmem:$0x1E000] =	vst v63  }
0x526: {  	s28 =	simm.s32 $0xF000  }
0x527: {  	[hbm4b:s13+s4] =	stream.indirect_vreg.scatter [tilespmem:s28], [sflag:$0xB], $0x80, v2, vm0, $0xb8;
	[tilespmem:$0x1E000] =	vst v63  }
0x528: {  	s3 =	simm.s32 $0xF800  }
0x529: {  	[hbm4b:s14+s4] =	stream.indirect_vreg.scatter [tilespmem:s3], [sflag:$0xB], $0x80, v2, vm0, $0xb8;
	[tilespmem:$0x1E000] =	vst v63  }
0x52a: {  	s19 =	simm.s32 $0x10000  }
0x52b: {  	[hbm4b:s15+s4] =	stream.indirect_vreg.scatter [tilespmem:s19], [sflag:$0xB], $0x80, v2, vm0, $0xb8;
	[tilespmem:$0x1E000] =	vst v63  }
0x52c: {  	s20 =	simm.s32 $0x10800  }
0x52d: {  	[hbm4b:s16+s4] =	stream.indirect_vreg.scatter [tilespmem:s20], [sflag:$0xB], $0x80, v2, vm0, $0xb8;
	[tilespmem:$0x1E000] =	vst v63  }
0x52e: {  	s24 =	simm.s32 $0x11000  }
0x52f: {  	[hbm4b:s17+s4] =	stream.indirect_vreg.scatter [tilespmem:s24], [sflag:$0xB], $0x80, v2, vm0, $0xb8;
	[tilespmem:$0x1E000] =	vst v63  }
0x530: {  	s26 =	simm.s32 $0x11800;
	s28 =	simm.s32 $0x8  }
0x531: {  	[hbm4b:s18+s4] =	stream.indirect_vreg.scatter [tilespmem:s26], [sflag:$0xB], $0x80, v2, vm0, $0xb8;
	[tilespmem:$0x1E000] =	vst v63  }
0x532: {  	_ =	swait.ge [sflag:s28], $0x4000  }
0x533: {  	[sflag:s28] =	ssyncset.done $0x0  }
0x534: {  	[sflag:s28] =	ssyncadd.s32 $0xFFFFC000  }
0x535: {  	v2 =	vld.msk [tilespmem:$0xE00], $0xff;
	_ =	sdelay $0x4  }
0x536: {  	v3 =	vshll.u32 v2, $0x4  }
0x537: {  	v2 =	vand.u32 $0x7, v2;
	v3 =	vand.u32 $0xFFFFFF80, v3  }
0x538: {  	v2 =	vor.u32 v2, v3  }
0x539: {  	v2 =	vperm.xlane v2, v0;
	_ =	sdelay $0x1  }
0x53a: {  	v2 =	vadd.s32 v1, v2;
	_ =	sdelay $0x3  }
0x53b: {  	s3 =	simm.s32 $0x2000  }
0x53c: {  	[tilespmem:s3], [sflag:$0x1] =	stream.indirect_vreg.gather [hbm4b:s25+s4], $0x80, v2, vm0, $0xb8;
	[tilespmem:$0x1E000] =	vst v63  }
0x53d: {  	s26 =	simm.s32 $0x2800  }
0x53e: {  	[tilespmem:s26], [sflag:$0x1] =	stream.indirect_vreg.gather [hbm4b:s5+s4], $0x80, v2, vm0, $0xb8;
	[tilespmem:$0x1E000] =	vst v63  }
0x53f: {  	s28 =	simm.s32 $0x3000  }
0x540: {  	[tilespmem:s28], [sflag:$0x1] =	stream.indirect_vreg.gather [hbm4b:s6+s4], $0x80, v2, vm0, $0xb8;
	[tilespmem:$0x1E000] =	vst v63  }
0x541: {  	s20 =	simm.s32 $0x3800  }
0x542: {  	[tilespmem:s20], [sflag:$0x1] =	stream.indirect_vreg.gather [hbm4b:s7+s4], $0x80, v2, vm0, $0xb8;
	[tilespmem:$0x1E000] =	vst v63  }
0x543: {  	s24 =	simm.s32 $0x4000  }
0x544: {  	[tilespmem:s24], [sflag:$0x1] =	stream.indirect_vreg.gather [hbm4b:s8+s4], $0x80, v2, vm0, $0xb8;
	[tilespmem:$0x1E000] =	vst v63  }
0x545: {  	s25 =	simm.s32 $0x4800  }
0x546: {  	[tilespmem:s25], [sflag:$0x1] =	stream.indirect_vreg.gather [hbm4b:s9+s4], $0x80, v2, vm0, $0xb8;
	[tilespmem:$0x1E000] =	vst v63  }
0x547: {  	s2 =	simm.s32 $0x5000  }
0x548: {  	[tilespmem:s2], [sflag:$0x1] =	stream.indirect_vreg.gather [hbm4b:s10+s4], $0x80, v2, vm0, $0xb8;
	[tilespmem:$0x1E000] =	vst v63  }
0x549: {  	s0 =	simm.s32 $0x5;
	s19 =	simm.s32 $0x5800  }
0x54a: {  	[tilespmem:s19], [sflag:$0x1] =	stream.indirect_vreg.gather [hbm4b:s11+s4], $0x80, v2, vm0, $0xb8;
	[tilespmem:$0x1E000] =	vst v63  }
0x54b: {  	_ =	swait.ge [sflag:s0], $0x4000  }
0x54c: {  	[sflag:s0] =	ssyncset.done $0x0  }
0x54d: {  	[sflag:s0] =	ssyncadd.s32 $0xFFFFC000  }
0x54e: {  	v2 =	vld.msk [tilespmem:$0x1B00], $0xff;
	_ =	sdelay $0x4  }
0x54f: {  	v3 =	vshll.u32 v2, $0x4  }
0x550: {  	v2 =	vand.u32 $0x7, v2;
	v3 =	vand.u32 $0xFFFFFF80, v3  }
0x551: {  	v2 =	vor.u32 v2, v3  }
0x552: {  	v2 =	vperm.xlane v2, v0;
	_ =	sdelay $0x1  }
0x553: {  	v2 =	vadd.s32 v1, v2;
	_ =	sdelay $0x3  }
0x554: {  	s0 =	simm.s32 $0x12000  }
0x555: {  	[hbm4b:s1+s4] =	stream.indirect_vreg.scatter [tilespmem:s0], [sflag:$0xC], $0x80, v2, vm0, $0xb8;
	[tilespmem:$0x1E000] =	vst v63  }
0x556: {  	s0 =	simm.s32 $0x12800  }
0x557: {  	[hbm4b:s12+s4] =	stream.indirect_vreg.scatter [tilespmem:s0], [sflag:$0xC], $0x80, v2, vm0, $0xb8;
	[tilespmem:$0x1E000] =	vst v63  }
0x558: {  	s0 =	simm.s32 $0x13000  }
0x559: {  	[hbm4b:s13+s4] =	stream.indirect_vreg.scatter [tilespmem:s0], [sflag:$0xC], $0x80, v2, vm0, $0xb8;
	[tilespmem:$0x1E000] =	vst v63  }
0x55a: {  	s0 =	simm.s32 $0x13800  }
0x55b: {  	[hbm4b:s14+s4] =	stream.indirect_vreg.scatter [tilespmem:s0], [sflag:$0xC], $0x80, v2, vm0, $0xb8;
	[tilespmem:$0x1E000] =	vst v63  }
0x55c: {  	s0 =	simm.s32 $0x14000  }
0x55d: {  	[hbm4b:s15+s4] =	stream.indirect_vreg.scatter [tilespmem:s0], [sflag:$0xC], $0x80, v2, vm0, $0xb8;
	[tilespmem:$0x1E000] =	vst v63  }
0x55e: {  	s0 =	simm.s32 $0x14800  }
0x55f: {  	[hbm4b:s16+s4] =	stream.indirect_vreg.scatter [tilespmem:s0], [sflag:$0xC], $0x80, v2, vm0, $0xb8;
	[tilespmem:$0x1E000] =	vst v63  }
0x560: {  	s0 =	simm.s32 $0x15000  }
0x561: {  	[hbm4b:s17+s4] =	stream.indirect_vreg.scatter [tilespmem:s0], [sflag:$0xC], $0x80, v2, vm0, $0xb8;
	[tilespmem:$0x1E000] =	vst v63  }
0x562: {  	s0 =	simm.s32 $0x15800  }
0x563: {  	[hbm4b:s18+s4] =	stream.indirect_vreg.scatter [tilespmem:s0], [sflag:$0xC], $0x80, v2, vm0, $0xb8;
	[tilespmem:$0x1E000] =	vst v63  }
0x564: {  	s0 =	simm.s32 $0x6  }
0x565: {  	_ =	swait.ge [sflag:s0], $0x4000  }
0x566: {  	[sflag:s0] =	ssyncset.done $0x0  }
0x567: {  	[sflag:s0] =	ssyncadd.s32 $0xFFFFC000  }
0x568: {  	v2 =	vld.msk [tilespmem:$0x1B80], $0xff;
	_ =	sdelay $0x4  }
0x569: {  	v3 =	vshll.u32 v2, $0x4  }
0x56a: {  	v2 =	vand.u32 $0x7, v2;
	v3 =	vand.u32 $0xFFFFFF80, v3  }
0x56b: {  	v2 =	vor.u32 v2, v3  }
0x56c: {  	v2 =	vperm.xlane v2, v0;
	_ =	sdelay $0x1  }
0x56d: {  	v2 =	vadd.s32 v1, v2;
	_ =	sdelay $0x3  }
0x56e: {  	s0 =	simm.s32 $0x16000  }
0x56f: {  	[hbm4b:s1+s4] =	stream.indirect_vreg.scatter [tilespmem:s0], [sflag:$0xD], $0x80, v2, vm0, $0xb8;
	[tilespmem:$0x1E000] =	vst v63  }
0x570: {  	s0 =	simm.s32 $0x16800  }
0x571: {  	[hbm4b:s12+s4] =	stream.indirect_vreg.scatter [tilespmem:s0], [sflag:$0xD], $0x80, v2, vm0, $0xb8;
	[tilespmem:$0x1E000] =	vst v63  }
0x572: {  	s0 =	simm.s32 $0x17000  }
0x573: {  	[hbm4b:s13+s4] =	stream.indirect_vreg.scatter [tilespmem:s0], [sflag:$0xD], $0x80, v2, vm0, $0xb8;
	[tilespmem:$0x1E000] =	vst v63  }
0x574: {  	s0 =	simm.s32 $0x17800  }
0x575: {  	[hbm4b:s14+s4] =	stream.indirect_vreg.scatter [tilespmem:s0], [sflag:$0xD], $0x80, v2, vm0, $0xb8;
	[tilespmem:$0x1E000] =	vst v63  }
0x576: {  	s0 =	simm.s32 $0x18000  }
0x577: {  	[hbm4b:s15+s4] =	stream.indirect_vreg.scatter [tilespmem:s0], [sflag:$0xD], $0x80, v2, vm0, $0xb8;
	[tilespmem:$0x1E000] =	vst v63  }
0x578: {  	s0 =	simm.s32 $0x18800  }
0x579: {  	[hbm4b:s16+s4] =	stream.indirect_vreg.scatter [tilespmem:s0], [sflag:$0xD], $0x80, v2, vm0, $0xb8;
	[tilespmem:$0x1E000] =	vst v63  }
0x57a: {  	s0 =	simm.s32 $0x19000  }
0x57b: {  	[hbm4b:s17+s4] =	stream.indirect_vreg.scatter [tilespmem:s0], [sflag:$0xD], $0x80, v2, vm0, $0xb8;
	[tilespmem:$0x1E000] =	vst v63  }
0x57c: {  	s0 =	simm.s32 $0x19800  }
0x57d: {  	[hbm4b:s18+s4] =	stream.indirect_vreg.scatter [tilespmem:s0], [sflag:$0xD], $0x80, v2, vm0, $0xb8;
	[tilespmem:$0x1E000] =	vst v63  }
0x57e: {  	s0 =	simm.s32 $0x7  }
0x57f: {  	_ =	swait.ge [sflag:s0], $0x4000  }
0x580: {  	[sflag:s0] =	ssyncset.done $0x0  }
0x581: {  	[sflag:s0] =	ssyncadd.s32 $0xFFFFC000  }
0x582: {  	v2 =	vld.msk [tilespmem:$0x1C00], $0xff;
	_ =	sdelay $0x4  }
0x583: {  	v3 =	vshll.u32 v2, $0x4  }
0x584: {  	v2 =	vand.u32 $0x7, v2;
	v3 =	vand.u32 $0xFFFFFF80, v3  }
0x585: {  	v2 =	vor.u32 v2, v3  }
0x586: {  	v2 =	vperm.xlane v2, v0;
	_ =	sdelay $0x1  }
0x587: {  	v2 =	vadd.s32 v1, v2;
	_ =	sdelay $0x4  }
0x588: {  	[hbm4b:s1+s4] =	stream.indirect_vreg.scatter [tilespmem:s30], [sflag:$0xE], $0x80, v2, vm0, $0xb8;
	[tilespmem:$0x1E000] =	vst v63  }
0x589: {  	_ = 	snop  }
0x58a: {  	[hbm4b:s12+s4] =	stream.indirect_vreg.scatter [tilespmem:s21], [sflag:$0xE], $0x80, v2, vm0, $0xb8;
	[tilespmem:$0x1E000] =	vst v63  }
0x58b: {  	_ = 	snop  }
0x58c: {  	[hbm4b:s13+s4] =	stream.indirect_vreg.scatter [tilespmem:s22], [sflag:$0xE], $0x80, v2, vm0, $0xb8;
	[tilespmem:$0x1E000] =	vst v63  }
0x58d: {  	_ = 	snop  }
0x58e: {  	[hbm4b:s14+s4] =	stream.indirect_vreg.scatter [tilespmem:s23], [sflag:$0xE], $0x80, v2, vm0, $0xb8;
	[tilespmem:$0x1E000] =	vst v63  }
0x58f: {  	_ = 	snop  }
0x590: {  	[hbm4b:s15+s4] =	stream.indirect_vreg.scatter [tilespmem:s29], [sflag:$0xE], $0x80, v2, vm0, $0xb8;
	[tilespmem:$0x1E000] =	vst v63  }
0x591: {  	s29 =	simm.s32 $0x1C800  }
0x592: {  	[hbm4b:s16+s4] =	stream.indirect_vreg.scatter [tilespmem:s29], [sflag:$0xE], $0x80, v2, vm0, $0xb8;
	[tilespmem:$0x1E000] =	vst v63  }
0x593: {  	s30 =	simm.s32 $0x1D000  }
0x594: {  	[hbm4b:s17+s4] =	stream.indirect_vreg.scatter [tilespmem:s30], [sflag:$0xE], $0x80, v2, vm0, $0xb8;
	[tilespmem:$0x1E000] =	vst v63  }
0x595: {  	s21 =	simm.s32 $0x1D800;
	s22 =	simm.s32 $0x1  }
0x596: {  	[hbm4b:s18+s4] =	stream.indirect_vreg.scatter [tilespmem:s21], [sflag:$0xE], $0x80, v2, vm0, $0xb8;
	[tilespmem:$0x1E000] =	vst v63  }
0x597: {  	_ =	swait.ge [sflag:s22], $0x4000  }
0x598: {  	[sflag:s22] =	ssyncset.done $0x0  }
0x599: {  	[sflag:s22] =	ssyncadd.s32 $0xFFFFC000  }
0x59a: {  	v2 =	vld.msk [tilespmem:$0x1C80], $0xff;
	_ =	sdelay $0x4  }
0x59b: {  	v3 =	vshll.u32 v2, $0x4  }
0x59c: {  	v2 =	vand.u32 $0x7, v2;
	v3 =	vand.u32 $0xFFFFFF80, v3  }
0x59d: {  	v2 =	vor.u32 v2, v3  }
0x59e: {  	v2 =	vperm.xlane v2, v0;
	_ =	sdelay $0x1  }
0x59f: {  	v2 =	vadd.s32 v1, v2;
	_ =	sdelay $0x4  }
0x5a0: {  	[hbm4b:s1+s4] =	stream.indirect_vreg.scatter [tilespmem:s3], [sflag:$0x8], $0x80, v2, vm0, $0xb8;
	[tilespmem:$0x1E000] =	vst v63  }
0x5a1: {  	_ = 	snop  }
0x5a2: {  	[hbm4b:s12+s4] =	stream.indirect_vreg.scatter [tilespmem:s26], [sflag:$0x8], $0x80, v2, vm0, $0xb8;
	[tilespmem:$0x1E000] =	vst v63  }
0x5a3: {  	_ = 	snop  }
0x5a4: {  	[hbm4b:s13+s4] =	stream.indirect_vreg.scatter [tilespmem:s28], [sflag:$0x8], $0x80, v2, vm0, $0xb8;
	[tilespmem:$0x1E000] =	vst v63  }
0x5a5: {  	_ = 	snop  }
0x5a6: {  	[hbm4b:s14+s4] =	stream.indirect_vreg.scatter [tilespmem:s20], [sflag:$0x8], $0x80, v2, vm0, $0xb8;
	[tilespmem:$0x1E000] =	vst v63  }
0x5a7: {  	_ = 	snop  }
0x5a8: {  	[hbm4b:s15+s4] =	stream.indirect_vreg.scatter [tilespmem:s24], [sflag:$0x8], $0x80, v2, vm0, $0xb8;
	[tilespmem:$0x1E000] =	vst v63  }
0x5a9: {  	_ = 	snop  }
0x5aa: {  	[hbm4b:s16+s4] =	stream.indirect_vreg.scatter [tilespmem:s25], [sflag:$0x8], $0x80, v2, vm0, $0xb8;
	[tilespmem:$0x1E000] =	vst v63  }
0x5ab: {  	_ = 	snop  }
0x5ac: {  	[hbm4b:s17+s4] =	stream.indirect_vreg.scatter [tilespmem:s2], [sflag:$0x8], $0x80, v2, vm0, $0xb8;
	[tilespmem:$0x1E000] =	vst v63  }
0x5ad: {  	s24 =	simm.s32 $0x9  }
0x5ae: {  	[hbm4b:s18+s4] =	stream.indirect_vreg.scatter [tilespmem:s19], [sflag:$0x8], $0x80, v2, vm0, $0xb8;
	[tilespmem:$0x1E000] =	vst v63  }
0x5af: {  	s23 =	rddreg [dreg:$0x5];
	_ =	swait.ge [sflag:s24], $0x4000  }
0x5b0: {  	[sflag:s24] =	ssyncset.done $0x0  }
0x5b1: {  	s25 =	simm.s32 $0xA;
	[sflag:s24] =	ssyncadd.s32 $0xFFFFC000  }
0x5b2: {  	_ =	swait.ge [sflag:s25], $0x4000  }
0x5b3: {  	[sflag:s25] =	ssyncset.done $0x0  }
0x5b4: {  	s26 =	simm.s32 $0xB;
	[sflag:s25] =	ssyncadd.s32 $0xFFFFC000  }
0x5b5: {  	_ =	swait.ge [sflag:s26], $0x4000  }
0x5b6: {  	[sflag:s26] =	ssyncset.done $0x0  }
0x5b7: {  	s28 =	simm.s32 $0xC;
	[sflag:s26] =	ssyncadd.s32 $0xFFFFC000  }
0x5b8: {  	_ =	swait.ge [sflag:s28], $0x4000  }
0x5b9: {  	[sflag:s28] =	ssyncset.done $0x0  }
0x5ba: {  	s29 =	simm.s32 $0xD;
	[sflag:s28] =	ssyncadd.s32 $0xFFFFC000  }
0x5bb: {  	_ =	swait.ge [sflag:s29], $0x4000  }
0x5bc: {  	[sflag:s29] =	ssyncset.done $0x0  }
0x5bd: {  	s30 =	simm.s32 $0xE;
	[sflag:s29] =	ssyncadd.s32 $0xFFFFC000  }
0x5be: {  	p0 =	sne.s32 s23, $0x1;
	_ =	swait.ge [sflag:s30], $0x4000  }
.Ltmp0:
0x5bf: {  	[sflag:s30] =	ssyncset.done $0x0;
	(pc) =	sbr.rel @p0 .LBB2_1-.Ltmp0, $4  }
0x5c0: {  	s31 =	simm.s32 $0x8;
	[sflag:s30] =	ssyncadd.s32 $0xFFFFC000  }
0x5c1: {  	_ =	swait.ge [sflag:s31], $0x4000  }
0x5c2: {  	[sflag:s31] =	ssyncset.done $0x0  }
0x5c3: {  	s3 =	sadd.s32 $0xFFFFFFFF, s23;
	[sflag:s31] =	ssyncadd.s32 $0xFFFFC000  }
0x5c4: {  	_ =	sfence.sel $0x180000  }
0x5c5: {  	[bflag:$0x0] =	sbarrier.arrive $0xFFFF  }
0x5c6: {  	_ =	strace $0x90000047  }
0x5c7: {  	s0 =	stileid.u32;
	[bflag:$0x2] =	sbarrier.arrive $0xFFFF  }
0x5c8: {  	p0 =	sne.s32 s0, $0x0;
	s0 =	rddreg [dreg:$0x3]  }
0x5c9: {  	s0 =	sadd.s32 @!p0 $0x100000, s0  }
0x5ca: {  	[sflag:s0] =	ssyncadd.tile.s32 @!p0 $0x1;
	_ =	shalt  }
.Lfunc_end2:
_tile_overlayer_lowered:
.L_overlay_start_2:
0x5cb: {  	(tag) =	ssettag $0x2  }
0x5cc: {  	s0 =	rddreg [dreg:$0x0];
	s2 =	stileid.u32  }
0x5cd: {  	s1 =	rddreg [dreg:$0x1];
	p0 =	sne.s32 s2, $0x0  }
0x5ce: {  	s3 =	rddreg [dreg:$0x2];
	[bflag:$0x3] =	sbarrier.arrive $0xFFFF;
	s2 =	simm.s32 @!p0 $0x1C0F  }
0x5cf: {  	[timem:s3], [sflag:s2] =	dma.local @!p0 [hbm:s0], s1  }
0x5d0: {  	s0 =	simm.s32 @!p0 $0xF  }
0x5d1: {  	_ =	swait.ge @!p0 [sflag:s0], s1  }
0x5d2: {  	s1 =	ssub.s32 @!p0 $0x0, s1;
	[sflag:s0] =	ssyncset.done @!p0 $0x0  }
0x5d3: {  	[sflag:s0] =	ssyncadd.s32 @!p0 s1  }
0x5d4: {  	[bflag:$0x3] =	sbarrier.arrive $0xFFFF  }
0x5d5: {  	_ =	shalt  }

</sc_bundles>
